<compile_context>
chip_gen: v7x
topology: tpu7x:2x2x1
jax: 0.10.2.dev20260603
libtpu: 0.0.44.dev20260713+nightly
codegen_flags: <defaults>
</compile_context>

<pallas_src>
import jax
import jax.numpy as jnp
from jax import lax
from jax.experimental import pallas as pl
from jax.experimental.pallas import tpu as pltpu
from jax.experimental.pallas import tpu_sc as plsc

HIDDEN = 64
SEQ = 200
BATCH = 4096
NUM_WORKERS = 32
BPW = BATCH // NUM_WORKERS
HT = HIDDEN // 8
DEPTH = 4
AHEAD = 3
PITCH = 129


def _splat(x):
    return jnp.full((16,), x, dtype=jnp.int32)


def _combine(rows, stg, pos_v, s):
    iota = lax.iota(jnp.int32, 16)
    th_c = [jax.lax.shift_right_logical(iota + c * 16, 3)
            for c in range(HIDDEN // 16)]
    hl_c = [jax.lax.bitwise_and(iota + c * 16, 7)
            for c in range(HIDDEN // 16)]
    pos_c = [pos_v[s, pl.ds(c * 16, 16)] for c in range(HIDDEN // 16)]

    def b_body(b, carry):
        b_vec = _splat(b)
        for c in range(HIDDEN // 16):
            v = jnp.maximum(rows[b, pl.ds(c * 16, 16)] + pos_c[c], 0.0)
            plsc.store_scatter(stg, [th_c[c], hl_c[c], b_vec], v)
        return carry

    lax.fori_loop(0, BPW, b_body, 0, unroll=4)


def _sc_body(idx_hbm, wtab_hbm, ptab_hbm, out_hbm,
             idx_all, rows, stg, pos_v, *sems):
    nc = 2
    wid = lax.axis_index("s") * nc + lax.axis_index("c")
    semg = sems[:DEPTH]
    semo = sems[DEPTH:]

    pltpu.sync_copy(ptab_hbm, pos_v)
    pltpu.sync_copy(idx_hbm.at[:, pl.ds(wid * BPW, BPW)], idx_all)

    def stg_out_view(slot):
        return stg.at[slot].at[:, :, pl.ds(0, 128)]

    def start_gather(slot, sem, s):
        pltpu.async_copy(wtab_hbm.at[idx_all.at[s]], rows.at[slot], sem)

    def drain_gather(slot, sem):
        pltpu.make_async_copy(wtab_hbm.at[pl.ds(0, BPW)], rows.at[slot],
                              sem).wait()

    def drain_out(slot, sem):
        pltpu.make_async_copy(out_hbm.at[0, :, 0], stg_out_view(slot),
                              sem).wait()

    for p in range(AHEAD):
        start_gather(p, semg[p], p)

    def quad_body(t, carry):
        s0 = DEPTH * t
        for par in range(DEPTH):
            s = s0 + par
            nxt = s + AHEAD
            nxt = jnp.where(nxt >= SEQ, nxt - SEQ, nxt)
            nslot = (par + AHEAD) % DEPTH
            start_gather(nslot, semg[nslot], nxt)
            drain_gather(par, semg[par])
            @pl.when(s >= DEPTH)
            def _():
                drain_out(par, semo[par])
            _combine(rows.at[par], stg.at[par], pos_v, s)
            pltpu.async_copy(stg_out_view(par), out_hbm.at[s, :, wid],
                             semo[par])
        return carry

    lax.fori_loop(0, SEQ // DEPTH, quad_body, 0)

    for p in range(AHEAD):
        drain_gather(p, semg[p])
    for p in range(DEPTH):
        drain_out(p, semo[p])


@jax.jit
def kernel(input_seq, word_table, pos_table):
    batch, seq = input_seq.shape
    idx_t = jnp.swapaxes(input_seq, 0, 1).astype(jnp.int32)

    mesh = plsc.VectorSubcoreMesh(core_axis_name="c", subcore_axis_name="s")
    run = pl.kernel(
        _sc_body,
        out_type=jax.ShapeDtypeStruct((SEQ, HT, NUM_WORKERS, 8, 128),
                                      jnp.float32),
        mesh=mesh,
        scratch_types=(
            [pltpu.VMEM((SEQ, BPW), jnp.int32),
             pltpu.VMEM((DEPTH, BPW, HIDDEN), jnp.float32),
             pltpu.VMEM((DEPTH, HT, 8, PITCH), jnp.float32),
             pltpu.VMEM((SEQ, HIDDEN), jnp.float32)]
            + [pltpu.SemaphoreType.DMA] * (2 * DEPTH)
        ),
        compiler_params=pltpu.CompilerParams(use_tc_tiling_on_sc=False,
                                             needs_layout_passes=False),
    )
    out5d = run(idx_t, word_table, pos_table)
    return out5d.transpose(2, 4, 0, 1, 3).reshape(batch, seq, HIDDEN)

# --- scband reference (transcript-rebuilt; emitter-appended) ---
"""Pipeline reference for scband-positional-embedding-11055245819982 (READ-ONLY COPY).

The authoritative reference and input builder live on the scoring server;
editing this copy changes nothing except your own understanding.
"""

import jax, jax.numpy as jnp
import numpy as np

VOCAB = 1000000
HIDDEN = 64
MAX_SEQ = 200
BATCH = 4096
SEQ = 200

def setup_inputs(seed: int = 0) -> dict:
    key = jax.random.key(seed)
    k1, k2, k3 = jax.random.split(key, 3)
    input_seq = jax.random.randint(k1, (BATCH, SEQ), 0, VOCAB, dtype=jnp.int64 if jax.config.jax_enable_x64 else jnp.int32)
    word_table = jax.random.normal(k2, (VOCAB, HIDDEN), dtype=jnp.float32) * 0.02
    pos_table = jax.random.normal(k3, (MAX_SEQ, HIDDEN), dtype=jnp.float32) * 0.02
    return {"input_seq": input_seq, "word_table": word_table, "pos_table": pos_table}

def reference(input_seq, word_table, pos_table):
    # word embedding gather
    w_embedding = jnp.take(word_table, input_seq, axis=0)  # [B, S, H]
    # positional embedding: arange over last dim of input_seq
    position = jnp.arange(input_seq.shape[-1])[None, :]  # [1, S]
    p_embedding = jnp.take(pos_table, position, axis=0)  # [1, S, H]
    embedding = w_embedding + p_embedding
    embedding = jax.nn.relu(embedding)
    # dropout is identity in inference/eval mode
    return embedding

if __name__ == "__main__":
    import jax
    _d = setup_inputs()
    print(jax.jit(kernel)(*tuple(_d.values())))

</pallas_src>

<mosaic_0001>
#map = affine_map<(d0, d1) -> (0, 0)>
#map1 = affine_map<(d0, d1) -> (0, 0, 0, 0, 0)>
module attributes {stable_mosaic.version = 14 : i64} {
  func.func @_sc_body(%arg0: i32, %arg1: i32, %arg2: memref<200x4096xi32, #tpu.memory_space<hbm>>, %arg3: memref<1000000x64xf32, #tpu.memory_space<hbm>>, %arg4: memref<200x64xf32, #tpu.memory_space<hbm>>, %arg5: memref<200x8x32x8x128xf32, #tpu.memory_space<hbm>>, %arg6: memref<200x128xi32, #tpu.memory_space<vmem>>, %arg7: memref<4x128x64xf32, #tpu.memory_space<vmem>>, %arg8: memref<4x8x8x129xf32, #tpu.memory_space<vmem>>, %arg9: memref<200x64xf32, #tpu.memory_space<vmem>>, %arg10: memref<!tpu.dma_semaphore, #tpu.memory_space<semaphore_mem>>, %arg11: memref<!tpu.dma_semaphore, #tpu.memory_space<semaphore_mem>>, %arg12: memref<!tpu.dma_semaphore, #tpu.memory_space<semaphore_mem>>, %arg13: memref<!tpu.dma_semaphore, #tpu.memory_space<semaphore_mem>>, %arg14: memref<!tpu.dma_semaphore, #tpu.memory_space<semaphore_mem>>, %arg15: memref<!tpu.dma_semaphore, #tpu.memory_space<semaphore_mem>>, %arg16: memref<!tpu.dma_semaphore, #tpu.memory_space<semaphore_mem>>, %arg17: memref<!tpu.dma_semaphore, #tpu.memory_space<semaphore_mem>>) attributes {dimension_semantics = [#tpu.dimension_semantics<core_parallel>, #tpu.dimension_semantics<subcore_parallel>], iteration_bounds = array<i64: 2, 16>, scalar_prefetch = 0 : i64, scratch_operands = 12 : i64, tpu.core_type = #tpu.core_type<sc_vector_subcore>, window_params = [{transform_indices = #map}, {transform_indices = #map}, {transform_indices = #map}, {transform_indices = #map1}]} {
    %mul3A = arith.constant 2 : i32
    %mul3A_0 = arith.muli %arg1, %mul3A : i32
    %add3A = arith.addi %mul3A_0, %arg0 : i32
    "tpu.region"() ({
      %run_scoped3A = tpu.sem_alloc : memref<!tpu.dma_semaphore, #tpu.memory_space<semaphore_mem>>
      tpu.enqueue_dma source(%arg4 : memref<200x64xf32, #tpu.memory_space<hbm>>) target(%arg9 : memref<200x64xf32, #tpu.memory_space<vmem>>) target_semaphore(%run_scoped3A : memref<!tpu.dma_semaphore, #tpu.memory_space<semaphore_mem>>)
      tpu.wait_dma2 semaphore(%run_scoped3A : memref<!tpu.dma_semaphore, #tpu.memory_space<semaphore_mem>>) src(%arg4 : memref<200x64xf32, #tpu.memory_space<hbm>>) dst(%arg9 : memref<200x64xf32, #tpu.memory_space<vmem>>)
      tpu.yield
    }) : () -> ()
    %mul3A_1 = arith.constant 128 : i32
    %mul3A_2 = arith.muli %add3A, %mul3A_1 : i32
    "tpu.region"() ({
      %run_scoped3A = tpu.sem_alloc : memref<!tpu.dma_semaphore, #tpu.memory_space<semaphore_mem>>
      %dma_start3A_211 = arith.constant 0 : i32
      %dma_start3A_212 = tpu.memref_slice %arg2[%dma_start3A_211, %mul3A_2] : memref<200x4096xi32, #tpu.memory_space<hbm>> -> memref<200x128xi32, #tpu.memory_space<hbm>>
      %dma_start3A_213 = arith.constant 0 : i32
      %dma_start3A_214 = tpu.memref_slice %arg2[%dma_start3A_213, %mul3A_2] : memref<200x4096xi32, #tpu.memory_space<hbm>> -> memref<200x128xi32, #tpu.memory_space<hbm>>
      tpu.enqueue_dma source(%dma_start3A_214 : memref<200x128xi32, #tpu.memory_space<hbm>>) target(%arg6 : memref<200x128xi32, #tpu.memory_space<vmem>>) target_semaphore(%run_scoped3A : memref<!tpu.dma_semaphore, #tpu.memory_space<semaphore_mem>>)
      %dma_wait3A_215 = arith.constant 0 : i32
      %dma_wait3A_216 = tpu.memref_slice %arg2[%dma_wait3A_215, %mul3A_2] : memref<200x4096xi32, #tpu.memory_space<hbm>> -> memref<200x128xi32, #tpu.memory_space<hbm>>
      %dma_wait3A_217 = arith.constant 0 : i32
      %dma_wait3A_218 = tpu.memref_slice %arg2[%dma_wait3A_217, %mul3A_2] : memref<200x4096xi32, #tpu.memory_space<hbm>> -> memref<200x128xi32, #tpu.memory_space<hbm>>
      tpu.wait_dma2 semaphore(%run_scoped3A : memref<!tpu.dma_semaphore, #tpu.memory_space<semaphore_mem>>) src(%dma_wait3A_218 : memref<200x128xi32, #tpu.memory_space<hbm>>) dst(%arg6 : memref<200x128xi32, #tpu.memory_space<vmem>>)
      tpu.yield
    }) : () -> ()
    %dma_start3A = arith.constant 0 : i32
    %dma_start3A_3 = arith.constant 0 : i32
    %dma_start3A_4 = arith.constant 0 : i32
    %dma_start3A_5 = arith.constant 0 : i32
    %dma_start3A_6 = tpu.memref_slice %arg7[%dma_start3A_3, %dma_start3A_4, %dma_start3A_5] : memref<4x128x64xf32, #tpu.memory_space<vmem>> -> memref<1x128x64xf32, #tpu.memory_space<vmem>>
    %dma_start3A_7 = tpu.memref_squeeze %dma_start3A_6 : memref<1x128x64xf32, #tpu.memory_space<vmem>> -> memref<128x64xf32, #tpu.memory_space<vmem>>
    %dma_start3A_8 = arith.constant 0 : i32
    %dma_start3A_9 = tpu.memref_slice %arg6[%dma_start3A, %dma_start3A_8] : memref<200x128xi32, #tpu.memory_space<vmem>> -> memref<1x128xi32, #tpu.memory_space<vmem>>
    %dma_start3A_10 = tpu.memref_squeeze %dma_start3A_9 : memref<1x128xi32, #tpu.memory_space<vmem>> -> memref<128xi32, #tpu.memory_space<vmem>>
    %dma_start3A_11 = arith.constant 0 : i32
    %dma_start3A_12 = arith.constant 0 : i32
    %dma_start3A_13 = tpu.memref_slice %arg3[%dma_start3A_11, %dma_start3A_12] : memref<1000000x64xf32, #tpu.memory_space<hbm>> -> memref<1000000x64xf32, #tpu.memory_space<hbm>>
    tpu.enqueue_indirect_dma source(%dma_start3A_13 : memref<1000000x64xf32, #tpu.memory_space<hbm>>) target(%dma_start3A_7 : memref<128x64xf32, #tpu.memory_space<vmem>>) offsets(%dma_start3A_10 : memref<128xi32, #tpu.memory_space<vmem>>) semaphore(%arg10 : memref<!tpu.dma_semaphore, #tpu.memory_space<semaphore_mem>>)
    %dma_start3A_14 = arith.constant 1 : i32
    %dma_start3A_15 = arith.constant 1 : i32
    %dma_start3A_16 = arith.constant 0 : i32
    %dma_start3A_17 = arith.constant 0 : i32
    %dma_start3A_18 = tpu.memref_slice %arg7[%dma_start3A_15, %dma_start3A_16, %dma_start3A_17] : memref<4x128x64xf32, #tpu.memory_space<vmem>> -> memref<1x128x64xf32, #tpu.memory_space<vmem>>
    %dma_start3A_19 = tpu.memref_squeeze %dma_start3A_18 : memref<1x128x64xf32, #tpu.memory_space<vmem>> -> memref<128x64xf32, #tpu.memory_space<vmem>>
    %dma_start3A_20 = arith.constant 0 : i32
    %dma_start3A_21 = tpu.memref_slice %arg6[%dma_start3A_14, %dma_start3A_20] : memref<200x128xi32, #tpu.memory_space<vmem>> -> memref<1x128xi32, #tpu.memory_space<vmem>>
    %dma_start3A_22 = tpu.memref_squeeze %dma_start3A_21 : memref<1x128xi32, #tpu.memory_space<vmem>> -> memref<128xi32, #tpu.memory_space<vmem>>
    %dma_start3A_23 = arith.constant 0 : i32
    %dma_start3A_24 = arith.constant 0 : i32
    %dma_start3A_25 = tpu.memref_slice %arg3[%dma_start3A_23, %dma_start3A_24] : memref<1000000x64xf32, #tpu.memory_space<hbm>> -> memref<1000000x64xf32, #tpu.memory_space<hbm>>
    tpu.enqueue_indirect_dma source(%dma_start3A_25 : memref<1000000x64xf32, #tpu.memory_space<hbm>>) target(%dma_start3A_19 : memref<128x64xf32, #tpu.memory_space<vmem>>) offsets(%dma_start3A_22 : memref<128xi32, #tpu.memory_space<vmem>>) semaphore(%arg11 : memref<!tpu.dma_semaphore, #tpu.memory_space<semaphore_mem>>)
    %dma_start3A_26 = arith.constant 2 : i32
    %dma_start3A_27 = arith.constant 2 : i32
    %dma_start3A_28 = arith.constant 0 : i32
    %dma_start3A_29 = arith.constant 0 : i32
    %dma_start3A_30 = tpu.memref_slice %arg7[%dma_start3A_27, %dma_start3A_28, %dma_start3A_29] : memref<4x128x64xf32, #tpu.memory_space<vmem>> -> memref<1x128x64xf32, #tpu.memory_space<vmem>>
    %dma_start3A_31 = tpu.memref_squeeze %dma_start3A_30 : memref<1x128x64xf32, #tpu.memory_space<vmem>> -> memref<128x64xf32, #tpu.memory_space<vmem>>
    %dma_start3A_32 = arith.constant 0 : i32
    %dma_start3A_33 = tpu.memref_slice %arg6[%dma_start3A_26, %dma_start3A_32] : memref<200x128xi32, #tpu.memory_space<vmem>> -> memref<1x128xi32, #tpu.memory_space<vmem>>
    %dma_start3A_34 = tpu.memref_squeeze %dma_start3A_33 : memref<1x128xi32, #tpu.memory_space<vmem>> -> memref<128xi32, #tpu.memory_space<vmem>>
    %dma_start3A_35 = arith.constant 0 : i32
    %dma_start3A_36 = arith.constant 0 : i32
    %dma_start3A_37 = tpu.memref_slice %arg3[%dma_start3A_35, %dma_start3A_36] : memref<1000000x64xf32, #tpu.memory_space<hbm>> -> memref<1000000x64xf32, #tpu.memory_space<hbm>>
    tpu.enqueue_indirect_dma source(%dma_start3A_37 : memref<1000000x64xf32, #tpu.memory_space<hbm>>) target(%dma_start3A_31 : memref<128x64xf32, #tpu.memory_space<vmem>>) offsets(%dma_start3A_34 : memref<128xi32, #tpu.memory_space<vmem>>) semaphore(%arg12 : memref<!tpu.dma_semaphore, #tpu.memory_space<semaphore_mem>>)
    %scan3A = arith.constant 0 : i32
    %scan3A_38 = arith.constant 0 : i32
    %scan3A_39 = arith.constant 50 : i32
    %scan3A_40 = arith.addi %scan3A_38, %scan3A_39 : i32
    %scan3A_41 = arith.constant 1 : i32
    scf.for %scan3A_211 = %scan3A_38 to %scan3A_40 step %scan3A_41  : i32 {
      %mul3A_212 = arith.constant 4 : i32
      %mul3A_213 = arith.muli %mul3A_212, %scan3A_211 : i32
      %add3A_214 = arith.constant 0 : i32
      %add3A_215 = arith.addi %mul3A_213, %add3A_214 : i32
      %add3A_216 = arith.constant 3 : i32
      %add3A_217 = arith.addi %add3A_215, %add3A_216 : i32
      %ge3A = arith.constant 200 : i32
      %ge3A_218 = arith.cmpi sge, %add3A_217, %ge3A : i32
      %sub3A = arith.constant 200 : i32
      %sub3A_219 = arith.subi %add3A_217, %sub3A : i32
      %select_n3A = arith.select %ge3A_218, %sub3A_219, %add3A_217 : i32
      %dma_start3A_220 = arith.constant 3 : i32
      %dma_start3A_221 = arith.constant 0 : i32
      %dma_start3A_222 = arith.constant 0 : i32
      %dma_start3A_223 = tpu.memref_slice %arg7[%dma_start3A_220, %dma_start3A_221, %dma_start3A_222] : memref<4x128x64xf32, #tpu.memory_space<vmem>> -> memref<1x128x64xf32, #tpu.memory_space<vmem>>
      %dma_start3A_224 = tpu.memref_squeeze %dma_start3A_223 : memref<1x128x64xf32, #tpu.memory_space<vmem>> -> memref<128x64xf32, #tpu.memory_space<vmem>>
      %dma_start3A_225 = arith.constant 0 : i32
      %dma_start3A_226 = tpu.memref_slice %arg6[%select_n3A, %dma_start3A_225] : memref<200x128xi32, #tpu.memory_space<vmem>> -> memref<1x128xi32, #tpu.memory_space<vmem>>
      %dma_start3A_227 = tpu.memref_squeeze %dma_start3A_226 : memref<1x128xi32, #tpu.memory_space<vmem>> -> memref<128xi32, #tpu.memory_space<vmem>>
      %dma_start3A_228 = arith.constant 0 : i32
      %dma_start3A_229 = arith.constant 0 : i32
      %dma_start3A_230 = tpu.memref_slice %arg3[%dma_start3A_228, %dma_start3A_229] : memref<1000000x64xf32, #tpu.memory_space<hbm>> -> memref<1000000x64xf32, #tpu.memory_space<hbm>>
      tpu.enqueue_indirect_dma source(%dma_start3A_230 : memref<1000000x64xf32, #tpu.memory_space<hbm>>) target(%dma_start3A_224 : memref<128x64xf32, #tpu.memory_space<vmem>>) offsets(%dma_start3A_227 : memref<128xi32, #tpu.memory_space<vmem>>) semaphore(%arg13 : memref<!tpu.dma_semaphore, #tpu.memory_space<semaphore_mem>>)
      %dma_wait3A_231 = arith.constant 0 : i32
      %dma_wait3A_232 = arith.constant 0 : i32
      %dma_wait3A_233 = arith.constant 0 : i32
      %dma_wait3A_234 = tpu.memref_slice %arg7[%dma_wait3A_231, %dma_wait3A_232, %dma_wait3A_233] : memref<4x128x64xf32, #tpu.memory_space<vmem>> -> memref<1x128x64xf32, #tpu.memory_space<vmem>>
      %dma_wait3A_235 = tpu.memref_squeeze %dma_wait3A_234 : memref<1x128x64xf32, #tpu.memory_space<vmem>> -> memref<128x64xf32, #tpu.memory_space<vmem>>
      %dma_wait3A_236 = arith.constant 0 : i32
      %dma_wait3A_237 = arith.constant 0 : i32
      %dma_wait3A_238 = tpu.memref_slice %arg3[%dma_wait3A_236, %dma_wait3A_237] : memref<1000000x64xf32, #tpu.memory_space<hbm>> -> memref<128x64xf32, #tpu.memory_space<hbm>>
      %dma_wait3A_239 = arith.constant 0 : i32
      %dma_wait3A_240 = arith.constant 0 : i32
      %dma_wait3A_241 = tpu.memref_slice %arg7[%dma_wait3A_231, %dma_wait3A_239, %dma_wait3A_240] : memref<4x128x64xf32, #tpu.memory_space<vmem>> -> memref<1x128x64xf32, #tpu.memory_space<vmem>>
      %dma_wait3A_242 = tpu.memref_squeeze %dma_wait3A_241 : memref<1x128x64xf32, #tpu.memory_space<vmem>> -> memref<128x64xf32, #tpu.memory_space<vmem>>
      %dma_wait3A_243 = arith.constant 0 : i32
      %dma_wait3A_244 = arith.constant 0 : i32
      %dma_wait3A_245 = tpu.memref_slice %arg3[%dma_wait3A_243, %dma_wait3A_244] : memref<1000000x64xf32, #tpu.memory_space<hbm>> -> memref<128x64xf32, #tpu.memory_space<hbm>>
      tpu.wait_dma2 semaphore(%arg10 : memref<!tpu.dma_semaphore, #tpu.memory_space<semaphore_mem>>) src(%dma_wait3A_245 : memref<128x64xf32, #tpu.memory_space<hbm>>) dst(%dma_wait3A_242 : memref<128x64xf32, #tpu.memory_space<vmem>>)
      %ge3A_246 = arith.constant 4 : i32
      %ge3A_247 = arith.cmpi sge, %add3A_215, %ge3A_246 : i32
      %convert_element_type3A = arith.extui %ge3A_247 : i1 to i32
      %cond3A = arith.constant 0 : i32
      %cond3A_248 = arith.cmpi ne, %convert_element_type3A, %cond3A : i32
      scf.if %cond3A_248 {
        %dma_wait3A_757 = arith.constant 0 : i32
        %dma_wait3A_758 = arith.constant 0 : i32
        %dma_wait3A_759 = arith.constant 0 : i32
        %dma_wait3A_760 = arith.constant 0 : i32
        %dma_wait3A_761 = arith.constant 0 : i32
        %dma_wait3A_762 = arith.constant 0 : i32
        %dma_wait3A_763 = tpu.memref_slice %arg8[%dma_wait3A_759, %dma_wait3A_760, %dma_wait3A_761, %dma_wait3A_762] : memref<4x8x8x129xf32, #tpu.memory_space<vmem>> -> memref<1x8x8x129xf32, #tpu.memory_space<vmem>>
        %dma_wait3A_764 = tpu.memref_squeeze %dma_wait3A_763 : memref<1x8x8x129xf32, #tpu.memory_space<vmem>> -> memref<8x8x129xf32, #tpu.memory_space<vmem>>
        %dma_wait3A_765 = arith.constant 0 : i32
        %dma_wait3A_766 = arith.constant 0 : i32
        %dma_wait3A_767 = arith.constant 0 : i32
        %dma_wait3A_768 = tpu.memref_slice %dma_wait3A_764[%dma_wait3A_765, %dma_wait3A_766, %dma_wait3A_767] : memref<8x8x129xf32, #tpu.memory_space<vmem>> -> memref<8x8x128xf32, #tpu.memory_space<vmem>>
        %dma_wait3A_769 = arith.constant 0 : i32
        %dma_wait3A_770 = arith.constant 0 : i32
        %dma_wait3A_771 = arith.constant 0 : i32
        %dma_wait3A_772 = tpu.memref_slice %arg5[%dma_wait3A_757, %dma_wait3A_769, %dma_wait3A_758, %dma_wait3A_770, %dma_wait3A_771] : memref<200x8x32x8x128xf32, #tpu.memory_space<hbm>> -> memref<1x8x1x8x128xf32, #tpu.memory_space<hbm>>
        %dma_wait3A_773 = tpu.memref_squeeze %dma_wait3A_772 : memref<1x8x1x8x128xf32, #tpu.memory_space<hbm>> -> memref<8x8x128xf32, #tpu.memory_space<hbm>>
        %dma_wait3A_774 = arith.constant 0 : i32
        %dma_wait3A_775 = arith.constant 0 : i32
        %dma_wait3A_776 = arith.constant 0 : i32
        %dma_wait3A_777 = tpu.memref_slice %arg8[%dma_wait3A_759, %dma_wait3A_774, %dma_wait3A_775, %dma_wait3A_776] : memref<4x8x8x129xf32, #tpu.memory_space<vmem>> -> memref<1x8x8x129xf32, #tpu.memory_space<vmem>>
        %dma_wait3A_778 = tpu.memref_squeeze %dma_wait3A_777 : memref<1x8x8x129xf32, #tpu.memory_space<vmem>> -> memref<8x8x129xf32, #tpu.memory_space<vmem>>
        %dma_wait3A_779 = arith.constant 0 : i32
        %dma_wait3A_780 = arith.constant 0 : i32
        %dma_wait3A_781 = arith.constant 0 : i32
        %dma_wait3A_782 = tpu.memref_slice %dma_wait3A_778[%dma_wait3A_779, %dma_wait3A_780, %dma_wait3A_781] : memref<8x8x129xf32, #tpu.memory_space<vmem>> -> memref<8x8x128xf32, #tpu.memory_space<vmem>>
        %dma_wait3A_783 = arith.constant 0 : i32
        %dma_wait3A_784 = arith.constant 0 : i32
        %dma_wait3A_785 = arith.constant 0 : i32
        %dma_wait3A_786 = tpu.memref_slice %arg5[%dma_wait3A_757, %dma_wait3A_783, %dma_wait3A_758, %dma_wait3A_784, %dma_wait3A_785] : memref<200x8x32x8x128xf32, #tpu.memory_space<hbm>> -> memref<1x8x1x8x128xf32, #tpu.memory_space<hbm>>
        %dma_wait3A_787 = tpu.memref_squeeze %dma_wait3A_786 : memref<1x8x1x8x128xf32, #tpu.memory_space<hbm>> -> memref<8x8x128xf32, #tpu.memory_space<hbm>>
        tpu.wait_dma2 semaphore(%arg14 : memref<!tpu.dma_semaphore, #tpu.memory_space<semaphore_mem>>) src(%dma_wait3A_787 : memref<8x8x128xf32, #tpu.memory_space<hbm>>) dst(%dma_wait3A_782 : memref<8x8x128xf32, #tpu.memory_space<vmem>>)
      } else {
      }
      %iota3A = tpu.iota {dimensions = array<i32: 0>} : vector<16xi32>
      %add3A_249 = arith.constant 0 : i32
      %add3A_250 = vector.broadcast %add3A_249 : i32 to vector<16xi32>
      %add3A_251 = arith.addi %iota3A, %add3A_250 : vector<16xi32>
      %shift_right_logical3A = arith.constant 3 : i32
      %shift_right_logical3A_252 = vector.broadcast %shift_right_logical3A : i32 to vector<16xi32>
      %shift_right_logical3A_253 = arith.shrui %add3A_251, %shift_right_logical3A_252 : vector<16xi32>
      %add3A_254 = arith.constant 16 : i32
      %add3A_255 = vector.broadcast %add3A_254 : i32 to vector<16xi32>
      %add3A_256 = arith.addi %iota3A, %add3A_255 : vector<16xi32>
      %shift_right_logical3A_257 = arith.constant 3 : i32
      %shift_right_logical3A_258 = vector.broadcast %shift_right_logical3A_257 : i32 to vector<16xi32>
      %shift_right_logical3A_259 = arith.shrui %add3A_256, %shift_right_logical3A_258 : vector<16xi32>
      %add3A_260 = arith.constant 32 : i32
      %add3A_261 = vector.broadcast %add3A_260 : i32 to vector<16xi32>
      %add3A_262 = arith.addi %iota3A, %add3A_261 : vector<16xi32>
      %shift_right_logical3A_263 = arith.constant 3 : i32
      %shift_right_logical3A_264 = vector.broadcast %shift_right_logical3A_263 : i32 to vector<16xi32>
      %shift_right_logical3A_265 = arith.shrui %add3A_262, %shift_right_logical3A_264 : vector<16xi32>
      %add3A_266 = arith.constant 48 : i32
      %add3A_267 = vector.broadcast %add3A_266 : i32 to vector<16xi32>
      %add3A_268 = arith.addi %iota3A, %add3A_267 : vector<16xi32>
      %shift_right_logical3A_269 = arith.constant 3 : i32
      %shift_right_logical3A_270 = vector.broadcast %shift_right_logical3A_269 : i32 to vector<16xi32>
      %shift_right_logical3A_271 = arith.shrui %add3A_268, %shift_right_logical3A_270 : vector<16xi32>
      %add3A_272 = arith.constant 0 : i32
      %add3A_273 = vector.broadcast %add3A_272 : i32 to vector<16xi32>
      %add3A_274 = arith.addi %iota3A, %add3A_273 : vector<16xi32>
      %and3A = arith.constant 7 : i32
      %and3A_275 = vector.broadcast %and3A : i32 to vector<16xi32>
      %and3A_276 = arith.andi %add3A_274, %and3A_275 : vector<16xi32>
      %add3A_277 = arith.constant 16 : i32
      %add3A_278 = vector.broadcast %add3A_277 : i32 to vector<16xi32>
      %add3A_279 = arith.addi %iota3A, %add3A_278 : vector<16xi32>
      %and3A_280 = arith.constant 7 : i32
      %and3A_281 = vector.broadcast %and3A_280 : i32 to vector<16xi32>
      %and3A_282 = arith.andi %add3A_279, %and3A_281 : vector<16xi32>
      %add3A_283 = arith.constant 32 : i32
      %add3A_284 = vector.broadcast %add3A_283 : i32 to vector<16xi32>
      %add3A_285 = arith.addi %iota3A, %add3A_284 : vector<16xi32>
      %and3A_286 = arith.constant 7 : i32
      %and3A_287 = vector.broadcast %and3A_286 : i32 to vector<16xi32>
      %and3A_288 = arith.andi %add3A_285, %and3A_287 : vector<16xi32>
      %add3A_289 = arith.constant 48 : i32
      %add3A_290 = vector.broadcast %add3A_289 : i32 to vector<16xi32>
      %add3A_291 = arith.addi %iota3A, %add3A_290 : vector<16xi32>
      %and3A_292 = arith.constant 7 : i32
      %and3A_293 = vector.broadcast %and3A_292 : i32 to vector<16xi32>
      %and3A_294 = arith.andi %add3A_291, %and3A_293 : vector<16xi32>
      %get3A = arith.index_cast %add3A_215 : i32 to index
      %get3A_295 = arith.constant 0 : index
      %get3A_296 = tpu.vector_load %arg9[%get3A, %get3A_295] {strides = array<i32>} : memref<200x64xf32, #tpu.memory_space<vmem>>, vector<16xf32>,
      %get3A_297 = arith.index_cast %add3A_215 : i32 to index
      %get3A_298 = arith.constant 16 : index
      %get3A_299 = tpu.vector_load %arg9[%get3A_297, %get3A_298] {strides = array<i32>} : memref<200x64xf32, #tpu.memory_space<vmem>>, vector<16xf32>,
      %get3A_300 = arith.index_cast %add3A_215 : i32 to index
      %get3A_301 = arith.constant 32 : index
      %get3A_302 = tpu.vector_load %arg9[%get3A_300, %get3A_301] {strides = array<i32>} : memref<200x64xf32, #tpu.memory_space<vmem>>, vector<16xf32>,
      %get3A_303 = arith.index_cast %add3A_215 : i32 to index
      %get3A_304 = arith.constant 48 : index
      %get3A_305 = tpu.vector_load %arg9[%get3A_303, %get3A_304] {strides = array<i32>} : memref<200x64xf32, #tpu.memory_space<vmem>>, vector<16xf32>,
      %scan3A_306 = arith.constant 0 : i32
      %scan3A_307 = arith.constant 0 : i32
      %scan3A_308 = arith.constant 0 : i32
      %scan3A_309 = arith.constant 0 : i32
      %scan3A_310 = arith.constant 128 : i32
      %scan3A_311 = arith.addi %scan3A_309, %scan3A_310 : i32
      %scan3A_312 = arith.constant 4 : i32
      scf.for %scan3A_757 = %scan3A_309 to %scan3A_311 step %scan3A_312  : i32 {
        %broadcast_in_dim3A = vector.broadcast %scan3A_757 : i32 to vector<16xi32>
        %get3A_758 = arith.constant 0 : i32
        %get3A_759 = arith.constant 0 : i32
        %get3A_760 = tpu.memref_slice %arg7[%scan3A_307, %get3A_758, %get3A_759] : memref<4x128x64xf32, #tpu.memory_space<vmem>> -> memref<1x128x64xf32, #tpu.memory_space<vmem>>
        %get3A_761 = tpu.memref_squeeze %get3A_760 : memref<1x128x64xf32, #tpu.memory_space<vmem>> -> memref<128x64xf32, #tpu.memory_space<vmem>>
        %get3A_762 = arith.index_cast %scan3A_757 : i32 to index
        %get3A_763 = arith.constant 0 : index
        %get3A_764 = tpu.vector_load %get3A_761[%get3A_762, %get3A_763] {strides = array<i32>} : memref<128x64xf32, #tpu.memory_space<vmem>>, vector<16xf32>,
        %add3A_765 = arith.addf %get3A_764, %get3A_296 : vector<16xf32>
        %max3A = arith.constant 0.000000e+00 : f32
        %max3A_766 = vector.broadcast %max3A : f32 to vector<16xf32>
        %max3A_767 = arith.maximumf %add3A_765, %max3A_766 : vector<16xf32>
        %scatter3A = arith.constant 0 : i32
        %scatter3A_768 = arith.constant 0 : i32
        %scatter3A_769 = arith.constant 0 : i32
        %scatter3A_770 = tpu.memref_slice %arg8[%scan3A_308, %scatter3A, %scatter3A_768, %scatter3A_769] : memref<4x8x8x129xf32, #tpu.memory_space<vmem>> -> memref<1x8x8x129xf32, #tpu.memory_space<vmem>>
        %scatter3A_771 = tpu.memref_squeeze %scatter3A_770 : memref<1x8x8x129xf32, #tpu.memory_space<vmem>> -> memref<8x8x129xf32, #tpu.memory_space<vmem>>
        tpu.vector_store_idx %scatter3A_771[%shift_right_logical3A_253, %and3A_276, %broadcast_in_dim3A], %max3A_767 : memref<8x8x129xf32, #tpu.memory_space<vmem>>[vector<16xi32>, vector<16xi32>, vector<16xi32>], vector<16xf32>,
        %get3A_772 = arith.constant 0 : i32
        %get3A_773 = arith.constant 0 : i32
        %get3A_774 = tpu.memref_slice %arg7[%scan3A_307, %get3A_772, %get3A_773] : memref<4x128x64xf32, #tpu.memory_space<vmem>> -> memref<1x128x64xf32, #tpu.memory_space<vmem>>
        %get3A_775 = tpu.memref_squeeze %get3A_774 : memref<1x128x64xf32, #tpu.memory_space<vmem>> -> memref<128x64xf32, #tpu.memory_space<vmem>>
        %get3A_776 = arith.index_cast %scan3A_757 : i32 to index
        %get3A_777 = arith.constant 16 : index
        %get3A_778 = tpu.vector_load %get3A_775[%get3A_776, %get3A_777] {strides = array<i32>} : memref<128x64xf32, #tpu.memory_space<vmem>>, vector<16xf32>,
        %add3A_779 = arith.addf %get3A_778, %get3A_299 : vector<16xf32>
        %max3A_780 = arith.constant 0.000000e+00 : f32
        %max3A_781 = vector.broadcast %max3A_780 : f32 to vector<16xf32>
        %max3A_782 = arith.maximumf %add3A_779, %max3A_781 : vector<16xf32>
        %scatter3A_783 = arith.constant 0 : i32
        %scatter3A_784 = arith.constant 0 : i32
        %scatter3A_785 = arith.constant 0 : i32
        %scatter3A_786 = tpu.memref_slice %arg8[%scan3A_308, %scatter3A_783, %scatter3A_784, %scatter3A_785] : memref<4x8x8x129xf32, #tpu.memory_space<vmem>> -> memref<1x8x8x129xf32, #tpu.memory_space<vmem>>
        %scatter3A_787 = tpu.memref_squeeze %scatter3A_786 : memref<1x8x8x129xf32, #tpu.memory_space<vmem>> -> memref<8x8x129xf32, #tpu.memory_space<vmem>>
        tpu.vector_store_idx %scatter3A_787[%shift_right_logical3A_259, %and3A_282, %broadcast_in_dim3A], %max3A_782 : memref<8x8x129xf32, #tpu.memory_space<vmem>>[vector<16xi32>, vector<16xi32>, vector<16xi32>], vector<16xf32>,
        %get3A_788 = arith.constant 0 : i32
        %get3A_789 = arith.constant 0 : i32
        %get3A_790 = tpu.memref_slice %arg7[%scan3A_307, %get3A_788, %get3A_789] : memref<4x128x64xf32, #tpu.memory_space<vmem>> -> memref<1x128x64xf32, #tpu.memory_space<vmem>>
        %get3A_791 = tpu.memref_squeeze %get3A_790 : memref<1x128x64xf32, #tpu.memory_space<vmem>> -> memref<128x64xf32, #tpu.memory_space<vmem>>
        %get3A_792 = arith.index_cast %scan3A_757 : i32 to index
        %get3A_793 = arith.constant 32 : index
        %get3A_794 = tpu.vector_load %get3A_791[%get3A_792, %get3A_793] {strides = array<i32>} : memref<128x64xf32, #tpu.memory_space<vmem>>, vector<16xf32>,
        %add3A_795 = arith.addf %get3A_794, %get3A_302 : vector<16xf32>
        %max3A_796 = arith.constant 0.000000e+00 : f32
        %max3A_797 = vector.broadcast %max3A_796 : f32 to vector<16xf32>
        %max3A_798 = arith.maximumf %add3A_795, %max3A_797 : vector<16xf32>
        %scatter3A_799 = arith.constant 0 : i32
        %scatter3A_800 = arith.constant 0 : i32
        %scatter3A_801 = arith.constant 0 : i32
        %scatter3A_802 = tpu.memref_slice %arg8[%scan3A_308, %scatter3A_799, %scatter3A_800, %scatter3A_801] : memref<4x8x8x129xf32, #tpu.memory_space<vmem>> -> memref<1x8x8x129xf32, #tpu.memory_space<vmem>>
        %scatter3A_803 = tpu.memref_squeeze %scatter3A_802 : memref<1x8x8x129xf32, #tpu.memory_space<vmem>> -> memref<8x8x129xf32, #tpu.memory_space<vmem>>
        tpu.vector_store_idx %scatter3A_803[%shift_right_logical3A_265, %and3A_288, %broadcast_in_dim3A], %max3A_798 : memref<8x8x129xf32, #tpu.memory_space<vmem>>[vector<16xi32>, vector<16xi32>, vector<16xi32>], vector<16xf32>,
        %get3A_804 = arith.constant 0 : i32
        %get3A_805 = arith.constant 0 : i32
        %get3A_806 = tpu.memref_slice %arg7[%scan3A_307, %get3A_804, %get3A_805] : memref<4x128x64xf32, #tpu.memory_space<vmem>> -> memref<1x128x64xf32, #tpu.memory_space<vmem>>
        %get3A_807 = tpu.memref_squeeze %get3A_806 : memref<1x128x64xf32, #tpu.memory_space<vmem>> -> memref<128x64xf32, #tpu.memory_space<vmem>>
        %get3A_808 = arith.index_cast %scan3A_757 : i32 to index
        %get3A_809 = arith.constant 48 : index
        %get3A_810 = tpu.vector_load %get3A_807[%get3A_808, %get3A_809] {strides = array<i32>} : memref<128x64xf32, #tpu.memory_space<vmem>>, vector<16xf32>,
        %add3A_811 = arith.addf %get3A_810, %get3A_305 : vector<16xf32>
        %max3A_812 = arith.constant 0.000000e+00 : f32
        %max3A_813 = vector.broadcast %max3A_812 : f32 to vector<16xf32>
        %max3A_814 = arith.maximumf %add3A_811, %max3A_813 : vector<16xf32>
        %scatter3A_815 = arith.constant 0 : i32
        %scatter3A_816 = arith.constant 0 : i32
        %scatter3A_817 = arith.constant 0 : i32
        %scatter3A_818 = tpu.memref_slice %arg8[%scan3A_308, %scatter3A_815, %scatter3A_816, %scatter3A_817] : memref<4x8x8x129xf32, #tpu.memory_space<vmem>> -> memref<1x8x8x129xf32, #tpu.memory_space<vmem>>
        %scatter3A_819 = tpu.memref_squeeze %scatter3A_818 : memref<1x8x8x129xf32, #tpu.memory_space<vmem>> -> memref<8x8x129xf32, #tpu.memory_space<vmem>>
        tpu.vector_store_idx %scatter3A_819[%shift_right_logical3A_271, %and3A_294, %broadcast_in_dim3A], %max3A_814 : memref<8x8x129xf32, #tpu.memory_space<vmem>>[vector<16xi32>, vector<16xi32>, vector<16xi32>], vector<16xf32>,
        %scan3A_820 = arith.constant 1 : i32
        %scan3A_821 = arith.addi %scan3A_757, %scan3A_820 : i32
        %broadcast_in_dim3A_822 = vector.broadcast %scan3A_821 : i32 to vector<16xi32>
        %get3A_823 = arith.constant 0 : i32
        %get3A_824 = arith.constant 0 : i32
        %get3A_825 = tpu.memref_slice %arg7[%scan3A_307, %get3A_823, %get3A_824] : memref<4x128x64xf32, #tpu.memory_space<vmem>> -> memref<1x128x64xf32, #tpu.memory_space<vmem>>
        %get3A_826 = tpu.memref_squeeze %get3A_825 : memref<1x128x64xf32, #tpu.memory_space<vmem>> -> memref<128x64xf32, #tpu.memory_space<vmem>>
        %get3A_827 = arith.index_cast %scan3A_821 : i32 to index
        %get3A_828 = arith.constant 0 : index
        %get3A_829 = tpu.vector_load %get3A_826[%get3A_827, %get3A_828] {strides = array<i32>} : memref<128x64xf32, #tpu.memory_space<vmem>>, vector<16xf32>,
        %add3A_830 = arith.addf %get3A_829, %get3A_296 : vector<16xf32>
        %max3A_831 = arith.constant 0.000000e+00 : f32
        %max3A_832 = vector.broadcast %max3A_831 : f32 to vector<16xf32>
        %max3A_833 = arith.maximumf %add3A_830, %max3A_832 : vector<16xf32>
        %scatter3A_834 = arith.constant 0 : i32
        %scatter3A_835 = arith.constant 0 : i32
        %scatter3A_836 = arith.constant 0 : i32
        %scatter3A_837 = tpu.memref_slice %arg8[%scan3A_308, %scatter3A_834, %scatter3A_835, %scatter3A_836] : memref<4x8x8x129xf32, #tpu.memory_space<vmem>> -> memref<1x8x8x129xf32, #tpu.memory_space<vmem>>
        %scatter3A_838 = tpu.memref_squeeze %scatter3A_837 : memref<1x8x8x129xf32, #tpu.memory_space<vmem>> -> memref<8x8x129xf32, #tpu.memory_space<vmem>>
        tpu.vector_store_idx %scatter3A_838[%shift_right_logical3A_253, %and3A_276, %broadcast_in_dim3A_822], %max3A_833 : memref<8x8x129xf32, #tpu.memory_space<vmem>>[vector<16xi32>, vector<16xi32>, vector<16xi32>], vector<16xf32>,
        %get3A_839 = arith.constant 0 : i32
        %get3A_840 = arith.constant 0 : i32
        %get3A_841 = tpu.memref_slice %arg7[%scan3A_307, %get3A_839, %get3A_840] : memref<4x128x64xf32, #tpu.memory_space<vmem>> -> memref<1x128x64xf32, #tpu.memory_space<vmem>>
        %get3A_842 = tpu.memref_squeeze %get3A_841 : memref<1x128x64xf32, #tpu.memory_space<vmem>> -> memref<128x64xf32, #tpu.memory_space<vmem>>
        %get3A_843 = arith.index_cast %scan3A_821 : i32 to index
        %get3A_844 = arith.constant 16 : index
        %get3A_845 = tpu.vector_load %get3A_842[%get3A_843, %get3A_844] {strides = array<i32>} : memref<128x64xf32, #tpu.memory_space<vmem>>, vector<16xf32>,
        %add3A_846 = arith.addf %get3A_845, %get3A_299 : vector<16xf32>
        %max3A_847 = arith.constant 0.000000e+00 : f32
        %max3A_848 = vector.broadcast %max3A_847 : f32 to vector<16xf32>
        %max3A_849 = arith.maximumf %add3A_846, %max3A_848 : vector<16xf32>
        %scatter3A_850 = arith.constant 0 : i32
        %scatter3A_851 = arith.constant 0 : i32
        %scatter3A_852 = arith.constant 0 : i32
        %scatter3A_853 = tpu.memref_slice %arg8[%scan3A_308, %scatter3A_850, %scatter3A_851, %scatter3A_852] : memref<4x8x8x129xf32, #tpu.memory_space<vmem>> -> memref<1x8x8x129xf32, #tpu.memory_space<vmem>>
        %scatter3A_854 = tpu.memref_squeeze %scatter3A_853 : memref<1x8x8x129xf32, #tpu.memory_space<vmem>> -> memref<8x8x129xf32, #tpu.memory_space<vmem>>
        tpu.vector_store_idx %scatter3A_854[%shift_right_logical3A_259, %and3A_282, %broadcast_in_dim3A_822], %max3A_849 : memref<8x8x129xf32, #tpu.memory_space<vmem>>[vector<16xi32>, vector<16xi32>, vector<16xi32>], vector<16xf32>,
        %get3A_855 = arith.constant 0 : i32
        %get3A_856 = arith.constant 0 : i32
        %get3A_857 = tpu.memref_slice %arg7[%scan3A_307, %get3A_855, %get3A_856] : memref<4x128x64xf32, #tpu.memory_space<vmem>> -> memref<1x128x64xf32, #tpu.memory_space<vmem>>
        %get3A_858 = tpu.memref_squeeze %get3A_857 : memref<1x128x64xf32, #tpu.memory_space<vmem>> -> memref<128x64xf32, #tpu.memory_space<vmem>>
        %get3A_859 = arith.index_cast %scan3A_821 : i32 to index
        %get3A_860 = arith.constant 32 : index
        %get3A_861 = tpu.vector_load %get3A_858[%get3A_859, %get3A_860] {strides = array<i32>} : memref<128x64xf32, #tpu.memory_space<vmem>>, vector<16xf32>,
        %add3A_862 = arith.addf %get3A_861, %get3A_302 : vector<16xf32>
        %max3A_863 = arith.constant 0.000000e+00 : f32
        %max3A_864 = vector.broadcast %max3A_863 : f32 to vector<16xf32>
        %max3A_865 = arith.maximumf %add3A_862, %max3A_864 : vector<16xf32>
        %scatter3A_866 = arith.constant 0 : i32
        %scatter3A_867 = arith.constant 0 : i32
        %scatter3A_868 = arith.constant 0 : i32
        %scatter3A_869 = tpu.memref_slice %arg8[%scan3A_308, %scatter3A_866, %scatter3A_867, %scatter3A_868] : memref<4x8x8x129xf32, #tpu.memory_space<vmem>> -> memref<1x8x8x129xf32, #tpu.memory_space<vmem>>
        %scatter3A_870 = tpu.memref_squeeze %scatter3A_869 : memref<1x8x8x129xf32, #tpu.memory_space<vmem>> -> memref<8x8x129xf32, #tpu.memory_space<vmem>>
        tpu.vector_store_idx %scatter3A_870[%shift_right_logical3A_265, %and3A_288, %broadcast_in_dim3A_822], %max3A_865 : memref<8x8x129xf32, #tpu.memory_space<vmem>>[vector<16xi32>, vector<16xi32>, vector<16xi32>], vector<16xf32>,
        %get3A_871 = arith.constant 0 : i32
        %get3A_872 = arith.constant 0 : i32
        %get3A_873 = tpu.memref_slice %arg7[%scan3A_307, %get3A_871, %get3A_872] : memref<4x128x64xf32, #tpu.memory_space<vmem>> -> memref<1x128x64xf32, #tpu.memory_space<vmem>>
        %get3A_874 = tpu.memref_squeeze %get3A_873 : memref<1x128x64xf32, #tpu.memory_space<vmem>> -> memref<128x64xf32, #tpu.memory_space<vmem>>
        %get3A_875 = arith.index_cast %scan3A_821 : i32 to index
        %get3A_876 = arith.constant 48 : index
        %get3A_877 = tpu.vector_load %get3A_874[%get3A_875, %get3A_876] {strides = array<i32>} : memref<128x64xf32, #tpu.memory_space<vmem>>, vector<16xf32>,
        %add3A_878 = arith.addf %get3A_877, %get3A_305 : vector<16xf32>
        %max3A_879 = arith.constant 0.000000e+00 : f32
        %max3A_880 = vector.broadcast %max3A_879 : f32 to vector<16xf32>
        %max3A_881 = arith.maximumf %add3A_878, %max3A_880 : vector<16xf32>
        %scatter3A_882 = arith.constant 0 : i32
        %scatter3A_883 = arith.constant 0 : i32
        %scatter3A_884 = arith.constant 0 : i32
        %scatter3A_885 = tpu.memref_slice %arg8[%scan3A_308, %scatter3A_882, %scatter3A_883, %scatter3A_884] : memref<4x8x8x129xf32, #tpu.memory_space<vmem>> -> memref<1x8x8x129xf32, #tpu.memory_space<vmem>>
        %scatter3A_886 = tpu.memref_squeeze %scatter3A_885 : memref<1x8x8x129xf32, #tpu.memory_space<vmem>> -> memref<8x8x129xf32, #tpu.memory_space<vmem>>
        tpu.vector_store_idx %scatter3A_886[%shift_right_logical3A_271, %and3A_294, %broadcast_in_dim3A_822], %max3A_881 : memref<8x8x129xf32, #tpu.memory_space<vmem>>[vector<16xi32>, vector<16xi32>, vector<16xi32>], vector<16xf32>,
        %scan3A_887 = arith.constant 2 : i32
        %scan3A_888 = arith.addi %scan3A_757, %scan3A_887 : i32
        %broadcast_in_dim3A_889 = vector.broadcast %scan3A_888 : i32 to vector<16xi32>
        %get3A_890 = arith.constant 0 : i32
        %get3A_891 = arith.constant 0 : i32
        %get3A_892 = tpu.memref_slice %arg7[%scan3A_307, %get3A_890, %get3A_891] : memref<4x128x64xf32, #tpu.memory_space<vmem>> -> memref<1x128x64xf32, #tpu.memory_space<vmem>>
        %get3A_893 = tpu.memref_squeeze %get3A_892 : memref<1x128x64xf32, #tpu.memory_space<vmem>> -> memref<128x64xf32, #tpu.memory_space<vmem>>
        %get3A_894 = arith.index_cast %scan3A_888 : i32 to index
        %get3A_895 = arith.constant 0 : index
        %get3A_896 = tpu.vector_load %get3A_893[%get3A_894, %get3A_895] {strides = array<i32>} : memref<128x64xf32, #tpu.memory_space<vmem>>, vector<16xf32>,
        %add3A_897 = arith.addf %get3A_896, %get3A_296 : vector<16xf32>
        %max3A_898 = arith.constant 0.000000e+00 : f32
        %max3A_899 = vector.broadcast %max3A_898 : f32 to vector<16xf32>
        %max3A_900 = arith.maximumf %add3A_897, %max3A_899 : vector<16xf32>
        %scatter3A_901 = arith.constant 0 : i32
        %scatter3A_902 = arith.constant 0 : i32
        %scatter3A_903 = arith.constant 0 : i32
        %scatter3A_904 = tpu.memref_slice %arg8[%scan3A_308, %scatter3A_901, %scatter3A_902, %scatter3A_903] : memref<4x8x8x129xf32, #tpu.memory_space<vmem>> -> memref<1x8x8x129xf32, #tpu.memory_space<vmem>>
        %scatter3A_905 = tpu.memref_squeeze %scatter3A_904 : memref<1x8x8x129xf32, #tpu.memory_space<vmem>> -> memref<8x8x129xf32, #tpu.memory_space<vmem>>
        tpu.vector_store_idx %scatter3A_905[%shift_right_logical3A_253, %and3A_276, %broadcast_in_dim3A_889], %max3A_900 : memref<8x8x129xf32, #tpu.memory_space<vmem>>[vector<16xi32>, vector<16xi32>, vector<16xi32>], vector<16xf32>,
        %get3A_906 = arith.constant 0 : i32
        %get3A_907 = arith.constant 0 : i32
        %get3A_908 = tpu.memref_slice %arg7[%scan3A_307, %get3A_906, %get3A_907] : memref<4x128x64xf32, #tpu.memory_space<vmem>> -> memref<1x128x64xf32, #tpu.memory_space<vmem>>
        %get3A_909 = tpu.memref_squeeze %get3A_908 : memref<1x128x64xf32, #tpu.memory_space<vmem>> -> memref<128x64xf32, #tpu.memory_space<vmem>>
        %get3A_910 = arith.index_cast %scan3A_888 : i32 to index
        %get3A_911 = arith.constant 16 : index
        %get3A_912 = tpu.vector_load %get3A_909[%get3A_910, %get3A_911] {strides = array<i32>} : memref<128x64xf32, #tpu.memory_space<vmem>>, vector<16xf32>,
        %add3A_913 = arith.addf %get3A_912, %get3A_299 : vector<16xf32>
        %max3A_914 = arith.constant 0.000000e+00 : f32
        %max3A_915 = vector.broadcast %max3A_914 : f32 to vector<16xf32>
        %max3A_916 = arith.maximumf %add3A_913, %max3A_915 : vector<16xf32>
        %scatter3A_917 = arith.constant 0 : i32
        %scatter3A_918 = arith.constant 0 : i32
        %scatter3A_919 = arith.constant 0 : i32
        %scatter3A_920 = tpu.memref_slice %arg8[%scan3A_308, %scatter3A_917, %scatter3A_918, %scatter3A_919] : memref<4x8x8x129xf32, #tpu.memory_space<vmem>> -> memref<1x8x8x129xf32, #tpu.memory_space<vmem>>
        %scatter3A_921 = tpu.memref_squeeze %scatter3A_920 : memref<1x8x8x129xf32, #tpu.memory_space<vmem>> -> memref<8x8x129xf32, #tpu.memory_space<vmem>>
        tpu.vector_store_idx %scatter3A_921[%shift_right_logical3A_259, %and3A_282, %broadcast_in_dim3A_889], %max3A_916 : memref<8x8x129xf32, #tpu.memory_space<vmem>>[vector<16xi32>, vector<16xi32>, vector<16xi32>], vector<16xf32>,
        %get3A_922 = arith.constant 0 : i32
        %get3A_923 = arith.constant 0 : i32
        %get3A_924 = tpu.memref_slice %arg7[%scan3A_307, %get3A_922, %get3A_923] : memref<4x128x64xf32, #tpu.memory_space<vmem>> -> memref<1x128x64xf32, #tpu.memory_space<vmem>>
        %get3A_925 = tpu.memref_squeeze %get3A_924 : memref<1x128x64xf32, #tpu.memory_space<vmem>> -> memref<128x64xf32, #tpu.memory_space<vmem>>
        %get3A_926 = arith.index_cast %scan3A_888 : i32 to index
        %get3A_927 = arith.constant 32 : index
        %get3A_928 = tpu.vector_load %get3A_925[%get3A_926, %get3A_927] {strides = array<i32>} : memref<128x64xf32, #tpu.memory_space<vmem>>, vector<16xf32>,
        %add3A_929 = arith.addf %get3A_928, %get3A_302 : vector<16xf32>
        %max3A_930 = arith.constant 0.000000e+00 : f32
        %max3A_931 = vector.broadcast %max3A_930 : f32 to vector<16xf32>
        %max3A_932 = arith.maximumf %add3A_929, %max3A_931 : vector<16xf32>
        %scatter3A_933 = arith.constant 0 : i32
        %scatter3A_934 = arith.constant 0 : i32
        %scatter3A_935 = arith.constant 0 : i32
        %scatter3A_936 = tpu.memref_slice %arg8[%scan3A_308, %scatter3A_933, %scatter3A_934, %scatter3A_935] : memref<4x8x8x129xf32, #tpu.memory_space<vmem>> -> memref<1x8x8x129xf32, #tpu.memory_space<vmem>>
        %scatter3A_937 = tpu.memref_squeeze %scatter3A_936 : memref<1x8x8x129xf32, #tpu.memory_space<vmem>> -> memref<8x8x129xf32, #tpu.memory_space<vmem>>
        tpu.vector_store_idx %scatter3A_937[%shift_right_logical3A_265, %and3A_288, %broadcast_in_dim3A_889], %max3A_932 : memref<8x8x129xf32, #tpu.memory_space<vmem>>[vector<16xi32>, vector<16xi32>, vector<16xi32>], vector<16xf32>,
        %get3A_938 = arith.constant 0 : i32
        %get3A_939 = arith.constant 0 : i32
        %get3A_940 = tpu.memref_slice %arg7[%scan3A_307, %get3A_938, %get3A_939] : memref<4x128x64xf32, #tpu.memory_space<vmem>> -> memref<1x128x64xf32, #tpu.memory_space<vmem>>
        %get3A_941 = tpu.memref_squeeze %get3A_940 : memref<1x128x64xf32, #tpu.memory_space<vmem>> -> memref<128x64xf32, #tpu.memory_space<vmem>>
        %get3A_942 = arith.index_cast %scan3A_888 : i32 to index
        %get3A_943 = arith.constant 48 : index
        %get3A_944 = tpu.vector_load %get3A_941[%get3A_942, %get3A_943] {strides = array<i32>} : memref<128x64xf32, #tpu.memory_space<vmem>>, vector<16xf32>,
        %add3A_945 = arith.addf %get3A_944, %get3A_305 : vector<16xf32>
        %max3A_946 = arith.constant 0.000000e+00 : f32
        %max3A_947 = vector.broadcast %max3A_946 : f32 to vector<16xf32>
        %max3A_948 = arith.maximumf %add3A_945, %max3A_947 : vector<16xf32>
        %scatter3A_949 = arith.constant 0 : i32
        %scatter3A_950 = arith.constant 0 : i32
        %scatter3A_951 = arith.constant 0 : i32
        %scatter3A_952 = tpu.memref_slice %arg8[%scan3A_308, %scatter3A_949, %scatter3A_950, %scatter3A_951] : memref<4x8x8x129xf32, #tpu.memory_space<vmem>> -> memref<1x8x8x129xf32, #tpu.memory_space<vmem>>
        %scatter3A_953 = tpu.memref_squeeze %scatter3A_952 : memref<1x8x8x129xf32, #tpu.memory_space<vmem>> -> memref<8x8x129xf32, #tpu.memory_space<vmem>>
        tpu.vector_store_idx %scatter3A_953[%shift_right_logical3A_271, %and3A_294, %broadcast_in_dim3A_889], %max3A_948 : memref<8x8x129xf32, #tpu.memory_space<vmem>>[vector<16xi32>, vector<16xi32>, vector<16xi32>], vector<16xf32>,
        %scan3A_954 = arith.constant 3 : i32
        %scan3A_955 = arith.addi %scan3A_757, %scan3A_954 : i32
        %broadcast_in_dim3A_956 = vector.broadcast %scan3A_955 : i32 to vector<16xi32>
        %get3A_957 = arith.constant 0 : i32
        %get3A_958 = arith.constant 0 : i32
        %get3A_959 = tpu.memref_slice %arg7[%scan3A_307, %get3A_957, %get3A_958] : memref<4x128x64xf32, #tpu.memory_space<vmem>> -> memref<1x128x64xf32, #tpu.memory_space<vmem>>
        %get3A_960 = tpu.memref_squeeze %get3A_959 : memref<1x128x64xf32, #tpu.memory_space<vmem>> -> memref<128x64xf32, #tpu.memory_space<vmem>>
        %get3A_961 = arith.index_cast %scan3A_955 : i32 to index
        %get3A_962 = arith.constant 0 : index
        %get3A_963 = tpu.vector_load %get3A_960[%get3A_961, %get3A_962] {strides = array<i32>} : memref<128x64xf32, #tpu.memory_space<vmem>>, vector<16xf32>,
        %add3A_964 = arith.addf %get3A_963, %get3A_296 : vector<16xf32>
        %max3A_965 = arith.constant 0.000000e+00 : f32
        %max3A_966 = vector.broadcast %max3A_965 : f32 to vector<16xf32>
        %max3A_967 = arith.maximumf %add3A_964, %max3A_966 : vector<16xf32>
        %scatter3A_968 = arith.constant 0 : i32
        %scatter3A_969 = arith.constant 0 : i32
        %scatter3A_970 = arith.constant 0 : i32
        %scatter3A_971 = tpu.memref_slice %arg8[%scan3A_308, %scatter3A_968, %scatter3A_969, %scatter3A_970] : memref<4x8x8x129xf32, #tpu.memory_space<vmem>> -> memref<1x8x8x129xf32, #tpu.memory_space<vmem>>
        %scatter3A_972 = tpu.memref_squeeze %scatter3A_971 : memref<1x8x8x129xf32, #tpu.memory_space<vmem>> -> memref<8x8x129xf32, #tpu.memory_space<vmem>>
        tpu.vector_store_idx %scatter3A_972[%shift_right_logical3A_253, %and3A_276, %broadcast_in_dim3A_956], %max3A_967 : memref<8x8x129xf32, #tpu.memory_space<vmem>>[vector<16xi32>, vector<16xi32>, vector<16xi32>], vector<16xf32>,
        %get3A_973 = arith.constant 0 : i32
        %get3A_974 = arith.constant 0 : i32
        %get3A_975 = tpu.memref_slice %arg7[%scan3A_307, %get3A_973, %get3A_974] : memref<4x128x64xf32, #tpu.memory_space<vmem>> -> memref<1x128x64xf32, #tpu.memory_space<vmem>>
        %get3A_976 = tpu.memref_squeeze %get3A_975 : memref<1x128x64xf32, #tpu.memory_space<vmem>> -> memref<128x64xf32, #tpu.memory_space<vmem>>
        %get3A_977 = arith.index_cast %scan3A_955 : i32 to index
        %get3A_978 = arith.constant 16 : index
        %get3A_979 = tpu.vector_load %get3A_976[%get3A_977, %get3A_978] {strides = array<i32>} : memref<128x64xf32, #tpu.memory_space<vmem>>, vector<16xf32>,
        %add3A_980 = arith.addf %get3A_979, %get3A_299 : vector<16xf32>
        %max3A_981 = arith.constant 0.000000e+00 : f32
        %max3A_982 = vector.broadcast %max3A_981 : f32 to vector<16xf32>
        %max3A_983 = arith.maximumf %add3A_980, %max3A_982 : vector<16xf32>
        %scatter3A_984 = arith.constant 0 : i32
        %scatter3A_985 = arith.constant 0 : i32
        %scatter3A_986 = arith.constant 0 : i32
        %scatter3A_987 = tpu.memref_slice %arg8[%scan3A_308, %scatter3A_984, %scatter3A_985, %scatter3A_986] : memref<4x8x8x129xf32, #tpu.memory_space<vmem>> -> memref<1x8x8x129xf32, #tpu.memory_space<vmem>>
        %scatter3A_988 = tpu.memref_squeeze %scatter3A_987 : memref<1x8x8x129xf32, #tpu.memory_space<vmem>> -> memref<8x8x129xf32, #tpu.memory_space<vmem>>
        tpu.vector_store_idx %scatter3A_988[%shift_right_logical3A_259, %and3A_282, %broadcast_in_dim3A_956], %max3A_983 : memref<8x8x129xf32, #tpu.memory_space<vmem>>[vector<16xi32>, vector<16xi32>, vector<16xi32>], vector<16xf32>,
        %get3A_989 = arith.constant 0 : i32
        %get3A_990 = arith.constant 0 : i32
        %get3A_991 = tpu.memref_slice %arg7[%scan3A_307, %get3A_989, %get3A_990] : memref<4x128x64xf32, #tpu.memory_space<vmem>> -> memref<1x128x64xf32, #tpu.memory_space<vmem>>
        %get3A_992 = tpu.memref_squeeze %get3A_991 : memref<1x128x64xf32, #tpu.memory_space<vmem>> -> memref<128x64xf32, #tpu.memory_space<vmem>>
        %get3A_993 = arith.index_cast %scan3A_955 : i32 to index
        %get3A_994 = arith.constant 32 : index
        %get3A_995 = tpu.vector_load %get3A_992[%get3A_993, %get3A_994] {strides = array<i32>} : memref<128x64xf32, #tpu.memory_space<vmem>>, vector<16xf32>,
        %add3A_996 = arith.addf %get3A_995, %get3A_302 : vector<16xf32>
        %max3A_997 = arith.constant 0.000000e+00 : f32
        %max3A_998 = vector.broadcast %max3A_997 : f32 to vector<16xf32>
        %max3A_999 = arith.maximumf %add3A_996, %max3A_998 : vector<16xf32>
        %scatter3A_1000 = arith.constant 0 : i32
        %scatter3A_1001 = arith.constant 0 : i32
        %scatter3A_1002 = arith.constant 0 : i32
        %scatter3A_1003 = tpu.memref_slice %arg8[%scan3A_308, %scatter3A_1000, %scatter3A_1001, %scatter3A_1002] : memref<4x8x8x129xf32, #tpu.memory_space<vmem>> -> memref<1x8x8x129xf32, #tpu.memory_space<vmem>>
        %scatter3A_1004 = tpu.memref_squeeze %scatter3A_1003 : memref<1x8x8x129xf32, #tpu.memory_space<vmem>> -> memref<8x8x129xf32, #tpu.memory_space<vmem>>
        tpu.vector_store_idx %scatter3A_1004[%shift_right_logical3A_265, %and3A_288, %broadcast_in_dim3A_956], %max3A_999 : memref<8x8x129xf32, #tpu.memory_space<vmem>>[vector<16xi32>, vector<16xi32>, vector<16xi32>], vector<16xf32>,
        %get3A_1005 = arith.constant 0 : i32
        %get3A_1006 = arith.constant 0 : i32
        %get3A_1007 = tpu.memref_slice %arg7[%scan3A_307, %get3A_1005, %get3A_1006] : memref<4x128x64xf32, #tpu.memory_space<vmem>> -> memref<1x128x64xf32, #tpu.memory_space<vmem>>
        %get3A_1008 = tpu.memref_squeeze %get3A_1007 : memref<1x128x64xf32, #tpu.memory_space<vmem>> -> memref<128x64xf32, #tpu.memory_space<vmem>>
        %get3A_1009 = arith.index_cast %scan3A_955 : i32 to index
        %get3A_1010 = arith.constant 48 : index
        %get3A_1011 = tpu.vector_load %get3A_1008[%get3A_1009, %get3A_1010] {strides = array<i32>} : memref<128x64xf32, #tpu.memory_space<vmem>>, vector<16xf32>,
        %add3A_1012 = arith.addf %get3A_1011, %get3A_305 : vector<16xf32>
        %max3A_1013 = arith.constant 0.000000e+00 : f32
        %max3A_1014 = vector.broadcast %max3A_1013 : f32 to vector<16xf32>
        %max3A_1015 = arith.maximumf %add3A_1012, %max3A_1014 : vector<16xf32>
        %scatter3A_1016 = arith.constant 0 : i32
        %scatter3A_1017 = arith.constant 0 : i32
        %scatter3A_1018 = arith.constant 0 : i32
        %scatter3A_1019 = tpu.memref_slice %arg8[%scan3A_308, %scatter3A_1016, %scatter3A_1017, %scatter3A_1018] : memref<4x8x8x129xf32, #tpu.memory_space<vmem>> -> memref<1x8x8x129xf32, #tpu.memory_space<vmem>>
        %scatter3A_1020 = tpu.memref_squeeze %scatter3A_1019 : memref<1x8x8x129xf32, #tpu.memory_space<vmem>> -> memref<8x8x129xf32, #tpu.memory_space<vmem>>
        tpu.vector_store_idx %scatter3A_1020[%shift_right_logical3A_271, %and3A_294, %broadcast_in_dim3A_956], %max3A_1015 : memref<8x8x129xf32, #tpu.memory_space<vmem>>[vector<16xi32>, vector<16xi32>, vector<16xi32>], vector<16xf32>,
      }
      %scan3A_313 = arith.constant 128 : i32
      %dma_start3A_314 = arith.constant 0 : i32
      %dma_start3A_315 = arith.constant 0 : i32
      %dma_start3A_316 = arith.constant 0 : i32
      %dma_start3A_317 = arith.constant 0 : i32
      %dma_start3A_318 = tpu.memref_slice %arg8[%dma_start3A_314, %dma_start3A_315, %dma_start3A_316, %dma_start3A_317] : memref<4x8x8x129xf32, #tpu.memory_space<vmem>> -> memref<1x8x8x129xf32, #tpu.memory_space<vmem>>
      %dma_start3A_319 = tpu.memref_squeeze %dma_start3A_318 : memref<1x8x8x129xf32, #tpu.memory_space<vmem>> -> memref<8x8x129xf32, #tpu.memory_space<vmem>>
      %dma_start3A_320 = arith.constant 0 : i32
      %dma_start3A_321 = arith.constant 0 : i32
      %dma_start3A_322 = arith.constant 0 : i32
      %dma_start3A_323 = tpu.memref_slice %dma_start3A_319[%dma_start3A_320, %dma_start3A_321, %dma_start3A_322] : memref<8x8x129xf32, #tpu.memory_space<vmem>> -> memref<8x8x128xf32, #tpu.memory_space<vmem>>
      %dma_start3A_324 = arith.constant 0 : i32
      %dma_start3A_325 = arith.constant 0 : i32
      %dma_start3A_326 = arith.constant 0 : i32
      %dma_start3A_327 = tpu.memref_slice %arg5[%add3A_215, %dma_start3A_324, %add3A, %dma_start3A_325, %dma_start3A_326] : memref<200x8x32x8x128xf32, #tpu.memory_space<hbm>> -> memref<1x8x1x8x128xf32, #tpu.memory_space<hbm>>
      %dma_start3A_328 = tpu.memref_squeeze %dma_start3A_327 : memref<1x8x1x8x128xf32, #tpu.memory_space<hbm>> -> memref<8x8x128xf32, #tpu.memory_space<hbm>>
      %dma_start3A_329 = arith.constant 0 : i32
      %dma_start3A_330 = arith.constant 0 : i32
      %dma_start3A_331 = arith.constant 0 : i32
      %dma_start3A_332 = tpu.memref_slice %arg5[%add3A_215, %dma_start3A_329, %add3A, %dma_start3A_330, %dma_start3A_331] : memref<200x8x32x8x128xf32, #tpu.memory_space<hbm>> -> memref<1x8x1x8x128xf32, #tpu.memory_space<hbm>>
      %dma_start3A_333 = tpu.memref_squeeze %dma_start3A_332 : memref<1x8x1x8x128xf32, #tpu.memory_space<hbm>> -> memref<8x8x128xf32, #tpu.memory_space<hbm>>
      %dma_start3A_334 = arith.constant 0 : i32
      %dma_start3A_335 = arith.constant 0 : i32
      %dma_start3A_336 = arith.constant 0 : i32
      %dma_start3A_337 = tpu.memref_slice %arg8[%dma_start3A_314, %dma_start3A_334, %dma_start3A_335, %dma_start3A_336] : memref<4x8x8x129xf32, #tpu.memory_space<vmem>> -> memref<1x8x8x129xf32, #tpu.memory_space<vmem>>
      %dma_start3A_338 = tpu.memref_squeeze %dma_start3A_337 : memref<1x8x8x129xf32, #tpu.memory_space<vmem>> -> memref<8x8x129xf32, #tpu.memory_space<vmem>>
      %dma_start3A_339 = arith.constant 0 : i32
      %dma_start3A_340 = arith.constant 0 : i32
      %dma_start3A_341 = arith.constant 0 : i32
      %dma_start3A_342 = tpu.memref_slice %dma_start3A_338[%dma_start3A_339, %dma_start3A_340, %dma_start3A_341] : memref<8x8x129xf32, #tpu.memory_space<vmem>> -> memref<8x8x128xf32, #tpu.memory_space<vmem>>
      tpu.enqueue_dma source(%dma_start3A_342 : memref<8x8x128xf32, #tpu.memory_space<vmem>>) target(%dma_start3A_333 : memref<8x8x128xf32, #tpu.memory_space<hbm>>) target_semaphore(%arg14 : memref<!tpu.dma_semaphore, #tpu.memory_space<semaphore_mem>>)
      %add3A_343 = arith.constant 1 : i32
      %add3A_344 = arith.addi %mul3A_213, %add3A_343 : i32
      %add3A_345 = arith.constant 3 : i32
      %add3A_346 = arith.addi %add3A_344, %add3A_345 : i32
      %ge3A_347 = arith.constant 200 : i32
      %ge3A_348 = arith.cmpi sge, %add3A_346, %ge3A_347 : i32
      %sub3A_349 = arith.constant 200 : i32
      %sub3A_350 = arith.subi %add3A_346, %sub3A_349 : i32
      %select_n3A_351 = arith.select %ge3A_348, %sub3A_350, %add3A_346 : i32
      %dma_start3A_352 = arith.constant 0 : i32
      %dma_start3A_353 = arith.constant 0 : i32
      %dma_start3A_354 = arith.constant 0 : i32
      %dma_start3A_355 = tpu.memref_slice %arg7[%dma_start3A_352, %dma_start3A_353, %dma_start3A_354] : memref<4x128x64xf32, #tpu.memory_space<vmem>> -> memref<1x128x64xf32, #tpu.memory_space<vmem>>
      %dma_start3A_356 = tpu.memref_squeeze %dma_start3A_355 : memref<1x128x64xf32, #tpu.memory_space<vmem>> -> memref<128x64xf32, #tpu.memory_space<vmem>>
      %dma_start3A_357 = arith.constant 0 : i32
      %dma_start3A_358 = tpu.memref_slice %arg6[%select_n3A_351, %dma_start3A_357] : memref<200x128xi32, #tpu.memory_space<vmem>> -> memref<1x128xi32, #tpu.memory_space<vmem>>
      %dma_start3A_359 = tpu.memref_squeeze %dma_start3A_358 : memref<1x128xi32, #tpu.memory_space<vmem>> -> memref<128xi32, #tpu.memory_space<vmem>>
      %dma_start3A_360 = arith.constant 0 : i32
      %dma_start3A_361 = arith.constant 0 : i32
      %dma_start3A_362 = tpu.memref_slice %arg3[%dma_start3A_360, %dma_start3A_361] : memref<1000000x64xf32, #tpu.memory_space<hbm>> -> memref<1000000x64xf32, #tpu.memory_space<hbm>>
      tpu.enqueue_indirect_dma source(%dma_start3A_362 : memref<1000000x64xf32, #tpu.memory_space<hbm>>) target(%dma_start3A_356 : memref<128x64xf32, #tpu.memory_space<vmem>>) offsets(%dma_start3A_359 : memref<128xi32, #tpu.memory_space<vmem>>) semaphore(%arg10 : memref<!tpu.dma_semaphore, #tpu.memory_space<semaphore_mem>>)
      %dma_wait3A_363 = arith.constant 1 : i32
      %dma_wait3A_364 = arith.constant 0 : i32
      %dma_wait3A_365 = arith.constant 0 : i32
      %dma_wait3A_366 = tpu.memref_slice %arg7[%dma_wait3A_363, %dma_wait3A_364, %dma_wait3A_365] : memref<4x128x64xf32, #tpu.memory_space<vmem>> -> memref<1x128x64xf32, #tpu.memory_space<vmem>>
      %dma_wait3A_367 = tpu.memref_squeeze %dma_wait3A_366 : memref<1x128x64xf32, #tpu.memory_space<vmem>> -> memref<128x64xf32, #tpu.memory_space<vmem>>
      %dma_wait3A_368 = arith.constant 0 : i32
      %dma_wait3A_369 = arith.constant 0 : i32
      %dma_wait3A_370 = tpu.memref_slice %arg3[%dma_wait3A_368, %dma_wait3A_369] : memref<1000000x64xf32, #tpu.memory_space<hbm>> -> memref<128x64xf32, #tpu.memory_space<hbm>>
      %dma_wait3A_371 = arith.constant 0 : i32
      %dma_wait3A_372 = arith.constant 0 : i32
      %dma_wait3A_373 = tpu.memref_slice %arg7[%dma_wait3A_363, %dma_wait3A_371, %dma_wait3A_372] : memref<4x128x64xf32, #tpu.memory_space<vmem>> -> memref<1x128x64xf32, #tpu.memory_space<vmem>>
      %dma_wait3A_374 = tpu.memref_squeeze %dma_wait3A_373 : memref<1x128x64xf32, #tpu.memory_space<vmem>> -> memref<128x64xf32, #tpu.memory_space<vmem>>
      %dma_wait3A_375 = arith.constant 0 : i32
      %dma_wait3A_376 = arith.constant 0 : i32
      %dma_wait3A_377 = tpu.memref_slice %arg3[%dma_wait3A_375, %dma_wait3A_376] : memref<1000000x64xf32, #tpu.memory_space<hbm>> -> memref<128x64xf32, #tpu.memory_space<hbm>>
      tpu.wait_dma2 semaphore(%arg11 : memref<!tpu.dma_semaphore, #tpu.memory_space<semaphore_mem>>) src(%dma_wait3A_377 : memref<128x64xf32, #tpu.memory_space<hbm>>) dst(%dma_wait3A_374 : memref<128x64xf32, #tpu.memory_space<vmem>>)
      %ge3A_378 = arith.constant 4 : i32
      %ge3A_379 = arith.cmpi sge, %add3A_344, %ge3A_378 : i32
      %convert_element_type3A_380 = arith.extui %ge3A_379 : i1 to i32
      %cond3A_381 = arith.constant 0 : i32
      %cond3A_382 = arith.cmpi ne, %convert_element_type3A_380, %cond3A_381 : i32
      scf.if %cond3A_382 {
        %dma_wait3A_757 = arith.constant 0 : i32
        %dma_wait3A_758 = arith.constant 0 : i32
        %dma_wait3A_759 = arith.constant 1 : i32
        %dma_wait3A_760 = arith.constant 0 : i32
        %dma_wait3A_761 = arith.constant 0 : i32
        %dma_wait3A_762 = arith.constant 0 : i32
        %dma_wait3A_763 = tpu.memref_slice %arg8[%dma_wait3A_759, %dma_wait3A_760, %dma_wait3A_761, %dma_wait3A_762] : memref<4x8x8x129xf32, #tpu.memory_space<vmem>> -> memref<1x8x8x129xf32, #tpu.memory_space<vmem>>
        %dma_wait3A_764 = tpu.memref_squeeze %dma_wait3A_763 : memref<1x8x8x129xf32, #tpu.memory_space<vmem>> -> memref<8x8x129xf32, #tpu.memory_space<vmem>>
        %dma_wait3A_765 = arith.constant 0 : i32
        %dma_wait3A_766 = arith.constant 0 : i32
        %dma_wait3A_767 = arith.constant 0 : i32
        %dma_wait3A_768 = tpu.memref_slice %dma_wait3A_764[%dma_wait3A_765, %dma_wait3A_766, %dma_wait3A_767] : memref<8x8x129xf32, #tpu.memory_space<vmem>> -> memref<8x8x128xf32, #tpu.memory_space<vmem>>
        %dma_wait3A_769 = arith.constant 0 : i32
        %dma_wait3A_770 = arith.constant 0 : i32
        %dma_wait3A_771 = arith.constant 0 : i32
        %dma_wait3A_772 = tpu.memref_slice %arg5[%dma_wait3A_757, %dma_wait3A_769, %dma_wait3A_758, %dma_wait3A_770, %dma_wait3A_771] : memref<200x8x32x8x128xf32, #tpu.memory_space<hbm>> -> memref<1x8x1x8x128xf32, #tpu.memory_space<hbm>>
        %dma_wait3A_773 = tpu.memref_squeeze %dma_wait3A_772 : memref<1x8x1x8x128xf32, #tpu.memory_space<hbm>> -> memref<8x8x128xf32, #tpu.memory_space<hbm>>
        %dma_wait3A_774 = arith.constant 0 : i32
        %dma_wait3A_775 = arith.constant 0 : i32
        %dma_wait3A_776 = arith.constant 0 : i32
        %dma_wait3A_777 = tpu.memref_slice %arg8[%dma_wait3A_759, %dma_wait3A_774, %dma_wait3A_775, %dma_wait3A_776] : memref<4x8x8x129xf32, #tpu.memory_space<vmem>> -> memref<1x8x8x129xf32, #tpu.memory_space<vmem>>
        %dma_wait3A_778 = tpu.memref_squeeze %dma_wait3A_777 : memref<1x8x8x129xf32, #tpu.memory_space<vmem>> -> memref<8x8x129xf32, #tpu.memory_space<vmem>>
        %dma_wait3A_779 = arith.constant 0 : i32
        %dma_wait3A_780 = arith.constant 0 : i32
        %dma_wait3A_781 = arith.constant 0 : i32
        %dma_wait3A_782 = tpu.memref_slice %dma_wait3A_778[%dma_wait3A_779, %dma_wait3A_780, %dma_wait3A_781] : memref<8x8x129xf32, #tpu.memory_space<vmem>> -> memref<8x8x128xf32, #tpu.memory_space<vmem>>
        %dma_wait3A_783 = arith.constant 0 : i32
        %dma_wait3A_784 = arith.constant 0 : i32
        %dma_wait3A_785 = arith.constant 0 : i32
        %dma_wait3A_786 = tpu.memref_slice %arg5[%dma_wait3A_757, %dma_wait3A_783, %dma_wait3A_758, %dma_wait3A_784, %dma_wait3A_785] : memref<200x8x32x8x128xf32, #tpu.memory_space<hbm>> -> memref<1x8x1x8x128xf32, #tpu.memory_space<hbm>>
        %dma_wait3A_787 = tpu.memref_squeeze %dma_wait3A_786 : memref<1x8x1x8x128xf32, #tpu.memory_space<hbm>> -> memref<8x8x128xf32, #tpu.memory_space<hbm>>
        tpu.wait_dma2 semaphore(%arg15 : memref<!tpu.dma_semaphore, #tpu.memory_space<semaphore_mem>>) src(%dma_wait3A_787 : memref<8x8x128xf32, #tpu.memory_space<hbm>>) dst(%dma_wait3A_782 : memref<8x8x128xf32, #tpu.memory_space<vmem>>)
      } else {
      }
      %iota3A_383 = tpu.iota {dimensions = array<i32: 0>} : vector<16xi32>
      %add3A_384 = arith.constant 0 : i32
      %add3A_385 = vector.broadcast %add3A_384 : i32 to vector<16xi32>
      %add3A_386 = arith.addi %iota3A_383, %add3A_385 : vector<16xi32>
      %shift_right_logical3A_387 = arith.constant 3 : i32
      %shift_right_logical3A_388 = vector.broadcast %shift_right_logical3A_387 : i32 to vector<16xi32>
      %shift_right_logical3A_389 = arith.shrui %add3A_386, %shift_right_logical3A_388 : vector<16xi32>
      %add3A_390 = arith.constant 16 : i32
      %add3A_391 = vector.broadcast %add3A_390 : i32 to vector<16xi32>
      %add3A_392 = arith.addi %iota3A_383, %add3A_391 : vector<16xi32>
      %shift_right_logical3A_393 = arith.constant 3 : i32
      %shift_right_logical3A_394 = vector.broadcast %shift_right_logical3A_393 : i32 to vector<16xi32>
      %shift_right_logical3A_395 = arith.shrui %add3A_392, %shift_right_logical3A_394 : vector<16xi32>
      %add3A_396 = arith.constant 32 : i32
      %add3A_397 = vector.broadcast %add3A_396 : i32 to vector<16xi32>
      %add3A_398 = arith.addi %iota3A_383, %add3A_397 : vector<16xi32>
      %shift_right_logical3A_399 = arith.constant 3 : i32
      %shift_right_logical3A_400 = vector.broadcast %shift_right_logical3A_399 : i32 to vector<16xi32>
      %shift_right_logical3A_401 = arith.shrui %add3A_398, %shift_right_logical3A_400 : vector<16xi32>
      %add3A_402 = arith.constant 48 : i32
      %add3A_403 = vector.broadcast %add3A_402 : i32 to vector<16xi32>
      %add3A_404 = arith.addi %iota3A_383, %add3A_403 : vector<16xi32>
      %shift_right_logical3A_405 = arith.constant 3 : i32
      %shift_right_logical3A_406 = vector.broadcast %shift_right_logical3A_405 : i32 to vector<16xi32>
      %shift_right_logical3A_407 = arith.shrui %add3A_404, %shift_right_logical3A_406 : vector<16xi32>
      %add3A_408 = arith.constant 0 : i32
      %add3A_409 = vector.broadcast %add3A_408 : i32 to vector<16xi32>
      %add3A_410 = arith.addi %iota3A_383, %add3A_409 : vector<16xi32>
      %and3A_411 = arith.constant 7 : i32
      %and3A_412 = vector.broadcast %and3A_411 : i32 to vector<16xi32>
      %and3A_413 = arith.andi %add3A_410, %and3A_412 : vector<16xi32>
      %add3A_414 = arith.constant 16 : i32
      %add3A_415 = vector.broadcast %add3A_414 : i32 to vector<16xi32>
      %add3A_416 = arith.addi %iota3A_383, %add3A_415 : vector<16xi32>
      %and3A_417 = arith.constant 7 : i32
      %and3A_418 = vector.broadcast %and3A_417 : i32 to vector<16xi32>
      %and3A_419 = arith.andi %add3A_416, %and3A_418 : vector<16xi32>
      %add3A_420 = arith.constant 32 : i32
      %add3A_421 = vector.broadcast %add3A_420 : i32 to vector<16xi32>
      %add3A_422 = arith.addi %iota3A_383, %add3A_421 : vector<16xi32>
      %and3A_423 = arith.constant 7 : i32
      %and3A_424 = vector.broadcast %and3A_423 : i32 to vector<16xi32>
      %and3A_425 = arith.andi %add3A_422, %and3A_424 : vector<16xi32>
      %add3A_426 = arith.constant 48 : i32
      %add3A_427 = vector.broadcast %add3A_426 : i32 to vector<16xi32>
      %add3A_428 = arith.addi %iota3A_383, %add3A_427 : vector<16xi32>
      %and3A_429 = arith.constant 7 : i32
      %and3A_430 = vector.broadcast %and3A_429 : i32 to vector<16xi32>
      %and3A_431 = arith.andi %add3A_428, %and3A_430 : vector<16xi32>
      %get3A_432 = arith.index_cast %add3A_344 : i32 to index
      %get3A_433 = arith.constant 0 : index
      %get3A_434 = tpu.vector_load %arg9[%get3A_432, %get3A_433] {strides = array<i32>} : memref<200x64xf32, #tpu.memory_space<vmem>>, vector<16xf32>,
      %get3A_435 = arith.index_cast %add3A_344 : i32 to index
      %get3A_436 = arith.constant 16 : index
      %get3A_437 = tpu.vector_load %arg9[%get3A_435, %get3A_436] {strides = array<i32>} : memref<200x64xf32, #tpu.memory_space<vmem>>, vector<16xf32>,
      %get3A_438 = arith.index_cast %add3A_344 : i32 to index
      %get3A_439 = arith.constant 32 : index
      %get3A_440 = tpu.vector_load %arg9[%get3A_438, %get3A_439] {strides = array<i32>} : memref<200x64xf32, #tpu.memory_space<vmem>>, vector<16xf32>,
      %get3A_441 = arith.index_cast %add3A_344 : i32 to index
      %get3A_442 = arith.constant 48 : index
      %get3A_443 = tpu.vector_load %arg9[%get3A_441, %get3A_442] {strides = array<i32>} : memref<200x64xf32, #tpu.memory_space<vmem>>, vector<16xf32>,
      %scan3A_444 = arith.constant 0 : i32
      %scan3A_445 = arith.constant 1 : i32
      %scan3A_446 = arith.constant 1 : i32
      %scan3A_447 = arith.constant 0 : i32
      %scan3A_448 = arith.constant 128 : i32
      %scan3A_449 = arith.addi %scan3A_447, %scan3A_448 : i32
      %scan3A_450 = arith.constant 4 : i32
      scf.for %scan3A_757 = %scan3A_447 to %scan3A_449 step %scan3A_450  : i32 {
        %broadcast_in_dim3A = vector.broadcast %scan3A_757 : i32 to vector<16xi32>
        %get3A_758 = arith.constant 0 : i32
        %get3A_759 = arith.constant 0 : i32
        %get3A_760 = tpu.memref_slice %arg7[%scan3A_445, %get3A_758, %get3A_759] : memref<4x128x64xf32, #tpu.memory_space<vmem>> -> memref<1x128x64xf32, #tpu.memory_space<vmem>>
        %get3A_761 = tpu.memref_squeeze %get3A_760 : memref<1x128x64xf32, #tpu.memory_space<vmem>> -> memref<128x64xf32, #tpu.memory_space<vmem>>
        %get3A_762 = arith.index_cast %scan3A_757 : i32 to index
        %get3A_763 = arith.constant 0 : index
        %get3A_764 = tpu.vector_load %get3A_761[%get3A_762, %get3A_763] {strides = array<i32>} : memref<128x64xf32, #tpu.memory_space<vmem>>, vector<16xf32>,
        %add3A_765 = arith.addf %get3A_764, %get3A_434 : vector<16xf32>
        %max3A = arith.constant 0.000000e+00 : f32
        %max3A_766 = vector.broadcast %max3A : f32 to vector<16xf32>
        %max3A_767 = arith.maximumf %add3A_765, %max3A_766 : vector<16xf32>
        %scatter3A = arith.constant 0 : i32
        %scatter3A_768 = arith.constant 0 : i32
        %scatter3A_769 = arith.constant 0 : i32
        %scatter3A_770 = tpu.memref_slice %arg8[%scan3A_446, %scatter3A, %scatter3A_768, %scatter3A_769] : memref<4x8x8x129xf32, #tpu.memory_space<vmem>> -> memref<1x8x8x129xf32, #tpu.memory_space<vmem>>
        %scatter3A_771 = tpu.memref_squeeze %scatter3A_770 : memref<1x8x8x129xf32, #tpu.memory_space<vmem>> -> memref<8x8x129xf32, #tpu.memory_space<vmem>>
        tpu.vector_store_idx %scatter3A_771[%shift_right_logical3A_389, %and3A_413, %broadcast_in_dim3A], %max3A_767 : memref<8x8x129xf32, #tpu.memory_space<vmem>>[vector<16xi32>, vector<16xi32>, vector<16xi32>], vector<16xf32>,
        %get3A_772 = arith.constant 0 : i32
        %get3A_773 = arith.constant 0 : i32
        %get3A_774 = tpu.memref_slice %arg7[%scan3A_445, %get3A_772, %get3A_773] : memref<4x128x64xf32, #tpu.memory_space<vmem>> -> memref<1x128x64xf32, #tpu.memory_space<vmem>>
        %get3A_775 = tpu.memref_squeeze %get3A_774 : memref<1x128x64xf32, #tpu.memory_space<vmem>> -> memref<128x64xf32, #tpu.memory_space<vmem>>
        %get3A_776 = arith.index_cast %scan3A_757 : i32 to index
        %get3A_777 = arith.constant 16 : index
        %get3A_778 = tpu.vector_load %get3A_775[%get3A_776, %get3A_777] {strides = array<i32>} : memref<128x64xf32, #tpu.memory_space<vmem>>, vector<16xf32>,
        %add3A_779 = arith.addf %get3A_778, %get3A_437 : vector<16xf32>
        %max3A_780 = arith.constant 0.000000e+00 : f32
        %max3A_781 = vector.broadcast %max3A_780 : f32 to vector<16xf32>
        %max3A_782 = arith.maximumf %add3A_779, %max3A_781 : vector<16xf32>
        %scatter3A_783 = arith.constant 0 : i32
        %scatter3A_784 = arith.constant 0 : i32
        %scatter3A_785 = arith.constant 0 : i32
        %scatter3A_786 = tpu.memref_slice %arg8[%scan3A_446, %scatter3A_783, %scatter3A_784, %scatter3A_785] : memref<4x8x8x129xf32, #tpu.memory_space<vmem>> -> memref<1x8x8x129xf32, #tpu.memory_space<vmem>>
        %scatter3A_787 = tpu.memref_squeeze %scatter3A_786 : memref<1x8x8x129xf32, #tpu.memory_space<vmem>> -> memref<8x8x129xf32, #tpu.memory_space<vmem>>
        tpu.vector_store_idx %scatter3A_787[%shift_right_logical3A_395, %and3A_419, %broadcast_in_dim3A], %max3A_782 : memref<8x8x129xf32, #tpu.memory_space<vmem>>[vector<16xi32>, vector<16xi32>, vector<16xi32>], vector<16xf32>,
        %get3A_788 = arith.constant 0 : i32
        %get3A_789 = arith.constant 0 : i32
        %get3A_790 = tpu.memref_slice %arg7[%scan3A_445, %get3A_788, %get3A_789] : memref<4x128x64xf32, #tpu.memory_space<vmem>> -> memref<1x128x64xf32, #tpu.memory_space<vmem>>
        %get3A_791 = tpu.memref_squeeze %get3A_790 : memref<1x128x64xf32, #tpu.memory_space<vmem>> -> memref<128x64xf32, #tpu.memory_space<vmem>>
        %get3A_792 = arith.index_cast %scan3A_757 : i32 to index
        %get3A_793 = arith.constant 32 : index
        %get3A_794 = tpu.vector_load %get3A_791[%get3A_792, %get3A_793] {strides = array<i32>} : memref<128x64xf32, #tpu.memory_space<vmem>>, vector<16xf32>,
        %add3A_795 = arith.addf %get3A_794, %get3A_440 : vector<16xf32>
        %max3A_796 = arith.constant 0.000000e+00 : f32
        %max3A_797 = vector.broadcast %max3A_796 : f32 to vector<16xf32>
        %max3A_798 = arith.maximumf %add3A_795, %max3A_797 : vector<16xf32>
        %scatter3A_799 = arith.constant 0 : i32
        %scatter3A_800 = arith.constant 0 : i32
        %scatter3A_801 = arith.constant 0 : i32
        %scatter3A_802 = tpu.memref_slice %arg8[%scan3A_446, %scatter3A_799, %scatter3A_800, %scatter3A_801] : memref<4x8x8x129xf32, #tpu.memory_space<vmem>> -> memref<1x8x8x129xf32, #tpu.memory_space<vmem>>
        %scatter3A_803 = tpu.memref_squeeze %scatter3A_802 : memref<1x8x8x129xf32, #tpu.memory_space<vmem>> -> memref<8x8x129xf32, #tpu.memory_space<vmem>>
        tpu.vector_store_idx %scatter3A_803[%shift_right_logical3A_401, %and3A_425, %broadcast_in_dim3A], %max3A_798 : memref<8x8x129xf32, #tpu.memory_space<vmem>>[vector<16xi32>, vector<16xi32>, vector<16xi32>], vector<16xf32>,
        %get3A_804 = arith.constant 0 : i32
        %get3A_805 = arith.constant 0 : i32
        %get3A_806 = tpu.memref_slice %arg7[%scan3A_445, %get3A_804, %get3A_805] : memref<4x128x64xf32, #tpu.memory_space<vmem>> -> memref<1x128x64xf32, #tpu.memory_space<vmem>>
        %get3A_807 = tpu.memref_squeeze %get3A_806 : memref<1x128x64xf32, #tpu.memory_space<vmem>> -> memref<128x64xf32, #tpu.memory_space<vmem>>
        %get3A_808 = arith.index_cast %scan3A_757 : i32 to index
        %get3A_809 = arith.constant 48 : index
        %get3A_810 = tpu.vector_load %get3A_807[%get3A_808, %get3A_809] {strides = array<i32>} : memref<128x64xf32, #tpu.memory_space<vmem>>, vector<16xf32>,
        %add3A_811 = arith.addf %get3A_810, %get3A_443 : vector<16xf32>
        %max3A_812 = arith.constant 0.000000e+00 : f32
        %max3A_813 = vector.broadcast %max3A_812 : f32 to vector<16xf32>
        %max3A_814 = arith.maximumf %add3A_811, %max3A_813 : vector<16xf32>
        %scatter3A_815 = arith.constant 0 : i32
        %scatter3A_816 = arith.constant 0 : i32
        %scatter3A_817 = arith.constant 0 : i32
        %scatter3A_818 = tpu.memref_slice %arg8[%scan3A_446, %scatter3A_815, %scatter3A_816, %scatter3A_817] : memref<4x8x8x129xf32, #tpu.memory_space<vmem>> -> memref<1x8x8x129xf32, #tpu.memory_space<vmem>>
        %scatter3A_819 = tpu.memref_squeeze %scatter3A_818 : memref<1x8x8x129xf32, #tpu.memory_space<vmem>> -> memref<8x8x129xf32, #tpu.memory_space<vmem>>
        tpu.vector_store_idx %scatter3A_819[%shift_right_logical3A_407, %and3A_431, %broadcast_in_dim3A], %max3A_814 : memref<8x8x129xf32, #tpu.memory_space<vmem>>[vector<16xi32>, vector<16xi32>, vector<16xi32>], vector<16xf32>,
        %scan3A_820 = arith.constant 1 : i32
        %scan3A_821 = arith.addi %scan3A_757, %scan3A_820 : i32
        %broadcast_in_dim3A_822 = vector.broadcast %scan3A_821 : i32 to vector<16xi32>
        %get3A_823 = arith.constant 0 : i32
        %get3A_824 = arith.constant 0 : i32
        %get3A_825 = tpu.memref_slice %arg7[%scan3A_445, %get3A_823, %get3A_824] : memref<4x128x64xf32, #tpu.memory_space<vmem>> -> memref<1x128x64xf32, #tpu.memory_space<vmem>>
        %get3A_826 = tpu.memref_squeeze %get3A_825 : memref<1x128x64xf32, #tpu.memory_space<vmem>> -> memref<128x64xf32, #tpu.memory_space<vmem>>
        %get3A_827 = arith.index_cast %scan3A_821 : i32 to index
        %get3A_828 = arith.constant 0 : index
        %get3A_829 = tpu.vector_load %get3A_826[%get3A_827, %get3A_828] {strides = array<i32>} : memref<128x64xf32, #tpu.memory_space<vmem>>, vector<16xf32>,
        %add3A_830 = arith.addf %get3A_829, %get3A_434 : vector<16xf32>
        %max3A_831 = arith.constant 0.000000e+00 : f32
        %max3A_832 = vector.broadcast %max3A_831 : f32 to vector<16xf32>
        %max3A_833 = arith.maximumf %add3A_830, %max3A_832 : vector<16xf32>
        %scatter3A_834 = arith.constant 0 : i32
        %scatter3A_835 = arith.constant 0 : i32
        %scatter3A_836 = arith.constant 0 : i32
        %scatter3A_837 = tpu.memref_slice %arg8[%scan3A_446, %scatter3A_834, %scatter3A_835, %scatter3A_836] : memref<4x8x8x129xf32, #tpu.memory_space<vmem>> -> memref<1x8x8x129xf32, #tpu.memory_space<vmem>>
        %scatter3A_838 = tpu.memref_squeeze %scatter3A_837 : memref<1x8x8x129xf32, #tpu.memory_space<vmem>> -> memref<8x8x129xf32, #tpu.memory_space<vmem>>
        tpu.vector_store_idx %scatter3A_838[%shift_right_logical3A_389, %and3A_413, %broadcast_in_dim3A_822], %max3A_833 : memref<8x8x129xf32, #tpu.memory_space<vmem>>[vector<16xi32>, vector<16xi32>, vector<16xi32>], vector<16xf32>,
        %get3A_839 = arith.constant 0 : i32
        %get3A_840 = arith.constant 0 : i32
        %get3A_841 = tpu.memref_slice %arg7[%scan3A_445, %get3A_839, %get3A_840] : memref<4x128x64xf32, #tpu.memory_space<vmem>> -> memref<1x128x64xf32, #tpu.memory_space<vmem>>
        %get3A_842 = tpu.memref_squeeze %get3A_841 : memref<1x128x64xf32, #tpu.memory_space<vmem>> -> memref<128x64xf32, #tpu.memory_space<vmem>>
        %get3A_843 = arith.index_cast %scan3A_821 : i32 to index
        %get3A_844 = arith.constant 16 : index
        %get3A_845 = tpu.vector_load %get3A_842[%get3A_843, %get3A_844] {strides = array<i32>} : memref<128x64xf32, #tpu.memory_space<vmem>>, vector<16xf32>,
        %add3A_846 = arith.addf %get3A_845, %get3A_437 : vector<16xf32>
        %max3A_847 = arith.constant 0.000000e+00 : f32
        %max3A_848 = vector.broadcast %max3A_847 : f32 to vector<16xf32>
        %max3A_849 = arith.maximumf %add3A_846, %max3A_848 : vector<16xf32>
        %scatter3A_850 = arith.constant 0 : i32
        %scatter3A_851 = arith.constant 0 : i32
        %scatter3A_852 = arith.constant 0 : i32
        %scatter3A_853 = tpu.memref_slice %arg8[%scan3A_446, %scatter3A_850, %scatter3A_851, %scatter3A_852] : memref<4x8x8x129xf32, #tpu.memory_space<vmem>> -> memref<1x8x8x129xf32, #tpu.memory_space<vmem>>
        %scatter3A_854 = tpu.memref_squeeze %scatter3A_853 : memref<1x8x8x129xf32, #tpu.memory_space<vmem>> -> memref<8x8x129xf32, #tpu.memory_space<vmem>>
        tpu.vector_store_idx %scatter3A_854[%shift_right_logical3A_395, %and3A_419, %broadcast_in_dim3A_822], %max3A_849 : memref<8x8x129xf32, #tpu.memory_space<vmem>>[vector<16xi32>, vector<16xi32>, vector<16xi32>], vector<16xf32>,
        %get3A_855 = arith.constant 0 : i32
        %get3A_856 = arith.constant 0 : i32
        %get3A_857 = tpu.memref_slice %arg7[%scan3A_445, %get3A_855, %get3A_856] : memref<4x128x64xf32, #tpu.memory_space<vmem>> -> memref<1x128x64xf32, #tpu.memory_space<vmem>>
        %get3A_858 = tpu.memref_squeeze %get3A_857 : memref<1x128x64xf32, #tpu.memory_space<vmem>> -> memref<128x64xf32, #tpu.memory_space<vmem>>
        %get3A_859 = arith.index_cast %scan3A_821 : i32 to index
        %get3A_860 = arith.constant 32 : index
        %get3A_861 = tpu.vector_load %get3A_858[%get3A_859, %get3A_860] {strides = array<i32>} : memref<128x64xf32, #tpu.memory_space<vmem>>, vector<16xf32>,
        %add3A_862 = arith.addf %get3A_861, %get3A_440 : vector<16xf32>
        %max3A_863 = arith.constant 0.000000e+00 : f32
        %max3A_864 = vector.broadcast %max3A_863 : f32 to vector<16xf32>
        %max3A_865 = arith.maximumf %add3A_862, %max3A_864 : vector<16xf32>
        %scatter3A_866 = arith.constant 0 : i32
        %scatter3A_867 = arith.constant 0 : i32
        %scatter3A_868 = arith.constant 0 : i32
        %scatter3A_869 = tpu.memref_slice %arg8[%scan3A_446, %scatter3A_866, %scatter3A_867, %scatter3A_868] : memref<4x8x8x129xf32, #tpu.memory_space<vmem>> -> memref<1x8x8x129xf32, #tpu.memory_space<vmem>>
        %scatter3A_870 = tpu.memref_squeeze %scatter3A_869 : memref<1x8x8x129xf32, #tpu.memory_space<vmem>> -> memref<8x8x129xf32, #tpu.memory_space<vmem>>
        tpu.vector_store_idx %scatter3A_870[%shift_right_logical3A_401, %and3A_425, %broadcast_in_dim3A_822], %max3A_865 : memref<8x8x129xf32, #tpu.memory_space<vmem>>[vector<16xi32>, vector<16xi32>, vector<16xi32>], vector<16xf32>,
        %get3A_871 = arith.constant 0 : i32
        %get3A_872 = arith.constant 0 : i32
        %get3A_873 = tpu.memref_slice %arg7[%scan3A_445, %get3A_871, %get3A_872] : memref<4x128x64xf32, #tpu.memory_space<vmem>> -> memref<1x128x64xf32, #tpu.memory_space<vmem>>
        %get3A_874 = tpu.memref_squeeze %get3A_873 : memref<1x128x64xf32, #tpu.memory_space<vmem>> -> memref<128x64xf32, #tpu.memory_space<vmem>>
        %get3A_875 = arith.index_cast %scan3A_821 : i32 to index
        %get3A_876 = arith.constant 48 : index
        %get3A_877 = tpu.vector_load %get3A_874[%get3A_875, %get3A_876] {strides = array<i32>} : memref<128x64xf32, #tpu.memory_space<vmem>>, vector<16xf32>,
        %add3A_878 = arith.addf %get3A_877, %get3A_443 : vector<16xf32>
        %max3A_879 = arith.constant 0.000000e+00 : f32
        %max3A_880 = vector.broadcast %max3A_879 : f32 to vector<16xf32>
        %max3A_881 = arith.maximumf %add3A_878, %max3A_880 : vector<16xf32>
        %scatter3A_882 = arith.constant 0 : i32
        %scatter3A_883 = arith.constant 0 : i32
        %scatter3A_884 = arith.constant 0 : i32
        %scatter3A_885 = tpu.memref_slice %arg8[%scan3A_446, %scatter3A_882, %scatter3A_883, %scatter3A_884] : memref<4x8x8x129xf32, #tpu.memory_space<vmem>> -> memref<1x8x8x129xf32, #tpu.memory_space<vmem>>
        %scatter3A_886 = tpu.memref_squeeze %scatter3A_885 : memref<1x8x8x129xf32, #tpu.memory_space<vmem>> -> memref<8x8x129xf32, #tpu.memory_space<vmem>>
        tpu.vector_store_idx %scatter3A_886[%shift_right_logical3A_407, %and3A_431, %broadcast_in_dim3A_822], %max3A_881 : memref<8x8x129xf32, #tpu.memory_space<vmem>>[vector<16xi32>, vector<16xi32>, vector<16xi32>], vector<16xf32>,
        %scan3A_887 = arith.constant 2 : i32
        %scan3A_888 = arith.addi %scan3A_757, %scan3A_887 : i32
        %broadcast_in_dim3A_889 = vector.broadcast %scan3A_888 : i32 to vector<16xi32>
        %get3A_890 = arith.constant 0 : i32
        %get3A_891 = arith.constant 0 : i32
        %get3A_892 = tpu.memref_slice %arg7[%scan3A_445, %get3A_890, %get3A_891] : memref<4x128x64xf32, #tpu.memory_space<vmem>> -> memref<1x128x64xf32, #tpu.memory_space<vmem>>
        %get3A_893 = tpu.memref_squeeze %get3A_892 : memref<1x128x64xf32, #tpu.memory_space<vmem>> -> memref<128x64xf32, #tpu.memory_space<vmem>>
        %get3A_894 = arith.index_cast %scan3A_888 : i32 to index
        %get3A_895 = arith.constant 0 : index
        %get3A_896 = tpu.vector_load %get3A_893[%get3A_894, %get3A_895] {strides = array<i32>} : memref<128x64xf32, #tpu.memory_space<vmem>>, vector<16xf32>,
        %add3A_897 = arith.addf %get3A_896, %get3A_434 : vector<16xf32>
        %max3A_898 = arith.constant 0.000000e+00 : f32
        %max3A_899 = vector.broadcast %max3A_898 : f32 to vector<16xf32>
        %max3A_900 = arith.maximumf %add3A_897, %max3A_899 : vector<16xf32>
        %scatter3A_901 = arith.constant 0 : i32
        %scatter3A_902 = arith.constant 0 : i32
        %scatter3A_903 = arith.constant 0 : i32
        %scatter3A_904 = tpu.memref_slice %arg8[%scan3A_446, %scatter3A_901, %scatter3A_902, %scatter3A_903] : memref<4x8x8x129xf32, #tpu.memory_space<vmem>> -> memref<1x8x8x129xf32, #tpu.memory_space<vmem>>
        %scatter3A_905 = tpu.memref_squeeze %scatter3A_904 : memref<1x8x8x129xf32, #tpu.memory_space<vmem>> -> memref<8x8x129xf32, #tpu.memory_space<vmem>>
        tpu.vector_store_idx %scatter3A_905[%shift_right_logical3A_389, %and3A_413, %broadcast_in_dim3A_889], %max3A_900 : memref<8x8x129xf32, #tpu.memory_space<vmem>>[vector<16xi32>, vector<16xi32>, vector<16xi32>], vector<16xf32>,
        %get3A_906 = arith.constant 0 : i32
        %get3A_907 = arith.constant 0 : i32
        %get3A_908 = tpu.memref_slice %arg7[%scan3A_445, %get3A_906, %get3A_907] : memref<4x128x64xf32, #tpu.memory_space<vmem>> -> memref<1x128x64xf32, #tpu.memory_space<vmem>>
        %get3A_909 = tpu.memref_squeeze %get3A_908 : memref<1x128x64xf32, #tpu.memory_space<vmem>> -> memref<128x64xf32, #tpu.memory_space<vmem>>
        %get3A_910 = arith.index_cast %scan3A_888 : i32 to index
        %get3A_911 = arith.constant 16 : index
        %get3A_912 = tpu.vector_load %get3A_909[%get3A_910, %get3A_911] {strides = array<i32>} : memref<128x64xf32, #tpu.memory_space<vmem>>, vector<16xf32>,
        %add3A_913 = arith.addf %get3A_912, %get3A_437 : vector<16xf32>
        %max3A_914 = arith.constant 0.000000e+00 : f32
        %max3A_915 = vector.broadcast %max3A_914 : f32 to vector<16xf32>
        %max3A_916 = arith.maximumf %add3A_913, %max3A_915 : vector<16xf32>
        %scatter3A_917 = arith.constant 0 : i32
        %scatter3A_918 = arith.constant 0 : i32
        %scatter3A_919 = arith.constant 0 : i32
        %scatter3A_920 = tpu.memref_slice %arg8[%scan3A_446, %scatter3A_917, %scatter3A_918, %scatter3A_919] : memref<4x8x8x129xf32, #tpu.memory_space<vmem>> -> memref<1x8x8x129xf32, #tpu.memory_space<vmem>>
        %scatter3A_921 = tpu.memref_squeeze %scatter3A_920 : memref<1x8x8x129xf32, #tpu.memory_space<vmem>> -> memref<8x8x129xf32, #tpu.memory_space<vmem>>
        tpu.vector_store_idx %scatter3A_921[%shift_right_logical3A_395, %and3A_419, %broadcast_in_dim3A_889], %max3A_916 : memref<8x8x129xf32, #tpu.memory_space<vmem>>[vector<16xi32>, vector<16xi32>, vector<16xi32>], vector<16xf32>,
        %get3A_922 = arith.constant 0 : i32
        %get3A_923 = arith.constant 0 : i32
        %get3A_924 = tpu.memref_slice %arg7[%scan3A_445, %get3A_922, %get3A_923] : memref<4x128x64xf32, #tpu.memory_space<vmem>> -> memref<1x128x64xf32, #tpu.memory_space<vmem>>
        %get3A_925 = tpu.memref_squeeze %get3A_924 : memref<1x128x64xf32, #tpu.memory_space<vmem>> -> memref<128x64xf32, #tpu.memory_space<vmem>>
        %get3A_926 = arith.index_cast %scan3A_888 : i32 to index
        %get3A_927 = arith.constant 32 : index
        %get3A_928 = tpu.vector_load %get3A_925[%get3A_926, %get3A_927] {strides = array<i32>} : memref<128x64xf32, #tpu.memory_space<vmem>>, vector<16xf32>,
        %add3A_929 = arith.addf %get3A_928, %get3A_440 : vector<16xf32>
        %max3A_930 = arith.constant 0.000000e+00 : f32
        %max3A_931 = vector.broadcast %max3A_930 : f32 to vector<16xf32>
        %max3A_932 = arith.maximumf %add3A_929, %max3A_931 : vector<16xf32>
        %scatter3A_933 = arith.constant 0 : i32
        %scatter3A_934 = arith.constant 0 : i32
        %scatter3A_935 = arith.constant 0 : i32
        %scatter3A_936 = tpu.memref_slice %arg8[%scan3A_446, %scatter3A_933, %scatter3A_934, %scatter3A_935] : memref<4x8x8x129xf32, #tpu.memory_space<vmem>> -> memref<1x8x8x129xf32, #tpu.memory_space<vmem>>
        %scatter3A_937 = tpu.memref_squeeze %scatter3A_936 : memref<1x8x8x129xf32, #tpu.memory_space<vmem>> -> memref<8x8x129xf32, #tpu.memory_space<vmem>>
        tpu.vector_store_idx %scatter3A_937[%shift_right_logical3A_401, %and3A_425, %broadcast_in_dim3A_889], %max3A_932 : memref<8x8x129xf32, #tpu.memory_space<vmem>>[vector<16xi32>, vector<16xi32>, vector<16xi32>], vector<16xf32>,
        %get3A_938 = arith.constant 0 : i32
        %get3A_939 = arith.constant 0 : i32
        %get3A_940 = tpu.memref_slice %arg7[%scan3A_445, %get3A_938, %get3A_939] : memref<4x128x64xf32, #tpu.memory_space<vmem>> -> memref<1x128x64xf32, #tpu.memory_space<vmem>>
        %get3A_941 = tpu.memref_squeeze %get3A_940 : memref<1x128x64xf32, #tpu.memory_space<vmem>> -> memref<128x64xf32, #tpu.memory_space<vmem>>
        %get3A_942 = arith.index_cast %scan3A_888 : i32 to index
        %get3A_943 = arith.constant 48 : index
        %get3A_944 = tpu.vector_load %get3A_941[%get3A_942, %get3A_943] {strides = array<i32>} : memref<128x64xf32, #tpu.memory_space<vmem>>, vector<16xf32>,
        %add3A_945 = arith.addf %get3A_944, %get3A_443 : vector<16xf32>
        %max3A_946 = arith.constant 0.000000e+00 : f32
        %max3A_947 = vector.broadcast %max3A_946 : f32 to vector<16xf32>
        %max3A_948 = arith.maximumf %add3A_945, %max3A_947 : vector<16xf32>
        %scatter3A_949 = arith.constant 0 : i32
        %scatter3A_950 = arith.constant 0 : i32
        %scatter3A_951 = arith.constant 0 : i32
        %scatter3A_952 = tpu.memref_slice %arg8[%scan3A_446, %scatter3A_949, %scatter3A_950, %scatter3A_951] : memref<4x8x8x129xf32, #tpu.memory_space<vmem>> -> memref<1x8x8x129xf32, #tpu.memory_space<vmem>>
        %scatter3A_953 = tpu.memref_squeeze %scatter3A_952 : memref<1x8x8x129xf32, #tpu.memory_space<vmem>> -> memref<8x8x129xf32, #tpu.memory_space<vmem>>
        tpu.vector_store_idx %scatter3A_953[%shift_right_logical3A_407, %and3A_431, %broadcast_in_dim3A_889], %max3A_948 : memref<8x8x129xf32, #tpu.memory_space<vmem>>[vector<16xi32>, vector<16xi32>, vector<16xi32>], vector<16xf32>,
        %scan3A_954 = arith.constant 3 : i32
        %scan3A_955 = arith.addi %scan3A_757, %scan3A_954 : i32
        %broadcast_in_dim3A_956 = vector.broadcast %scan3A_955 : i32 to vector<16xi32>
        %get3A_957 = arith.constant 0 : i32
        %get3A_958 = arith.constant 0 : i32
        %get3A_959 = tpu.memref_slice %arg7[%scan3A_445, %get3A_957, %get3A_958] : memref<4x128x64xf32, #tpu.memory_space<vmem>> -> memref<1x128x64xf32, #tpu.memory_space<vmem>>
        %get3A_960 = tpu.memref_squeeze %get3A_959 : memref<1x128x64xf32, #tpu.memory_space<vmem>> -> memref<128x64xf32, #tpu.memory_space<vmem>>
        %get3A_961 = arith.index_cast %scan3A_955 : i32 to index
        %get3A_962 = arith.constant 0 : index
        %get3A_963 = tpu.vector_load %get3A_960[%get3A_961, %get3A_962] {strides = array<i32>} : memref<128x64xf32, #tpu.memory_space<vmem>>, vector<16xf32>,
        %add3A_964 = arith.addf %get3A_963, %get3A_434 : vector<16xf32>
        %max3A_965 = arith.constant 0.000000e+00 : f32
        %max3A_966 = vector.broadcast %max3A_965 : f32 to vector<16xf32>
        %max3A_967 = arith.maximumf %add3A_964, %max3A_966 : vector<16xf32>
        %scatter3A_968 = arith.constant 0 : i32
        %scatter3A_969 = arith.constant 0 : i32
        %scatter3A_970 = arith.constant 0 : i32
        %scatter3A_971 = tpu.memref_slice %arg8[%scan3A_446, %scatter3A_968, %scatter3A_969, %scatter3A_970] : memref<4x8x8x129xf32, #tpu.memory_space<vmem>> -> memref<1x8x8x129xf32, #tpu.memory_space<vmem>>
        %scatter3A_972 = tpu.memref_squeeze %scatter3A_971 : memref<1x8x8x129xf32, #tpu.memory_space<vmem>> -> memref<8x8x129xf32, #tpu.memory_space<vmem>>
        tpu.vector_store_idx %scatter3A_972[%shift_right_logical3A_389, %and3A_413, %broadcast_in_dim3A_956], %max3A_967 : memref<8x8x129xf32, #tpu.memory_space<vmem>>[vector<16xi32>, vector<16xi32>, vector<16xi32>], vector<16xf32>,
        %get3A_973 = arith.constant 0 : i32
        %get3A_974 = arith.constant 0 : i32
        %get3A_975 = tpu.memref_slice %arg7[%scan3A_445, %get3A_973, %get3A_974] : memref<4x128x64xf32, #tpu.memory_space<vmem>> -> memref<1x128x64xf32, #tpu.memory_space<vmem>>
        %get3A_976 = tpu.memref_squeeze %get3A_975 : memref<1x128x64xf32, #tpu.memory_space<vmem>> -> memref<128x64xf32, #tpu.memory_space<vmem>>
        %get3A_977 = arith.index_cast %scan3A_955 : i32 to index
        %get3A_978 = arith.constant 16 : index
        %get3A_979 = tpu.vector_load %get3A_976[%get3A_977, %get3A_978] {strides = array<i32>} : memref<128x64xf32, #tpu.memory_space<vmem>>, vector<16xf32>,
        %add3A_980 = arith.addf %get3A_979, %get3A_437 : vector<16xf32>
        %max3A_981 = arith.constant 0.000000e+00 : f32
        %max3A_982 = vector.broadcast %max3A_981 : f32 to vector<16xf32>
        %max3A_983 = arith.maximumf %add3A_980, %max3A_982 : vector<16xf32>
        %scatter3A_984 = arith.constant 0 : i32
        %scatter3A_985 = arith.constant 0 : i32
        %scatter3A_986 = arith.constant 0 : i32
        %scatter3A_987 = tpu.memref_slice %arg8[%scan3A_446, %scatter3A_984, %scatter3A_985, %scatter3A_986] : memref<4x8x8x129xf32, #tpu.memory_space<vmem>> -> memref<1x8x8x129xf32, #tpu.memory_space<vmem>>
        %scatter3A_988 = tpu.memref_squeeze %scatter3A_987 : memref<1x8x8x129xf32, #tpu.memory_space<vmem>> -> memref<8x8x129xf32, #tpu.memory_space<vmem>>
        tpu.vector_store_idx %scatter3A_988[%shift_right_logical3A_395, %and3A_419, %broadcast_in_dim3A_956], %max3A_983 : memref<8x8x129xf32, #tpu.memory_space<vmem>>[vector<16xi32>, vector<16xi32>, vector<16xi32>], vector<16xf32>,
        %get3A_989 = arith.constant 0 : i32
        %get3A_990 = arith.constant 0 : i32
        %get3A_991 = tpu.memref_slice %arg7[%scan3A_445, %get3A_989, %get3A_990] : memref<4x128x64xf32, #tpu.memory_space<vmem>> -> memref<1x128x64xf32, #tpu.memory_space<vmem>>
        %get3A_992 = tpu.memref_squeeze %get3A_991 : memref<1x128x64xf32, #tpu.memory_space<vmem>> -> memref<128x64xf32, #tpu.memory_space<vmem>>
        %get3A_993 = arith.index_cast %scan3A_955 : i32 to index
        %get3A_994 = arith.constant 32 : index
        %get3A_995 = tpu.vector_load %get3A_992[%get3A_993, %get3A_994] {strides = array<i32>} : memref<128x64xf32, #tpu.memory_space<vmem>>, vector<16xf32>,
        %add3A_996 = arith.addf %get3A_995, %get3A_440 : vector<16xf32>
        %max3A_997 = arith.constant 0.000000e+00 : f32
        %max3A_998 = vector.broadcast %max3A_997 : f32 to vector<16xf32>
        %max3A_999 = arith.maximumf %add3A_996, %max3A_998 : vector<16xf32>
        %scatter3A_1000 = arith.constant 0 : i32
        %scatter3A_1001 = arith.constant 0 : i32
        %scatter3A_1002 = arith.constant 0 : i32
        %scatter3A_1003 = tpu.memref_slice %arg8[%scan3A_446, %scatter3A_1000, %scatter3A_1001, %scatter3A_1002] : memref<4x8x8x129xf32, #tpu.memory_space<vmem>> -> memref<1x8x8x129xf32, #tpu.memory_space<vmem>>
        %scatter3A_1004 = tpu.memref_squeeze %scatter3A_1003 : memref<1x8x8x129xf32, #tpu.memory_space<vmem>> -> memref<8x8x129xf32, #tpu.memory_space<vmem>>
        tpu.vector_store_idx %scatter3A_1004[%shift_right_logical3A_401, %and3A_425, %broadcast_in_dim3A_956], %max3A_999 : memref<8x8x129xf32, #tpu.memory_space<vmem>>[vector<16xi32>, vector<16xi32>, vector<16xi32>], vector<16xf32>,
        %get3A_1005 = arith.constant 0 : i32
        %get3A_1006 = arith.constant 0 : i32
        %get3A_1007 = tpu.memref_slice %arg7[%scan3A_445, %get3A_1005, %get3A_1006] : memref<4x128x64xf32, #tpu.memory_space<vmem>> -> memref<1x128x64xf32, #tpu.memory_space<vmem>>
        %get3A_1008 = tpu.memref_squeeze %get3A_1007 : memref<1x128x64xf32, #tpu.memory_space<vmem>> -> memref<128x64xf32, #tpu.memory_space<vmem>>
        %get3A_1009 = arith.index_cast %scan3A_955 : i32 to index
        %get3A_1010 = arith.constant 48 : index
        %get3A_1011 = tpu.vector_load %get3A_1008[%get3A_1009, %get3A_1010] {strides = array<i32>} : memref<128x64xf32, #tpu.memory_space<vmem>>, vector<16xf32>,
        %add3A_1012 = arith.addf %get3A_1011, %get3A_443 : vector<16xf32>
        %max3A_1013 = arith.constant 0.000000e+00 : f32
        %max3A_1014 = vector.broadcast %max3A_1013 : f32 to vector<16xf32>
        %max3A_1015 = arith.maximumf %add3A_1012, %max3A_1014 : vector<16xf32>
        %scatter3A_1016 = arith.constant 0 : i32
        %scatter3A_1017 = arith.constant 0 : i32
        %scatter3A_1018 = arith.constant 0 : i32
        %scatter3A_1019 = tpu.memref_slice %arg8[%scan3A_446, %scatter3A_1016, %scatter3A_1017, %scatter3A_1018] : memref<4x8x8x129xf32, #tpu.memory_space<vmem>> -> memref<1x8x8x129xf32, #tpu.memory_space<vmem>>
        %scatter3A_1020 = tpu.memref_squeeze %scatter3A_1019 : memref<1x8x8x129xf32, #tpu.memory_space<vmem>> -> memref<8x8x129xf32, #tpu.memory_space<vmem>>
        tpu.vector_store_idx %scatter3A_1020[%shift_right_logical3A_407, %and3A_431, %broadcast_in_dim3A_956], %max3A_1015 : memref<8x8x129xf32, #tpu.memory_space<vmem>>[vector<16xi32>, vector<16xi32>, vector<16xi32>], vector<16xf32>,
      }
      %scan3A_451 = arith.constant 128 : i32
      %dma_start3A_452 = arith.constant 1 : i32
      %dma_start3A_453 = arith.constant 0 : i32
      %dma_start3A_454 = arith.constant 0 : i32
      %dma_start3A_455 = arith.constant 0 : i32
      %dma_start3A_456 = tpu.memref_slice %arg8[%dma_start3A_452, %dma_start3A_453, %dma_start3A_454, %dma_start3A_455] : memref<4x8x8x129xf32, #tpu.memory_space<vmem>> -> memref<1x8x8x129xf32, #tpu.memory_space<vmem>>
      %dma_start3A_457 = tpu.memref_squeeze %dma_start3A_456 : memref<1x8x8x129xf32, #tpu.memory_space<vmem>> -> memref<8x8x129xf32, #tpu.memory_space<vmem>>
      %dma_start3A_458 = arith.constant 0 : i32
      %dma_start3A_459 = arith.constant 0 : i32
      %dma_start3A_460 = arith.constant 0 : i32
      %dma_start3A_461 = tpu.memref_slice %dma_start3A_457[%dma_start3A_458, %dma_start3A_459, %dma_start3A_460] : memref<8x8x129xf32, #tpu.memory_space<vmem>> -> memref<8x8x128xf32, #tpu.memory_space<vmem>>
      %dma_start3A_462 = arith.constant 0 : i32
      %dma_start3A_463 = arith.constant 0 : i32
      %dma_start3A_464 = arith.constant 0 : i32
      %dma_start3A_465 = tpu.memref_slice %arg5[%add3A_344, %dma_start3A_462, %add3A, %dma_start3A_463, %dma_start3A_464] : memref<200x8x32x8x128xf32, #tpu.memory_space<hbm>> -> memref<1x8x1x8x128xf32, #tpu.memory_space<hbm>>
      %dma_start3A_466 = tpu.memref_squeeze %dma_start3A_465 : memref<1x8x1x8x128xf32, #tpu.memory_space<hbm>> -> memref<8x8x128xf32, #tpu.memory_space<hbm>>
      %dma_start3A_467 = arith.constant 0 : i32
      %dma_start3A_468 = arith.constant 0 : i32
      %dma_start3A_469 = arith.constant 0 : i32
      %dma_start3A_470 = tpu.memref_slice %arg5[%add3A_344, %dma_start3A_467, %add3A, %dma_start3A_468, %dma_start3A_469] : memref<200x8x32x8x128xf32, #tpu.memory_space<hbm>> -> memref<1x8x1x8x128xf32, #tpu.memory_space<hbm>>
      %dma_start3A_471 = tpu.memref_squeeze %dma_start3A_470 : memref<1x8x1x8x128xf32, #tpu.memory_space<hbm>> -> memref<8x8x128xf32, #tpu.memory_space<hbm>>
      %dma_start3A_472 = arith.constant 0 : i32
      %dma_start3A_473 = arith.constant 0 : i32
      %dma_start3A_474 = arith.constant 0 : i32
      %dma_start3A_475 = tpu.memref_slice %arg8[%dma_start3A_452, %dma_start3A_472, %dma_start3A_473, %dma_start3A_474] : memref<4x8x8x129xf32, #tpu.memory_space<vmem>> -> memref<1x8x8x129xf32, #tpu.memory_space<vmem>>
      %dma_start3A_476 = tpu.memref_squeeze %dma_start3A_475 : memref<1x8x8x129xf32, #tpu.memory_space<vmem>> -> memref<8x8x129xf32, #tpu.memory_space<vmem>>
      %dma_start3A_477 = arith.constant 0 : i32
      %dma_start3A_478 = arith.constant 0 : i32
      %dma_start3A_479 = arith.constant 0 : i32
      %dma_start3A_480 = tpu.memref_slice %dma_start3A_476[%dma_start3A_477, %dma_start3A_478, %dma_start3A_479] : memref<8x8x129xf32, #tpu.memory_space<vmem>> -> memref<8x8x128xf32, #tpu.memory_space<vmem>>
      tpu.enqueue_dma source(%dma_start3A_480 : memref<8x8x128xf32, #tpu.memory_space<vmem>>) target(%dma_start3A_471 : memref<8x8x128xf32, #tpu.memory_space<hbm>>) target_semaphore(%arg15 : memref<!tpu.dma_semaphore, #tpu.memory_space<semaphore_mem>>)
      %add3A_481 = arith.constant 2 : i32
      %add3A_482 = arith.addi %mul3A_213, %add3A_481 : i32
      %add3A_483 = arith.constant 3 : i32
      %add3A_484 = arith.addi %add3A_482, %add3A_483 : i32
      %ge3A_485 = arith.constant 200 : i32
      %ge3A_486 = arith.cmpi sge, %add3A_484, %ge3A_485 : i32
      %sub3A_487 = arith.constant 200 : i32
      %sub3A_488 = arith.subi %add3A_484, %sub3A_487 : i32
      %select_n3A_489 = arith.select %ge3A_486, %sub3A_488, %add3A_484 : i32
      %dma_start3A_490 = arith.constant 1 : i32
      %dma_start3A_491 = arith.constant 0 : i32
      %dma_start3A_492 = arith.constant 0 : i32
      %dma_start3A_493 = tpu.memref_slice %arg7[%dma_start3A_490, %dma_start3A_491, %dma_start3A_492] : memref<4x128x64xf32, #tpu.memory_space<vmem>> -> memref<1x128x64xf32, #tpu.memory_space<vmem>>
      %dma_start3A_494 = tpu.memref_squeeze %dma_start3A_493 : memref<1x128x64xf32, #tpu.memory_space<vmem>> -> memref<128x64xf32, #tpu.memory_space<vmem>>
      %dma_start3A_495 = arith.constant 0 : i32
      %dma_start3A_496 = tpu.memref_slice %arg6[%select_n3A_489, %dma_start3A_495] : memref<200x128xi32, #tpu.memory_space<vmem>> -> memref<1x128xi32, #tpu.memory_space<vmem>>
      %dma_start3A_497 = tpu.memref_squeeze %dma_start3A_496 : memref<1x128xi32, #tpu.memory_space<vmem>> -> memref<128xi32, #tpu.memory_space<vmem>>
      %dma_start3A_498 = arith.constant 0 : i32
      %dma_start3A_499 = arith.constant 0 : i32
      %dma_start3A_500 = tpu.memref_slice %arg3[%dma_start3A_498, %dma_start3A_499] : memref<1000000x64xf32, #tpu.memory_space<hbm>> -> memref<1000000x64xf32, #tpu.memory_space<hbm>>
      tpu.enqueue_indirect_dma source(%dma_start3A_500 : memref<1000000x64xf32, #tpu.memory_space<hbm>>) target(%dma_start3A_494 : memref<128x64xf32, #tpu.memory_space<vmem>>) offsets(%dma_start3A_497 : memref<128xi32, #tpu.memory_space<vmem>>) semaphore(%arg11 : memref<!tpu.dma_semaphore, #tpu.memory_space<semaphore_mem>>)
      %dma_wait3A_501 = arith.constant 2 : i32
      %dma_wait3A_502 = arith.constant 0 : i32
      %dma_wait3A_503 = arith.constant 0 : i32
      %dma_wait3A_504 = tpu.memref_slice %arg7[%dma_wait3A_501, %dma_wait3A_502, %dma_wait3A_503] : memref<4x128x64xf32, #tpu.memory_space<vmem>> -> memref<1x128x64xf32, #tpu.memory_space<vmem>>
      %dma_wait3A_505 = tpu.memref_squeeze %dma_wait3A_504 : memref<1x128x64xf32, #tpu.memory_space<vmem>> -> memref<128x64xf32, #tpu.memory_space<vmem>>
      %dma_wait3A_506 = arith.constant 0 : i32
      %dma_wait3A_507 = arith.constant 0 : i32
      %dma_wait3A_508 = tpu.memref_slice %arg3[%dma_wait3A_506, %dma_wait3A_507] : memref<1000000x64xf32, #tpu.memory_space<hbm>> -> memref<128x64xf32, #tpu.memory_space<hbm>>
      %dma_wait3A_509 = arith.constant 0 : i32
      %dma_wait3A_510 = arith.constant 0 : i32
      %dma_wait3A_511 = tpu.memref_slice %arg7[%dma_wait3A_501, %dma_wait3A_509, %dma_wait3A_510] : memref<4x128x64xf32, #tpu.memory_space<vmem>> -> memref<1x128x64xf32, #tpu.memory_space<vmem>>
      %dma_wait3A_512 = tpu.memref_squeeze %dma_wait3A_511 : memref<1x128x64xf32, #tpu.memory_space<vmem>> -> memref<128x64xf32, #tpu.memory_space<vmem>>
      %dma_wait3A_513 = arith.constant 0 : i32
      %dma_wait3A_514 = arith.constant 0 : i32
      %dma_wait3A_515 = tpu.memref_slice %arg3[%dma_wait3A_513, %dma_wait3A_514] : memref<1000000x64xf32, #tpu.memory_space<hbm>> -> memref<128x64xf32, #tpu.memory_space<hbm>>
      tpu.wait_dma2 semaphore(%arg12 : memref<!tpu.dma_semaphore, #tpu.memory_space<semaphore_mem>>) src(%dma_wait3A_515 : memref<128x64xf32, #tpu.memory_space<hbm>>) dst(%dma_wait3A_512 : memref<128x64xf32, #tpu.memory_space<vmem>>)
      %ge3A_516 = arith.constant 4 : i32
      %ge3A_517 = arith.cmpi sge, %add3A_482, %ge3A_516 : i32
      %convert_element_type3A_518 = arith.extui %ge3A_517 : i1 to i32
      %cond3A_519 = arith.constant 0 : i32
      %cond3A_520 = arith.cmpi ne, %convert_element_type3A_518, %cond3A_519 : i32
      scf.if %cond3A_520 {
        %dma_wait3A_757 = arith.constant 0 : i32
        %dma_wait3A_758 = arith.constant 0 : i32
        %dma_wait3A_759 = arith.constant 2 : i32
        %dma_wait3A_760 = arith.constant 0 : i32
        %dma_wait3A_761 = arith.constant 0 : i32
        %dma_wait3A_762 = arith.constant 0 : i32
        %dma_wait3A_763 = tpu.memref_slice %arg8[%dma_wait3A_759, %dma_wait3A_760, %dma_wait3A_761, %dma_wait3A_762] : memref<4x8x8x129xf32, #tpu.memory_space<vmem>> -> memref<1x8x8x129xf32, #tpu.memory_space<vmem>>
        %dma_wait3A_764 = tpu.memref_squeeze %dma_wait3A_763 : memref<1x8x8x129xf32, #tpu.memory_space<vmem>> -> memref<8x8x129xf32, #tpu.memory_space<vmem>>
        %dma_wait3A_765 = arith.constant 0 : i32
        %dma_wait3A_766 = arith.constant 0 : i32
        %dma_wait3A_767 = arith.constant 0 : i32
        %dma_wait3A_768 = tpu.memref_slice %dma_wait3A_764[%dma_wait3A_765, %dma_wait3A_766, %dma_wait3A_767] : memref<8x8x129xf32, #tpu.memory_space<vmem>> -> memref<8x8x128xf32, #tpu.memory_space<vmem>>
        %dma_wait3A_769 = arith.constant 0 : i32
        %dma_wait3A_770 = arith.constant 0 : i32
        %dma_wait3A_771 = arith.constant 0 : i32
        %dma_wait3A_772 = tpu.memref_slice %arg5[%dma_wait3A_757, %dma_wait3A_769, %dma_wait3A_758, %dma_wait3A_770, %dma_wait3A_771] : memref<200x8x32x8x128xf32, #tpu.memory_space<hbm>> -> memref<1x8x1x8x128xf32, #tpu.memory_space<hbm>>
        %dma_wait3A_773 = tpu.memref_squeeze %dma_wait3A_772 : memref<1x8x1x8x128xf32, #tpu.memory_space<hbm>> -> memref<8x8x128xf32, #tpu.memory_space<hbm>>
        %dma_wait3A_774 = arith.constant 0 : i32
        %dma_wait3A_775 = arith.constant 0 : i32
        %dma_wait3A_776 = arith.constant 0 : i32
        %dma_wait3A_777 = tpu.memref_slice %arg8[%dma_wait3A_759, %dma_wait3A_774, %dma_wait3A_775, %dma_wait3A_776] : memref<4x8x8x129xf32, #tpu.memory_space<vmem>> -> memref<1x8x8x129xf32, #tpu.memory_space<vmem>>
        %dma_wait3A_778 = tpu.memref_squeeze %dma_wait3A_777 : memref<1x8x8x129xf32, #tpu.memory_space<vmem>> -> memref<8x8x129xf32, #tpu.memory_space<vmem>>
        %dma_wait3A_779 = arith.constant 0 : i32
        %dma_wait3A_780 = arith.constant 0 : i32
        %dma_wait3A_781 = arith.constant 0 : i32
        %dma_wait3A_782 = tpu.memref_slice %dma_wait3A_778[%dma_wait3A_779, %dma_wait3A_780, %dma_wait3A_781] : memref<8x8x129xf32, #tpu.memory_space<vmem>> -> memref<8x8x128xf32, #tpu.memory_space<vmem>>
        %dma_wait3A_783 = arith.constant 0 : i32
        %dma_wait3A_784 = arith.constant 0 : i32
        %dma_wait3A_785 = arith.constant 0 : i32
        %dma_wait3A_786 = tpu.memref_slice %arg5[%dma_wait3A_757, %dma_wait3A_783, %dma_wait3A_758, %dma_wait3A_784, %dma_wait3A_785] : memref<200x8x32x8x128xf32, #tpu.memory_space<hbm>> -> memref<1x8x1x8x128xf32, #tpu.memory_space<hbm>>
        %dma_wait3A_787 = tpu.memref_squeeze %dma_wait3A_786 : memref<1x8x1x8x128xf32, #tpu.memory_space<hbm>> -> memref<8x8x128xf32, #tpu.memory_space<hbm>>
        tpu.wait_dma2 semaphore(%arg16 : memref<!tpu.dma_semaphore, #tpu.memory_space<semaphore_mem>>) src(%dma_wait3A_787 : memref<8x8x128xf32, #tpu.memory_space<hbm>>) dst(%dma_wait3A_782 : memref<8x8x128xf32, #tpu.memory_space<vmem>>)
      } else {
      }
      %iota3A_521 = tpu.iota {dimensions = array<i32: 0>} : vector<16xi32>
      %add3A_522 = arith.constant 0 : i32
      %add3A_523 = vector.broadcast %add3A_522 : i32 to vector<16xi32>
      %add3A_524 = arith.addi %iota3A_521, %add3A_523 : vector<16xi32>
      %shift_right_logical3A_525 = arith.constant 3 : i32
      %shift_right_logical3A_526 = vector.broadcast %shift_right_logical3A_525 : i32 to vector<16xi32>
      %shift_right_logical3A_527 = arith.shrui %add3A_524, %shift_right_logical3A_526 : vector<16xi32>
      %add3A_528 = arith.constant 16 : i32
      %add3A_529 = vector.broadcast %add3A_528 : i32 to vector<16xi32>
      %add3A_530 = arith.addi %iota3A_521, %add3A_529 : vector<16xi32>
      %shift_right_logical3A_531 = arith.constant 3 : i32
      %shift_right_logical3A_532 = vector.broadcast %shift_right_logical3A_531 : i32 to vector<16xi32>
      %shift_right_logical3A_533 = arith.shrui %add3A_530, %shift_right_logical3A_532 : vector<16xi32>
      %add3A_534 = arith.constant 32 : i32
      %add3A_535 = vector.broadcast %add3A_534 : i32 to vector<16xi32>
      %add3A_536 = arith.addi %iota3A_521, %add3A_535 : vector<16xi32>
      %shift_right_logical3A_537 = arith.constant 3 : i32
      %shift_right_logical3A_538 = vector.broadcast %shift_right_logical3A_537 : i32 to vector<16xi32>
      %shift_right_logical3A_539 = arith.shrui %add3A_536, %shift_right_logical3A_538 : vector<16xi32>
      %add3A_540 = arith.constant 48 : i32
      %add3A_541 = vector.broadcast %add3A_540 : i32 to vector<16xi32>
      %add3A_542 = arith.addi %iota3A_521, %add3A_541 : vector<16xi32>
      %shift_right_logical3A_543 = arith.constant 3 : i32
      %shift_right_logical3A_544 = vector.broadcast %shift_right_logical3A_543 : i32 to vector<16xi32>
      %shift_right_logical3A_545 = arith.shrui %add3A_542, %shift_right_logical3A_544 : vector<16xi32>
      %add3A_546 = arith.constant 0 : i32
      %add3A_547 = vector.broadcast %add3A_546 : i32 to vector<16xi32>
      %add3A_548 = arith.addi %iota3A_521, %add3A_547 : vector<16xi32>
      %and3A_549 = arith.constant 7 : i32
      %and3A_550 = vector.broadcast %and3A_549 : i32 to vector<16xi32>
      %and3A_551 = arith.andi %add3A_548, %and3A_550 : vector<16xi32>
      %add3A_552 = arith.constant 16 : i32
      %add3A_553 = vector.broadcast %add3A_552 : i32 to vector<16xi32>
      %add3A_554 = arith.addi %iota3A_521, %add3A_553 : vector<16xi32>
      %and3A_555 = arith.constant 7 : i32
      %and3A_556 = vector.broadcast %and3A_555 : i32 to vector<16xi32>
      %and3A_557 = arith.andi %add3A_554, %and3A_556 : vector<16xi32>
      %add3A_558 = arith.constant 32 : i32
      %add3A_559 = vector.broadcast %add3A_558 : i32 to vector<16xi32>
      %add3A_560 = arith.addi %iota3A_521, %add3A_559 : vector<16xi32>
      %and3A_561 = arith.constant 7 : i32
      %and3A_562 = vector.broadcast %and3A_561 : i32 to vector<16xi32>
      %and3A_563 = arith.andi %add3A_560, %and3A_562 : vector<16xi32>
      %add3A_564 = arith.constant 48 : i32
      %add3A_565 = vector.broadcast %add3A_564 : i32 to vector<16xi32>
      %add3A_566 = arith.addi %iota3A_521, %add3A_565 : vector<16xi32>
      %and3A_567 = arith.constant 7 : i32
      %and3A_568 = vector.broadcast %and3A_567 : i32 to vector<16xi32>
      %and3A_569 = arith.andi %add3A_566, %and3A_568 : vector<16xi32>
      %get3A_570 = arith.index_cast %add3A_482 : i32 to index
      %get3A_571 = arith.constant 0 : index
      %get3A_572 = tpu.vector_load %arg9[%get3A_570, %get3A_571] {strides = array<i32>} : memref<200x64xf32, #tpu.memory_space<vmem>>, vector<16xf32>,
      %get3A_573 = arith.index_cast %add3A_482 : i32 to index
      %get3A_574 = arith.constant 16 : index
      %get3A_575 = tpu.vector_load %arg9[%get3A_573, %get3A_574] {strides = array<i32>} : memref<200x64xf32, #tpu.memory_space<vmem>>, vector<16xf32>,
      %get3A_576 = arith.index_cast %add3A_482 : i32 to index
      %get3A_577 = arith.constant 32 : index
      %get3A_578 = tpu.vector_load %arg9[%get3A_576, %get3A_577] {strides = array<i32>} : memref<200x64xf32, #tpu.memory_space<vmem>>, vector<16xf32>,
      %get3A_579 = arith.index_cast %add3A_482 : i32 to index
      %get3A_580 = arith.constant 48 : index
      %get3A_581 = tpu.vector_load %arg9[%get3A_579, %get3A_580] {strides = array<i32>} : memref<200x64xf32, #tpu.memory_space<vmem>>, vector<16xf32>,
      %scan3A_582 = arith.constant 0 : i32
      %scan3A_583 = arith.constant 2 : i32
      %scan3A_584 = arith.constant 2 : i32
      %scan3A_585 = arith.constant 0 : i32
      %scan3A_586 = arith.constant 128 : i32
      %scan3A_587 = arith.addi %scan3A_585, %scan3A_586 : i32
      %scan3A_588 = arith.constant 4 : i32
      scf.for %scan3A_757 = %scan3A_585 to %scan3A_587 step %scan3A_588  : i32 {
        %broadcast_in_dim3A = vector.broadcast %scan3A_757 : i32 to vector<16xi32>
        %get3A_758 = arith.constant 0 : i32
        %get3A_759 = arith.constant 0 : i32
        %get3A_760 = tpu.memref_slice %arg7[%scan3A_583, %get3A_758, %get3A_759] : memref<4x128x64xf32, #tpu.memory_space<vmem>> -> memref<1x128x64xf32, #tpu.memory_space<vmem>>
        %get3A_761 = tpu.memref_squeeze %get3A_760 : memref<1x128x64xf32, #tpu.memory_space<vmem>> -> memref<128x64xf32, #tpu.memory_space<vmem>>
        %get3A_762 = arith.index_cast %scan3A_757 : i32 to index
        %get3A_763 = arith.constant 0 : index
        %get3A_764 = tpu.vector_load %get3A_761[%get3A_762, %get3A_763] {strides = array<i32>} : memref<128x64xf32, #tpu.memory_space<vmem>>, vector<16xf32>,
        %add3A_765 = arith.addf %get3A_764, %get3A_572 : vector<16xf32>
        %max3A = arith.constant 0.000000e+00 : f32
        %max3A_766 = vector.broadcast %max3A : f32 to vector<16xf32>
        %max3A_767 = arith.maximumf %add3A_765, %max3A_766 : vector<16xf32>
        %scatter3A = arith.constant 0 : i32
        %scatter3A_768 = arith.constant 0 : i32
        %scatter3A_769 = arith.constant 0 : i32
        %scatter3A_770 = tpu.memref_slice %arg8[%scan3A_584, %scatter3A, %scatter3A_768, %scatter3A_769] : memref<4x8x8x129xf32, #tpu.memory_space<vmem>> -> memref<1x8x8x129xf32, #tpu.memory_space<vmem>>
        %scatter3A_771 = tpu.memref_squeeze %scatter3A_770 : memref<1x8x8x129xf32, #tpu.memory_space<vmem>> -> memref<8x8x129xf32, #tpu.memory_space<vmem>>
        tpu.vector_store_idx %scatter3A_771[%shift_right_logical3A_527, %and3A_551, %broadcast_in_dim3A], %max3A_767 : memref<8x8x129xf32, #tpu.memory_space<vmem>>[vector<16xi32>, vector<16xi32>, vector<16xi32>], vector<16xf32>,
        %get3A_772 = arith.constant 0 : i32
        %get3A_773 = arith.constant 0 : i32
        %get3A_774 = tpu.memref_slice %arg7[%scan3A_583, %get3A_772, %get3A_773] : memref<4x128x64xf32, #tpu.memory_space<vmem>> -> memref<1x128x64xf32, #tpu.memory_space<vmem>>
        %get3A_775 = tpu.memref_squeeze %get3A_774 : memref<1x128x64xf32, #tpu.memory_space<vmem>> -> memref<128x64xf32, #tpu.memory_space<vmem>>
        %get3A_776 = arith.index_cast %scan3A_757 : i32 to index
        %get3A_777 = arith.constant 16 : index
        %get3A_778 = tpu.vector_load %get3A_775[%get3A_776, %get3A_777] {strides = array<i32>} : memref<128x64xf32, #tpu.memory_space<vmem>>, vector<16xf32>,
        %add3A_779 = arith.addf %get3A_778, %get3A_575 : vector<16xf32>
        %max3A_780 = arith.constant 0.000000e+00 : f32
        %max3A_781 = vector.broadcast %max3A_780 : f32 to vector<16xf32>
        %max3A_782 = arith.maximumf %add3A_779, %max3A_781 : vector<16xf32>
        %scatter3A_783 = arith.constant 0 : i32
        %scatter3A_784 = arith.constant 0 : i32
        %scatter3A_785 = arith.constant 0 : i32
        %scatter3A_786 = tpu.memref_slice %arg8[%scan3A_584, %scatter3A_783, %scatter3A_784, %scatter3A_785] : memref<4x8x8x129xf32, #tpu.memory_space<vmem>> -> memref<1x8x8x129xf32, #tpu.memory_space<vmem>>
        %scatter3A_787 = tpu.memref_squeeze %scatter3A_786 : memref<1x8x8x129xf32, #tpu.memory_space<vmem>> -> memref<8x8x129xf32, #tpu.memory_space<vmem>>
        tpu.vector_store_idx %scatter3A_787[%shift_right_logical3A_533, %and3A_557, %broadcast_in_dim3A], %max3A_782 : memref<8x8x129xf32, #tpu.memory_space<vmem>>[vector<16xi32>, vector<16xi32>, vector<16xi32>], vector<16xf32>,
        %get3A_788 = arith.constant 0 : i32
        %get3A_789 = arith.constant 0 : i32
        %get3A_790 = tpu.memref_slice %arg7[%scan3A_583, %get3A_788, %get3A_789] : memref<4x128x64xf32, #tpu.memory_space<vmem>> -> memref<1x128x64xf32, #tpu.memory_space<vmem>>
        %get3A_791 = tpu.memref_squeeze %get3A_790 : memref<1x128x64xf32, #tpu.memory_space<vmem>> -> memref<128x64xf32, #tpu.memory_space<vmem>>
        %get3A_792 = arith.index_cast %scan3A_757 : i32 to index
        %get3A_793 = arith.constant 32 : index
        %get3A_794 = tpu.vector_load %get3A_791[%get3A_792, %get3A_793] {strides = array<i32>} : memref<128x64xf32, #tpu.memory_space<vmem>>, vector<16xf32>,
        %add3A_795 = arith.addf %get3A_794, %get3A_578 : vector<16xf32>
        %max3A_796 = arith.constant 0.000000e+00 : f32
        %max3A_797 = vector.broadcast %max3A_796 : f32 to vector<16xf32>
        %max3A_798 = arith.maximumf %add3A_795, %max3A_797 : vector<16xf32>
        %scatter3A_799 = arith.constant 0 : i32
        %scatter3A_800 = arith.constant 0 : i32
        %scatter3A_801 = arith.constant 0 : i32
        %scatter3A_802 = tpu.memref_slice %arg8[%scan3A_584, %scatter3A_799, %scatter3A_800, %scatter3A_801] : memref<4x8x8x129xf32, #tpu.memory_space<vmem>> -> memref<1x8x8x129xf32, #tpu.memory_space<vmem>>
        %scatter3A_803 = tpu.memref_squeeze %scatter3A_802 : memref<1x8x8x129xf32, #tpu.memory_space<vmem>> -> memref<8x8x129xf32, #tpu.memory_space<vmem>>
        tpu.vector_store_idx %scatter3A_803[%shift_right_logical3A_539, %and3A_563, %broadcast_in_dim3A], %max3A_798 : memref<8x8x129xf32, #tpu.memory_space<vmem>>[vector<16xi32>, vector<16xi32>, vector<16xi32>], vector<16xf32>,
        %get3A_804 = arith.constant 0 : i32
        %get3A_805 = arith.constant 0 : i32
        %get3A_806 = tpu.memref_slice %arg7[%scan3A_583, %get3A_804, %get3A_805] : memref<4x128x64xf32, #tpu.memory_space<vmem>> -> memref<1x128x64xf32, #tpu.memory_space<vmem>>
        %get3A_807 = tpu.memref_squeeze %get3A_806 : memref<1x128x64xf32, #tpu.memory_space<vmem>> -> memref<128x64xf32, #tpu.memory_space<vmem>>
        %get3A_808 = arith.index_cast %scan3A_757 : i32 to index
        %get3A_809 = arith.constant 48 : index
        %get3A_810 = tpu.vector_load %get3A_807[%get3A_808, %get3A_809] {strides = array<i32>} : memref<128x64xf32, #tpu.memory_space<vmem>>, vector<16xf32>,
        %add3A_811 = arith.addf %get3A_810, %get3A_581 : vector<16xf32>
        %max3A_812 = arith.constant 0.000000e+00 : f32
        %max3A_813 = vector.broadcast %max3A_812 : f32 to vector<16xf32>
        %max3A_814 = arith.maximumf %add3A_811, %max3A_813 : vector<16xf32>
        %scatter3A_815 = arith.constant 0 : i32
        %scatter3A_816 = arith.constant 0 : i32
        %scatter3A_817 = arith.constant 0 : i32
        %scatter3A_818 = tpu.memref_slice %arg8[%scan3A_584, %scatter3A_815, %scatter3A_816, %scatter3A_817] : memref<4x8x8x129xf32, #tpu.memory_space<vmem>> -> memref<1x8x8x129xf32, #tpu.memory_space<vmem>>
        %scatter3A_819 = tpu.memref_squeeze %scatter3A_818 : memref<1x8x8x129xf32, #tpu.memory_space<vmem>> -> memref<8x8x129xf32, #tpu.memory_space<vmem>>
        tpu.vector_store_idx %scatter3A_819[%shift_right_logical3A_545, %and3A_569, %broadcast_in_dim3A], %max3A_814 : memref<8x8x129xf32, #tpu.memory_space<vmem>>[vector<16xi32>, vector<16xi32>, vector<16xi32>], vector<16xf32>,
        %scan3A_820 = arith.constant 1 : i32
        %scan3A_821 = arith.addi %scan3A_757, %scan3A_820 : i32
        %broadcast_in_dim3A_822 = vector.broadcast %scan3A_821 : i32 to vector<16xi32>
        %get3A_823 = arith.constant 0 : i32
        %get3A_824 = arith.constant 0 : i32
        %get3A_825 = tpu.memref_slice %arg7[%scan3A_583, %get3A_823, %get3A_824] : memref<4x128x64xf32, #tpu.memory_space<vmem>> -> memref<1x128x64xf32, #tpu.memory_space<vmem>>
        %get3A_826 = tpu.memref_squeeze %get3A_825 : memref<1x128x64xf32, #tpu.memory_space<vmem>> -> memref<128x64xf32, #tpu.memory_space<vmem>>
        %get3A_827 = arith.index_cast %scan3A_821 : i32 to index
        %get3A_828 = arith.constant 0 : index
        %get3A_829 = tpu.vector_load %get3A_826[%get3A_827, %get3A_828] {strides = array<i32>} : memref<128x64xf32, #tpu.memory_space<vmem>>, vector<16xf32>,
        %add3A_830 = arith.addf %get3A_829, %get3A_572 : vector<16xf32>
        %max3A_831 = arith.constant 0.000000e+00 : f32
        %max3A_832 = vector.broadcast %max3A_831 : f32 to vector<16xf32>
        %max3A_833 = arith.maximumf %add3A_830, %max3A_832 : vector<16xf32>
        %scatter3A_834 = arith.constant 0 : i32
        %scatter3A_835 = arith.constant 0 : i32
        %scatter3A_836 = arith.constant 0 : i32
        %scatter3A_837 = tpu.memref_slice %arg8[%scan3A_584, %scatter3A_834, %scatter3A_835, %scatter3A_836] : memref<4x8x8x129xf32, #tpu.memory_space<vmem>> -> memref<1x8x8x129xf32, #tpu.memory_space<vmem>>
        %scatter3A_838 = tpu.memref_squeeze %scatter3A_837 : memref<1x8x8x129xf32, #tpu.memory_space<vmem>> -> memref<8x8x129xf32, #tpu.memory_space<vmem>>
        tpu.vector_store_idx %scatter3A_838[%shift_right_logical3A_527, %and3A_551, %broadcast_in_dim3A_822], %max3A_833 : memref<8x8x129xf32, #tpu.memory_space<vmem>>[vector<16xi32>, vector<16xi32>, vector<16xi32>], vector<16xf32>,
        %get3A_839 = arith.constant 0 : i32
        %get3A_840 = arith.constant 0 : i32
        %get3A_841 = tpu.memref_slice %arg7[%scan3A_583, %get3A_839, %get3A_840] : memref<4x128x64xf32, #tpu.memory_space<vmem>> -> memref<1x128x64xf32, #tpu.memory_space<vmem>>
        %get3A_842 = tpu.memref_squeeze %get3A_841 : memref<1x128x64xf32, #tpu.memory_space<vmem>> -> memref<128x64xf32, #tpu.memory_space<vmem>>
        %get3A_843 = arith.index_cast %scan3A_821 : i32 to index
        %get3A_844 = arith.constant 16 : index
        %get3A_845 = tpu.vector_load %get3A_842[%get3A_843, %get3A_844] {strides = array<i32>} : memref<128x64xf32, #tpu.memory_space<vmem>>, vector<16xf32>,
        %add3A_846 = arith.addf %get3A_845, %get3A_575 : vector<16xf32>
        %max3A_847 = arith.constant 0.000000e+00 : f32
        %max3A_848 = vector.broadcast %max3A_847 : f32 to vector<16xf32>
        %max3A_849 = arith.maximumf %add3A_846, %max3A_848 : vector<16xf32>
        %scatter3A_850 = arith.constant 0 : i32
        %scatter3A_851 = arith.constant 0 : i32
        %scatter3A_852 = arith.constant 0 : i32
        %scatter3A_853 = tpu.memref_slice %arg8[%scan3A_584, %scatter3A_850, %scatter3A_851, %scatter3A_852] : memref<4x8x8x129xf32, #tpu.memory_space<vmem>> -> memref<1x8x8x129xf32, #tpu.memory_space<vmem>>
        %scatter3A_854 = tpu.memref_squeeze %scatter3A_853 : memref<1x8x8x129xf32, #tpu.memory_space<vmem>> -> memref<8x8x129xf32, #tpu.memory_space<vmem>>
        tpu.vector_store_idx %scatter3A_854[%shift_right_logical3A_533, %and3A_557, %broadcast_in_dim3A_822], %max3A_849 : memref<8x8x129xf32, #tpu.memory_space<vmem>>[vector<16xi32>, vector<16xi32>, vector<16xi32>], vector<16xf32>,
        %get3A_855 = arith.constant 0 : i32
        %get3A_856 = arith.constant 0 : i32
        %get3A_857 = tpu.memref_slice %arg7[%scan3A_583, %get3A_855, %get3A_856] : memref<4x128x64xf32, #tpu.memory_space<vmem>> -> memref<1x128x64xf32, #tpu.memory_space<vmem>>
        %get3A_858 = tpu.memref_squeeze %get3A_857 : memref<1x128x64xf32, #tpu.memory_space<vmem>> -> memref<128x64xf32, #tpu.memory_space<vmem>>
        %get3A_859 = arith.index_cast %scan3A_821 : i32 to index
        %get3A_860 = arith.constant 32 : index
        %get3A_861 = tpu.vector_load %get3A_858[%get3A_859, %get3A_860] {strides = array<i32>} : memref<128x64xf32, #tpu.memory_space<vmem>>, vector<16xf32>,
        %add3A_862 = arith.addf %get3A_861, %get3A_578 : vector<16xf32>
        %max3A_863 = arith.constant 0.000000e+00 : f32
        %max3A_864 = vector.broadcast %max3A_863 : f32 to vector<16xf32>
        %max3A_865 = arith.maximumf %add3A_862, %max3A_864 : vector<16xf32>
        %scatter3A_866 = arith.constant 0 : i32
        %scatter3A_867 = arith.constant 0 : i32
        %scatter3A_868 = arith.constant 0 : i32
        %scatter3A_869 = tpu.memref_slice %arg8[%scan3A_584, %scatter3A_866, %scatter3A_867, %scatter3A_868] : memref<4x8x8x129xf32, #tpu.memory_space<vmem>> -> memref<1x8x8x129xf32, #tpu.memory_space<vmem>>
        %scatter3A_870 = tpu.memref_squeeze %scatter3A_869 : memref<1x8x8x129xf32, #tpu.memory_space<vmem>> -> memref<8x8x129xf32, #tpu.memory_space<vmem>>
        tpu.vector_store_idx %scatter3A_870[%shift_right_logical3A_539, %and3A_563, %broadcast_in_dim3A_822], %max3A_865 : memref<8x8x129xf32, #tpu.memory_space<vmem>>[vector<16xi32>, vector<16xi32>, vector<16xi32>], vector<16xf32>,
        %get3A_871 = arith.constant 0 : i32
        %get3A_872 = arith.constant 0 : i32
        %get3A_873 = tpu.memref_slice %arg7[%scan3A_583, %get3A_871, %get3A_872] : memref<4x128x64xf32, #tpu.memory_space<vmem>> -> memref<1x128x64xf32, #tpu.memory_space<vmem>>
        %get3A_874 = tpu.memref_squeeze %get3A_873 : memref<1x128x64xf32, #tpu.memory_space<vmem>> -> memref<128x64xf32, #tpu.memory_space<vmem>>
        %get3A_875 = arith.index_cast %scan3A_821 : i32 to index
        %get3A_876 = arith.constant 48 : index
        %get3A_877 = tpu.vector_load %get3A_874[%get3A_875, %get3A_876] {strides = array<i32>} : memref<128x64xf32, #tpu.memory_space<vmem>>, vector<16xf32>,
        %add3A_878 = arith.addf %get3A_877, %get3A_581 : vector<16xf32>
        %max3A_879 = arith.constant 0.000000e+00 : f32
        %max3A_880 = vector.broadcast %max3A_879 : f32 to vector<16xf32>
        %max3A_881 = arith.maximumf %add3A_878, %max3A_880 : vector<16xf32>
        %scatter3A_882 = arith.constant 0 : i32
        %scatter3A_883 = arith.constant 0 : i32
        %scatter3A_884 = arith.constant 0 : i32
        %scatter3A_885 = tpu.memref_slice %arg8[%scan3A_584, %scatter3A_882, %scatter3A_883, %scatter3A_884] : memref<4x8x8x129xf32, #tpu.memory_space<vmem>> -> memref<1x8x8x129xf32, #tpu.memory_space<vmem>>
        %scatter3A_886 = tpu.memref_squeeze %scatter3A_885 : memref<1x8x8x129xf32, #tpu.memory_space<vmem>> -> memref<8x8x129xf32, #tpu.memory_space<vmem>>
        tpu.vector_store_idx %scatter3A_886[%shift_right_logical3A_545, %and3A_569, %broadcast_in_dim3A_822], %max3A_881 : memref<8x8x129xf32, #tpu.memory_space<vmem>>[vector<16xi32>, vector<16xi32>, vector<16xi32>], vector<16xf32>,
        %scan3A_887 = arith.constant 2 : i32
        %scan3A_888 = arith.addi %scan3A_757, %scan3A_887 : i32
        %broadcast_in_dim3A_889 = vector.broadcast %scan3A_888 : i32 to vector<16xi32>
        %get3A_890 = arith.constant 0 : i32
        %get3A_891 = arith.constant 0 : i32
        %get3A_892 = tpu.memref_slice %arg7[%scan3A_583, %get3A_890, %get3A_891] : memref<4x128x64xf32, #tpu.memory_space<vmem>> -> memref<1x128x64xf32, #tpu.memory_space<vmem>>
        %get3A_893 = tpu.memref_squeeze %get3A_892 : memref<1x128x64xf32, #tpu.memory_space<vmem>> -> memref<128x64xf32, #tpu.memory_space<vmem>>
        %get3A_894 = arith.index_cast %scan3A_888 : i32 to index
        %get3A_895 = arith.constant 0 : index
        %get3A_896 = tpu.vector_load %get3A_893[%get3A_894, %get3A_895] {strides = array<i32>} : memref<128x64xf32, #tpu.memory_space<vmem>>, vector<16xf32>,
        %add3A_897 = arith.addf %get3A_896, %get3A_572 : vector<16xf32>
        %max3A_898 = arith.constant 0.000000e+00 : f32
        %max3A_899 = vector.broadcast %max3A_898 : f32 to vector<16xf32>
        %max3A_900 = arith.maximumf %add3A_897, %max3A_899 : vector<16xf32>
        %scatter3A_901 = arith.constant 0 : i32
        %scatter3A_902 = arith.constant 0 : i32
        %scatter3A_903 = arith.constant 0 : i32
        %scatter3A_904 = tpu.memref_slice %arg8[%scan3A_584, %scatter3A_901, %scatter3A_902, %scatter3A_903] : memref<4x8x8x129xf32, #tpu.memory_space<vmem>> -> memref<1x8x8x129xf32, #tpu.memory_space<vmem>>
        %scatter3A_905 = tpu.memref_squeeze %scatter3A_904 : memref<1x8x8x129xf32, #tpu.memory_space<vmem>> -> memref<8x8x129xf32, #tpu.memory_space<vmem>>
        tpu.vector_store_idx %scatter3A_905[%shift_right_logical3A_527, %and3A_551, %broadcast_in_dim3A_889], %max3A_900 : memref<8x8x129xf32, #tpu.memory_space<vmem>>[vector<16xi32>, vector<16xi32>, vector<16xi32>], vector<16xf32>,
        %get3A_906 = arith.constant 0 : i32
        %get3A_907 = arith.constant 0 : i32
        %get3A_908 = tpu.memref_slice %arg7[%scan3A_583, %get3A_906, %get3A_907] : memref<4x128x64xf32, #tpu.memory_space<vmem>> -> memref<1x128x64xf32, #tpu.memory_space<vmem>>
        %get3A_909 = tpu.memref_squeeze %get3A_908 : memref<1x128x64xf32, #tpu.memory_space<vmem>> -> memref<128x64xf32, #tpu.memory_space<vmem>>
        %get3A_910 = arith.index_cast %scan3A_888 : i32 to index
        %get3A_911 = arith.constant 16 : index
        %get3A_912 = tpu.vector_load %get3A_909[%get3A_910, %get3A_911] {strides = array<i32>} : memref<128x64xf32, #tpu.memory_space<vmem>>, vector<16xf32>,
        %add3A_913 = arith.addf %get3A_912, %get3A_575 : vector<16xf32>
        %max3A_914 = arith.constant 0.000000e+00 : f32
        %max3A_915 = vector.broadcast %max3A_914 : f32 to vector<16xf32>
        %max3A_916 = arith.maximumf %add3A_913, %max3A_915 : vector<16xf32>
        %scatter3A_917 = arith.constant 0 : i32
        %scatter3A_918 = arith.constant 0 : i32
        %scatter3A_919 = arith.constant 0 : i32
        %scatter3A_920 = tpu.memref_slice %arg8[%scan3A_584, %scatter3A_917, %scatter3A_918, %scatter3A_919] : memref<4x8x8x129xf32, #tpu.memory_space<vmem>> -> memref<1x8x8x129xf32, #tpu.memory_space<vmem>>
        %scatter3A_921 = tpu.memref_squeeze %scatter3A_920 : memref<1x8x8x129xf32, #tpu.memory_space<vmem>> -> memref<8x8x129xf32, #tpu.memory_space<vmem>>
        tpu.vector_store_idx %scatter3A_921[%shift_right_logical3A_533, %and3A_557, %broadcast_in_dim3A_889], %max3A_916 : memref<8x8x129xf32, #tpu.memory_space<vmem>>[vector<16xi32>, vector<16xi32>, vector<16xi32>], vector<16xf32>,
        %get3A_922 = arith.constant 0 : i32
        %get3A_923 = arith.constant 0 : i32
        %get3A_924 = tpu.memref_slice %arg7[%scan3A_583, %get3A_922, %get3A_923] : memref<4x128x64xf32, #tpu.memory_space<vmem>> -> memref<1x128x64xf32, #tpu.memory_space<vmem>>
        %get3A_925 = tpu.memref_squeeze %get3A_924 : memref<1x128x64xf32, #tpu.memory_space<vmem>> -> memref<128x64xf32, #tpu.memory_space<vmem>>
        %get3A_926 = arith.index_cast %scan3A_888 : i32 to index
        %get3A_927 = arith.constant 32 : index
        %get3A_928 = tpu.vector_load %get3A_925[%get3A_926, %get3A_927] {strides = array<i32>} : memref<128x64xf32, #tpu.memory_space<vmem>>, vector<16xf32>,
        %add3A_929 = arith.addf %get3A_928, %get3A_578 : vector<16xf32>
        %max3A_930 = arith.constant 0.000000e+00 : f32
        %max3A_931 = vector.broadcast %max3A_930 : f32 to vector<16xf32>
        %max3A_932 = arith.maximumf %add3A_929, %max3A_931 : vector<16xf32>
        %scatter3A_933 = arith.constant 0 : i32
        %scatter3A_934 = arith.constant 0 : i32
        %scatter3A_935 = arith.constant 0 : i32
        %scatter3A_936 = tpu.memref_slice %arg8[%scan3A_584, %scatter3A_933, %scatter3A_934, %scatter3A_935] : memref<4x8x8x129xf32, #tpu.memory_space<vmem>> -> memref<1x8x8x129xf32, #tpu.memory_space<vmem>>
        %scatter3A_937 = tpu.memref_squeeze %scatter3A_936 : memref<1x8x8x129xf32, #tpu.memory_space<vmem>> -> memref<8x8x129xf32, #tpu.memory_space<vmem>>
        tpu.vector_store_idx %scatter3A_937[%shift_right_logical3A_539, %and3A_563, %broadcast_in_dim3A_889], %max3A_932 : memref<8x8x129xf32, #tpu.memory_space<vmem>>[vector<16xi32>, vector<16xi32>, vector<16xi32>], vector<16xf32>,
        %get3A_938 = arith.constant 0 : i32
        %get3A_939 = arith.constant 0 : i32
        %get3A_940 = tpu.memref_slice %arg7[%scan3A_583, %get3A_938, %get3A_939] : memref<4x128x64xf32, #tpu.memory_space<vmem>> -> memref<1x128x64xf32, #tpu.memory_space<vmem>>
        %get3A_941 = tpu.memref_squeeze %get3A_940 : memref<1x128x64xf32, #tpu.memory_space<vmem>> -> memref<128x64xf32, #tpu.memory_space<vmem>>
        %get3A_942 = arith.index_cast %scan3A_888 : i32 to index
        %get3A_943 = arith.constant 48 : index
        %get3A_944 = tpu.vector_load %get3A_941[%get3A_942, %get3A_943] {strides = array<i32>} : memref<128x64xf32, #tpu.memory_space<vmem>>, vector<16xf32>,
        %add3A_945 = arith.addf %get3A_944, %get3A_581 : vector<16xf32>
        %max3A_946 = arith.constant 0.000000e+00 : f32
        %max3A_947 = vector.broadcast %max3A_946 : f32 to vector<16xf32>
        %max3A_948 = arith.maximumf %add3A_945, %max3A_947 : vector<16xf32>
        %scatter3A_949 = arith.constant 0 : i32
        %scatter3A_950 = arith.constant 0 : i32
        %scatter3A_951 = arith.constant 0 : i32
        %scatter3A_952 = tpu.memref_slice %arg8[%scan3A_584, %scatter3A_949, %scatter3A_950, %scatter3A_951] : memref<4x8x8x129xf32, #tpu.memory_space<vmem>> -> memref<1x8x8x129xf32, #tpu.memory_space<vmem>>
        %scatter3A_953 = tpu.memref_squeeze %scatter3A_952 : memref<1x8x8x129xf32, #tpu.memory_space<vmem>> -> memref<8x8x129xf32, #tpu.memory_space<vmem>>
        tpu.vector_store_idx %scatter3A_953[%shift_right_logical3A_545, %and3A_569, %broadcast_in_dim3A_889], %max3A_948 : memref<8x8x129xf32, #tpu.memory_space<vmem>>[vector<16xi32>, vector<16xi32>, vector<16xi32>], vector<16xf32>,
        %scan3A_954 = arith.constant 3 : i32
        %scan3A_955 = arith.addi %scan3A_757, %scan3A_954 : i32
        %broadcast_in_dim3A_956 = vector.broadcast %scan3A_955 : i32 to vector<16xi32>
        %get3A_957 = arith.constant 0 : i32
        %get3A_958 = arith.constant 0 : i32
        %get3A_959 = tpu.memref_slice %arg7[%scan3A_583, %get3A_957, %get3A_958] : memref<4x128x64xf32, #tpu.memory_space<vmem>> -> memref<1x128x64xf32, #tpu.memory_space<vmem>>
        %get3A_960 = tpu.memref_squeeze %get3A_959 : memref<1x128x64xf32, #tpu.memory_space<vmem>> -> memref<128x64xf32, #tpu.memory_space<vmem>>
        %get3A_961 = arith.index_cast %scan3A_955 : i32 to index
        %get3A_962 = arith.constant 0 : index
        %get3A_963 = tpu.vector_load %get3A_960[%get3A_961, %get3A_962] {strides = array<i32>} : memref<128x64xf32, #tpu.memory_space<vmem>>, vector<16xf32>,
        %add3A_964 = arith.addf %get3A_963, %get3A_572 : vector<16xf32>
        %max3A_965 = arith.constant 0.000000e+00 : f32
        %max3A_966 = vector.broadcast %max3A_965 : f32 to vector<16xf32>
        %max3A_967 = arith.maximumf %add3A_964, %max3A_966 : vector<16xf32>
        %scatter3A_968 = arith.constant 0 : i32
        %scatter3A_969 = arith.constant 0 : i32
        %scatter3A_970 = arith.constant 0 : i32
        %scatter3A_971 = tpu.memref_slice %arg8[%scan3A_584, %scatter3A_968, %scatter3A_969, %scatter3A_970] : memref<4x8x8x129xf32, #tpu.memory_space<vmem>> -> memref<1x8x8x129xf32, #tpu.memory_space<vmem>>
        %scatter3A_972 = tpu.memref_squeeze %scatter3A_971 : memref<1x8x8x129xf32, #tpu.memory_space<vmem>> -> memref<8x8x129xf32, #tpu.memory_space<vmem>>
        tpu.vector_store_idx %scatter3A_972[%shift_right_logical3A_527, %and3A_551, %broadcast_in_dim3A_956], %max3A_967 : memref<8x8x129xf32, #tpu.memory_space<vmem>>[vector<16xi32>, vector<16xi32>, vector<16xi32>], vector<16xf32>,
        %get3A_973 = arith.constant 0 : i32
        %get3A_974 = arith.constant 0 : i32
        %get3A_975 = tpu.memref_slice %arg7[%scan3A_583, %get3A_973, %get3A_974] : memref<4x128x64xf32, #tpu.memory_space<vmem>> -> memref<1x128x64xf32, #tpu.memory_space<vmem>>
        %get3A_976 = tpu.memref_squeeze %get3A_975 : memref<1x128x64xf32, #tpu.memory_space<vmem>> -> memref<128x64xf32, #tpu.memory_space<vmem>>
        %get3A_977 = arith.index_cast %scan3A_955 : i32 to index
        %get3A_978 = arith.constant 16 : index
        %get3A_979 = tpu.vector_load %get3A_976[%get3A_977, %get3A_978] {strides = array<i32>} : memref<128x64xf32, #tpu.memory_space<vmem>>, vector<16xf32>,
        %add3A_980 = arith.addf %get3A_979, %get3A_575 : vector<16xf32>
        %max3A_981 = arith.constant 0.000000e+00 : f32
        %max3A_982 = vector.broadcast %max3A_981 : f32 to vector<16xf32>
        %max3A_983 = arith.maximumf %add3A_980, %max3A_982 : vector<16xf32>
        %scatter3A_984 = arith.constant 0 : i32
        %scatter3A_985 = arith.constant 0 : i32
        %scatter3A_986 = arith.constant 0 : i32
        %scatter3A_987 = tpu.memref_slice %arg8[%scan3A_584, %scatter3A_984, %scatter3A_985, %scatter3A_986] : memref<4x8x8x129xf32, #tpu.memory_space<vmem>> -> memref<1x8x8x129xf32, #tpu.memory_space<vmem>>
        %scatter3A_988 = tpu.memref_squeeze %scatter3A_987 : memref<1x8x8x129xf32, #tpu.memory_space<vmem>> -> memref<8x8x129xf32, #tpu.memory_space<vmem>>
        tpu.vector_store_idx %scatter3A_988[%shift_right_logical3A_533, %and3A_557, %broadcast_in_dim3A_956], %max3A_983 : memref<8x8x129xf32, #tpu.memory_space<vmem>>[vector<16xi32>, vector<16xi32>, vector<16xi32>], vector<16xf32>,
        %get3A_989 = arith.constant 0 : i32
        %get3A_990 = arith.constant 0 : i32
        %get3A_991 = tpu.memref_slice %arg7[%scan3A_583, %get3A_989, %get3A_990] : memref<4x128x64xf32, #tpu.memory_space<vmem>> -> memref<1x128x64xf32, #tpu.memory_space<vmem>>
        %get3A_992 = tpu.memref_squeeze %get3A_991 : memref<1x128x64xf32, #tpu.memory_space<vmem>> -> memref<128x64xf32, #tpu.memory_space<vmem>>
        %get3A_993 = arith.index_cast %scan3A_955 : i32 to index
        %get3A_994 = arith.constant 32 : index
        %get3A_995 = tpu.vector_load %get3A_992[%get3A_993, %get3A_994] {strides = array<i32>} : memref<128x64xf32, #tpu.memory_space<vmem>>, vector<16xf32>,
        %add3A_996 = arith.addf %get3A_995, %get3A_578 : vector<16xf32>
        %max3A_997 = arith.constant 0.000000e+00 : f32
        %max3A_998 = vector.broadcast %max3A_997 : f32 to vector<16xf32>
        %max3A_999 = arith.maximumf %add3A_996, %max3A_998 : vector<16xf32>
        %scatter3A_1000 = arith.constant 0 : i32
        %scatter3A_1001 = arith.constant 0 : i32
        %scatter3A_1002 = arith.constant 0 : i32
        %scatter3A_1003 = tpu.memref_slice %arg8[%scan3A_584, %scatter3A_1000, %scatter3A_1001, %scatter3A_1002] : memref<4x8x8x129xf32, #tpu.memory_space<vmem>> -> memref<1x8x8x129xf32, #tpu.memory_space<vmem>>
        %scatter3A_1004 = tpu.memref_squeeze %scatter3A_1003 : memref<1x8x8x129xf32, #tpu.memory_space<vmem>> -> memref<8x8x129xf32, #tpu.memory_space<vmem>>
        tpu.vector_store_idx %scatter3A_1004[%shift_right_logical3A_539, %and3A_563, %broadcast_in_dim3A_956], %max3A_999 : memref<8x8x129xf32, #tpu.memory_space<vmem>>[vector<16xi32>, vector<16xi32>, vector<16xi32>], vector<16xf32>,
        %get3A_1005 = arith.constant 0 : i32
        %get3A_1006 = arith.constant 0 : i32
        %get3A_1007 = tpu.memref_slice %arg7[%scan3A_583, %get3A_1005, %get3A_1006] : memref<4x128x64xf32, #tpu.memory_space<vmem>> -> memref<1x128x64xf32, #tpu.memory_space<vmem>>
        %get3A_1008 = tpu.memref_squeeze %get3A_1007 : memref<1x128x64xf32, #tpu.memory_space<vmem>> -> memref<128x64xf32, #tpu.memory_space<vmem>>
        %get3A_1009 = arith.index_cast %scan3A_955 : i32 to index
        %get3A_1010 = arith.constant 48 : index
        %get3A_1011 = tpu.vector_load %get3A_1008[%get3A_1009, %get3A_1010] {strides = array<i32>} : memref<128x64xf32, #tpu.memory_space<vmem>>, vector<16xf32>,
        %add3A_1012 = arith.addf %get3A_1011, %get3A_581 : vector<16xf32>
        %max3A_1013 = arith.constant 0.000000e+00 : f32
        %max3A_1014 = vector.broadcast %max3A_1013 : f32 to vector<16xf32>
        %max3A_1015 = arith.maximumf %add3A_1012, %max3A_1014 : vector<16xf32>
        %scatter3A_1016 = arith.constant 0 : i32
        %scatter3A_1017 = arith.constant 0 : i32
        %scatter3A_1018 = arith.constant 0 : i32
        %scatter3A_1019 = tpu.memref_slice %arg8[%scan3A_584, %scatter3A_1016, %scatter3A_1017, %scatter3A_1018] : memref<4x8x8x129xf32, #tpu.memory_space<vmem>> -> memref<1x8x8x129xf32, #tpu.memory_space<vmem>>
        %scatter3A_1020 = tpu.memref_squeeze %scatter3A_1019 : memref<1x8x8x129xf32, #tpu.memory_space<vmem>> -> memref<8x8x129xf32, #tpu.memory_space<vmem>>
        tpu.vector_store_idx %scatter3A_1020[%shift_right_logical3A_545, %and3A_569, %broadcast_in_dim3A_956], %max3A_1015 : memref<8x8x129xf32, #tpu.memory_space<vmem>>[vector<16xi32>, vector<16xi32>, vector<16xi32>], vector<16xf32>,
      }
      %scan3A_589 = arith.constant 128 : i32
      %dma_start3A_590 = arith.constant 2 : i32
      %dma_start3A_591 = arith.constant 0 : i32
      %dma_start3A_592 = arith.constant 0 : i32
      %dma_start3A_593 = arith.constant 0 : i32
      %dma_start3A_594 = tpu.memref_slice %arg8[%dma_start3A_590, %dma_start3A_591, %dma_start3A_592, %dma_start3A_593] : memref<4x8x8x129xf32, #tpu.memory_space<vmem>> -> memref<1x8x8x129xf32, #tpu.memory_space<vmem>>
      %dma_start3A_595 = tpu.memref_squeeze %dma_start3A_594 : memref<1x8x8x129xf32, #tpu.memory_space<vmem>> -> memref<8x8x129xf32, #tpu.memory_space<vmem>>
      %dma_start3A_596 = arith.constant 0 : i32
      %dma_start3A_597 = arith.constant 0 : i32
      %dma_start3A_598 = arith.constant 0 : i32
      %dma_start3A_599 = tpu.memref_slice %dma_start3A_595[%dma_start3A_596, %dma_start3A_597, %dma_start3A_598] : memref<8x8x129xf32, #tpu.memory_space<vmem>> -> memref<8x8x128xf32, #tpu.memory_space<vmem>>
      %dma_start3A_600 = arith.constant 0 : i32
      %dma_start3A_601 = arith.constant 0 : i32
      %dma_start3A_602 = arith.constant 0 : i32
      %dma_start3A_603 = tpu.memref_slice %arg5[%add3A_482, %dma_start3A_600, %add3A, %dma_start3A_601, %dma_start3A_602] : memref<200x8x32x8x128xf32, #tpu.memory_space<hbm>> -> memref<1x8x1x8x128xf32, #tpu.memory_space<hbm>>
      %dma_start3A_604 = tpu.memref_squeeze %dma_start3A_603 : memref<1x8x1x8x128xf32, #tpu.memory_space<hbm>> -> memref<8x8x128xf32, #tpu.memory_space<hbm>>
      %dma_start3A_605 = arith.constant 0 : i32
      %dma_start3A_606 = arith.constant 0 : i32
      %dma_start3A_607 = arith.constant 0 : i32
      %dma_start3A_608 = tpu.memref_slice %arg5[%add3A_482, %dma_start3A_605, %add3A, %dma_start3A_606, %dma_start3A_607] : memref<200x8x32x8x128xf32, #tpu.memory_space<hbm>> -> memref<1x8x1x8x128xf32, #tpu.memory_space<hbm>>
      %dma_start3A_609 = tpu.memref_squeeze %dma_start3A_608 : memref<1x8x1x8x128xf32, #tpu.memory_space<hbm>> -> memref<8x8x128xf32, #tpu.memory_space<hbm>>
      %dma_start3A_610 = arith.constant 0 : i32
      %dma_start3A_611 = arith.constant 0 : i32
      %dma_start3A_612 = arith.constant 0 : i32
      %dma_start3A_613 = tpu.memref_slice %arg8[%dma_start3A_590, %dma_start3A_610, %dma_start3A_611, %dma_start3A_612] : memref<4x8x8x129xf32, #tpu.memory_space<vmem>> -> memref<1x8x8x129xf32, #tpu.memory_space<vmem>>
      %dma_start3A_614 = tpu.memref_squeeze %dma_start3A_613 : memref<1x8x8x129xf32, #tpu.memory_space<vmem>> -> memref<8x8x129xf32, #tpu.memory_space<vmem>>
      %dma_start3A_615 = arith.constant 0 : i32
      %dma_start3A_616 = arith.constant 0 : i32
      %dma_start3A_617 = arith.constant 0 : i32
      %dma_start3A_618 = tpu.memref_slice %dma_start3A_614[%dma_start3A_615, %dma_start3A_616, %dma_start3A_617] : memref<8x8x129xf32, #tpu.memory_space<vmem>> -> memref<8x8x128xf32, #tpu.memory_space<vmem>>
      tpu.enqueue_dma source(%dma_start3A_618 : memref<8x8x128xf32, #tpu.memory_space<vmem>>) target(%dma_start3A_609 : memref<8x8x128xf32, #tpu.memory_space<hbm>>) target_semaphore(%arg16 : memref<!tpu.dma_semaphore, #tpu.memory_space<semaphore_mem>>)
      %add3A_619 = arith.constant 3 : i32
      %add3A_620 = arith.addi %mul3A_213, %add3A_619 : i32
      %add3A_621 = arith.constant 3 : i32
      %add3A_622 = arith.addi %add3A_620, %add3A_621 : i32
      %ge3A_623 = arith.constant 200 : i32
      %ge3A_624 = arith.cmpi sge, %add3A_622, %ge3A_623 : i32
      %sub3A_625 = arith.constant 200 : i32
      %sub3A_626 = arith.subi %add3A_622, %sub3A_625 : i32
      %select_n3A_627 = arith.select %ge3A_624, %sub3A_626, %add3A_622 : i32
      %dma_start3A_628 = arith.constant 2 : i32
      %dma_start3A_629 = arith.constant 0 : i32
      %dma_start3A_630 = arith.constant 0 : i32
      %dma_start3A_631 = tpu.memref_slice %arg7[%dma_start3A_628, %dma_start3A_629, %dma_start3A_630] : memref<4x128x64xf32, #tpu.memory_space<vmem>> -> memref<1x128x64xf32, #tpu.memory_space<vmem>>
      %dma_start3A_632 = tpu.memref_squeeze %dma_start3A_631 : memref<1x128x64xf32, #tpu.memory_space<vmem>> -> memref<128x64xf32, #tpu.memory_space<vmem>>
      %dma_start3A_633 = arith.constant 0 : i32
      %dma_start3A_634 = tpu.memref_slice %arg6[%select_n3A_627, %dma_start3A_633] : memref<200x128xi32, #tpu.memory_space<vmem>> -> memref<1x128xi32, #tpu.memory_space<vmem>>
      %dma_start3A_635 = tpu.memref_squeeze %dma_start3A_634 : memref<1x128xi32, #tpu.memory_space<vmem>> -> memref<128xi32, #tpu.memory_space<vmem>>
      %dma_start3A_636 = arith.constant 0 : i32
      %dma_start3A_637 = arith.constant 0 : i32
      %dma_start3A_638 = tpu.memref_slice %arg3[%dma_start3A_636, %dma_start3A_637] : memref<1000000x64xf32, #tpu.memory_space<hbm>> -> memref<1000000x64xf32, #tpu.memory_space<hbm>>
      tpu.enqueue_indirect_dma source(%dma_start3A_638 : memref<1000000x64xf32, #tpu.memory_space<hbm>>) target(%dma_start3A_632 : memref<128x64xf32, #tpu.memory_space<vmem>>) offsets(%dma_start3A_635 : memref<128xi32, #tpu.memory_space<vmem>>) semaphore(%arg12 : memref<!tpu.dma_semaphore, #tpu.memory_space<semaphore_mem>>)
      %dma_wait3A_639 = arith.constant 3 : i32
      %dma_wait3A_640 = arith.constant 0 : i32
      %dma_wait3A_641 = arith.constant 0 : i32
      %dma_wait3A_642 = tpu.memref_slice %arg7[%dma_wait3A_639, %dma_wait3A_640, %dma_wait3A_641] : memref<4x128x64xf32, #tpu.memory_space<vmem>> -> memref<1x128x64xf32, #tpu.memory_space<vmem>>
      %dma_wait3A_643 = tpu.memref_squeeze %dma_wait3A_642 : memref<1x128x64xf32, #tpu.memory_space<vmem>> -> memref<128x64xf32, #tpu.memory_space<vmem>>
      %dma_wait3A_644 = arith.constant 0 : i32
      %dma_wait3A_645 = arith.constant 0 : i32
      %dma_wait3A_646 = tpu.memref_slice %arg3[%dma_wait3A_644, %dma_wait3A_645] : memref<1000000x64xf32, #tpu.memory_space<hbm>> -> memref<128x64xf32, #tpu.memory_space<hbm>>
      %dma_wait3A_647 = arith.constant 0 : i32
      %dma_wait3A_648 = arith.constant 0 : i32
      %dma_wait3A_649 = tpu.memref_slice %arg7[%dma_wait3A_639, %dma_wait3A_647, %dma_wait3A_648] : memref<4x128x64xf32, #tpu.memory_space<vmem>> -> memref<1x128x64xf32, #tpu.memory_space<vmem>>
      %dma_wait3A_650 = tpu.memref_squeeze %dma_wait3A_649 : memref<1x128x64xf32, #tpu.memory_space<vmem>> -> memref<128x64xf32, #tpu.memory_space<vmem>>
      %dma_wait3A_651 = arith.constant 0 : i32
      %dma_wait3A_652 = arith.constant 0 : i32
      %dma_wait3A_653 = tpu.memref_slice %arg3[%dma_wait3A_651, %dma_wait3A_652] : memref<1000000x64xf32, #tpu.memory_space<hbm>> -> memref<128x64xf32, #tpu.memory_space<hbm>>
      tpu.wait_dma2 semaphore(%arg13 : memref<!tpu.dma_semaphore, #tpu.memory_space<semaphore_mem>>) src(%dma_wait3A_653 : memref<128x64xf32, #tpu.memory_space<hbm>>) dst(%dma_wait3A_650 : memref<128x64xf32, #tpu.memory_space<vmem>>)
      %ge3A_654 = arith.constant 4 : i32
      %ge3A_655 = arith.cmpi sge, %add3A_620, %ge3A_654 : i32
      %convert_element_type3A_656 = arith.extui %ge3A_655 : i1 to i32
      %cond3A_657 = arith.constant 0 : i32
      %cond3A_658 = arith.cmpi ne, %convert_element_type3A_656, %cond3A_657 : i32
      scf.if %cond3A_658 {
        %dma_wait3A_757 = arith.constant 0 : i32
        %dma_wait3A_758 = arith.constant 0 : i32
        %dma_wait3A_759 = arith.constant 3 : i32
        %dma_wait3A_760 = arith.constant 0 : i32
        %dma_wait3A_761 = arith.constant 0 : i32
        %dma_wait3A_762 = arith.constant 0 : i32
        %dma_wait3A_763 = tpu.memref_slice %arg8[%dma_wait3A_759, %dma_wait3A_760, %dma_wait3A_761, %dma_wait3A_762] : memref<4x8x8x129xf32, #tpu.memory_space<vmem>> -> memref<1x8x8x129xf32, #tpu.memory_space<vmem>>
        %dma_wait3A_764 = tpu.memref_squeeze %dma_wait3A_763 : memref<1x8x8x129xf32, #tpu.memory_space<vmem>> -> memref<8x8x129xf32, #tpu.memory_space<vmem>>
        %dma_wait3A_765 = arith.constant 0 : i32
        %dma_wait3A_766 = arith.constant 0 : i32
        %dma_wait3A_767 = arith.constant 0 : i32
        %dma_wait3A_768 = tpu.memref_slice %dma_wait3A_764[%dma_wait3A_765, %dma_wait3A_766, %dma_wait3A_767] : memref<8x8x129xf32, #tpu.memory_space<vmem>> -> memref<8x8x128xf32, #tpu.memory_space<vmem>>
        %dma_wait3A_769 = arith.constant 0 : i32
        %dma_wait3A_770 = arith.constant 0 : i32
        %dma_wait3A_771 = arith.constant 0 : i32
        %dma_wait3A_772 = tpu.memref_slice %arg5[%dma_wait3A_757, %dma_wait3A_769, %dma_wait3A_758, %dma_wait3A_770, %dma_wait3A_771] : memref<200x8x32x8x128xf32, #tpu.memory_space<hbm>> -> memref<1x8x1x8x128xf32, #tpu.memory_space<hbm>>
        %dma_wait3A_773 = tpu.memref_squeeze %dma_wait3A_772 : memref<1x8x1x8x128xf32, #tpu.memory_space<hbm>> -> memref<8x8x128xf32, #tpu.memory_space<hbm>>
        %dma_wait3A_774 = arith.constant 0 : i32
        %dma_wait3A_775 = arith.constant 0 : i32
        %dma_wait3A_776 = arith.constant 0 : i32
        %dma_wait3A_777 = tpu.memref_slice %arg8[%dma_wait3A_759, %dma_wait3A_774, %dma_wait3A_775, %dma_wait3A_776] : memref<4x8x8x129xf32, #tpu.memory_space<vmem>> -> memref<1x8x8x129xf32, #tpu.memory_space<vmem>>
        %dma_wait3A_778 = tpu.memref_squeeze %dma_wait3A_777 : memref<1x8x8x129xf32, #tpu.memory_space<vmem>> -> memref<8x8x129xf32, #tpu.memory_space<vmem>>
        %dma_wait3A_779 = arith.constant 0 : i32
        %dma_wait3A_780 = arith.constant 0 : i32
        %dma_wait3A_781 = arith.constant 0 : i32
        %dma_wait3A_782 = tpu.memref_slice %dma_wait3A_778[%dma_wait3A_779, %dma_wait3A_780, %dma_wait3A_781] : memref<8x8x129xf32, #tpu.memory_space<vmem>> -> memref<8x8x128xf32, #tpu.memory_space<vmem>>
        %dma_wait3A_783 = arith.constant 0 : i32
        %dma_wait3A_784 = arith.constant 0 : i32
        %dma_wait3A_785 = arith.constant 0 : i32
        %dma_wait3A_786 = tpu.memref_slice %arg5[%dma_wait3A_757, %dma_wait3A_783, %dma_wait3A_758, %dma_wait3A_784, %dma_wait3A_785] : memref<200x8x32x8x128xf32, #tpu.memory_space<hbm>> -> memref<1x8x1x8x128xf32, #tpu.memory_space<hbm>>
        %dma_wait3A_787 = tpu.memref_squeeze %dma_wait3A_786 : memref<1x8x1x8x128xf32, #tpu.memory_space<hbm>> -> memref<8x8x128xf32, #tpu.memory_space<hbm>>
        tpu.wait_dma2 semaphore(%arg17 : memref<!tpu.dma_semaphore, #tpu.memory_space<semaphore_mem>>) src(%dma_wait3A_787 : memref<8x8x128xf32, #tpu.memory_space<hbm>>) dst(%dma_wait3A_782 : memref<8x8x128xf32, #tpu.memory_space<vmem>>)
      } else {
      }
      %iota3A_659 = tpu.iota {dimensions = array<i32: 0>} : vector<16xi32>
      %add3A_660 = arith.constant 0 : i32
      %add3A_661 = vector.broadcast %add3A_660 : i32 to vector<16xi32>
      %add3A_662 = arith.addi %iota3A_659, %add3A_661 : vector<16xi32>
      %shift_right_logical3A_663 = arith.constant 3 : i32
      %shift_right_logical3A_664 = vector.broadcast %shift_right_logical3A_663 : i32 to vector<16xi32>
      %shift_right_logical3A_665 = arith.shrui %add3A_662, %shift_right_logical3A_664 : vector<16xi32>
      %add3A_666 = arith.constant 16 : i32
      %add3A_667 = vector.broadcast %add3A_666 : i32 to vector<16xi32>
      %add3A_668 = arith.addi %iota3A_659, %add3A_667 : vector<16xi32>
      %shift_right_logical3A_669 = arith.constant 3 : i32
      %shift_right_logical3A_670 = vector.broadcast %shift_right_logical3A_669 : i32 to vector<16xi32>
      %shift_right_logical3A_671 = arith.shrui %add3A_668, %shift_right_logical3A_670 : vector<16xi32>
      %add3A_672 = arith.constant 32 : i32
      %add3A_673 = vector.broadcast %add3A_672 : i32 to vector<16xi32>
      %add3A_674 = arith.addi %iota3A_659, %add3A_673 : vector<16xi32>
      %shift_right_logical3A_675 = arith.constant 3 : i32
      %shift_right_logical3A_676 = vector.broadcast %shift_right_logical3A_675 : i32 to vector<16xi32>
      %shift_right_logical3A_677 = arith.shrui %add3A_674, %shift_right_logical3A_676 : vector<16xi32>
      %add3A_678 = arith.constant 48 : i32
      %add3A_679 = vector.broadcast %add3A_678 : i32 to vector<16xi32>
      %add3A_680 = arith.addi %iota3A_659, %add3A_679 : vector<16xi32>
      %shift_right_logical3A_681 = arith.constant 3 : i32
      %shift_right_logical3A_682 = vector.broadcast %shift_right_logical3A_681 : i32 to vector<16xi32>
      %shift_right_logical3A_683 = arith.shrui %add3A_680, %shift_right_logical3A_682 : vector<16xi32>
      %add3A_684 = arith.constant 0 : i32
      %add3A_685 = vector.broadcast %add3A_684 : i32 to vector<16xi32>
      %add3A_686 = arith.addi %iota3A_659, %add3A_685 : vector<16xi32>
      %and3A_687 = arith.constant 7 : i32
      %and3A_688 = vector.broadcast %and3A_687 : i32 to vector<16xi32>
      %and3A_689 = arith.andi %add3A_686, %and3A_688 : vector<16xi32>
      %add3A_690 = arith.constant 16 : i32
      %add3A_691 = vector.broadcast %add3A_690 : i32 to vector<16xi32>
      %add3A_692 = arith.addi %iota3A_659, %add3A_691 : vector<16xi32>
      %and3A_693 = arith.constant 7 : i32
      %and3A_694 = vector.broadcast %and3A_693 : i32 to vector<16xi32>
      %and3A_695 = arith.andi %add3A_692, %and3A_694 : vector<16xi32>
      %add3A_696 = arith.constant 32 : i32
      %add3A_697 = vector.broadcast %add3A_696 : i32 to vector<16xi32>
      %add3A_698 = arith.addi %iota3A_659, %add3A_697 : vector<16xi32>
      %and3A_699 = arith.constant 7 : i32
      %and3A_700 = vector.broadcast %and3A_699 : i32 to vector<16xi32>
      %and3A_701 = arith.andi %add3A_698, %and3A_700 : vector<16xi32>
      %add3A_702 = arith.constant 48 : i32
      %add3A_703 = vector.broadcast %add3A_702 : i32 to vector<16xi32>
      %add3A_704 = arith.addi %iota3A_659, %add3A_703 : vector<16xi32>
      %and3A_705 = arith.constant 7 : i32
      %and3A_706 = vector.broadcast %and3A_705 : i32 to vector<16xi32>
      %and3A_707 = arith.andi %add3A_704, %and3A_706 : vector<16xi32>
      %get3A_708 = arith.index_cast %add3A_620 : i32 to index
      %get3A_709 = arith.constant 0 : index
      %get3A_710 = tpu.vector_load %arg9[%get3A_708, %get3A_709] {strides = array<i32>} : memref<200x64xf32, #tpu.memory_space<vmem>>, vector<16xf32>,
      %get3A_711 = arith.index_cast %add3A_620 : i32 to index
      %get3A_712 = arith.constant 16 : index
      %get3A_713 = tpu.vector_load %arg9[%get3A_711, %get3A_712] {strides = array<i32>} : memref<200x64xf32, #tpu.memory_space<vmem>>, vector<16xf32>,
      %get3A_714 = arith.index_cast %add3A_620 : i32 to index
      %get3A_715 = arith.constant 32 : index
      %get3A_716 = tpu.vector_load %arg9[%get3A_714, %get3A_715] {strides = array<i32>} : memref<200x64xf32, #tpu.memory_space<vmem>>, vector<16xf32>,
      %get3A_717 = arith.index_cast %add3A_620 : i32 to index
      %get3A_718 = arith.constant 48 : index
      %get3A_719 = tpu.vector_load %arg9[%get3A_717, %get3A_718] {strides = array<i32>} : memref<200x64xf32, #tpu.memory_space<vmem>>, vector<16xf32>,
      %scan3A_720 = arith.constant 0 : i32
      %scan3A_721 = arith.constant 3 : i32
      %scan3A_722 = arith.constant 3 : i32
      %scan3A_723 = arith.constant 0 : i32
      %scan3A_724 = arith.constant 128 : i32
      %scan3A_725 = arith.addi %scan3A_723, %scan3A_724 : i32
      %scan3A_726 = arith.constant 4 : i32
      scf.for %scan3A_757 = %scan3A_723 to %scan3A_725 step %scan3A_726  : i32 {
        %broadcast_in_dim3A = vector.broadcast %scan3A_757 : i32 to vector<16xi32>
        %get3A_758 = arith.constant 0 : i32
        %get3A_759 = arith.constant 0 : i32
        %get3A_760 = tpu.memref_slice %arg7[%scan3A_721, %get3A_758, %get3A_759] : memref<4x128x64xf32, #tpu.memory_space<vmem>> -> memref<1x128x64xf32, #tpu.memory_space<vmem>>
        %get3A_761 = tpu.memref_squeeze %get3A_760 : memref<1x128x64xf32, #tpu.memory_space<vmem>> -> memref<128x64xf32, #tpu.memory_space<vmem>>
        %get3A_762 = arith.index_cast %scan3A_757 : i32 to index
        %get3A_763 = arith.constant 0 : index
        %get3A_764 = tpu.vector_load %get3A_761[%get3A_762, %get3A_763] {strides = array<i32>} : memref<128x64xf32, #tpu.memory_space<vmem>>, vector<16xf32>,
        %add3A_765 = arith.addf %get3A_764, %get3A_710 : vector<16xf32>
        %max3A = arith.constant 0.000000e+00 : f32
        %max3A_766 = vector.broadcast %max3A : f32 to vector<16xf32>
        %max3A_767 = arith.maximumf %add3A_765, %max3A_766 : vector<16xf32>
        %scatter3A = arith.constant 0 : i32
        %scatter3A_768 = arith.constant 0 : i32
        %scatter3A_769 = arith.constant 0 : i32
        %scatter3A_770 = tpu.memref_slice %arg8[%scan3A_722, %scatter3A, %scatter3A_768, %scatter3A_769] : memref<4x8x8x129xf32, #tpu.memory_space<vmem>> -> memref<1x8x8x129xf32, #tpu.memory_space<vmem>>
        %scatter3A_771 = tpu.memref_squeeze %scatter3A_770 : memref<1x8x8x129xf32, #tpu.memory_space<vmem>> -> memref<8x8x129xf32, #tpu.memory_space<vmem>>
        tpu.vector_store_idx %scatter3A_771[%shift_right_logical3A_665, %and3A_689, %broadcast_in_dim3A], %max3A_767 : memref<8x8x129xf32, #tpu.memory_space<vmem>>[vector<16xi32>, vector<16xi32>, vector<16xi32>], vector<16xf32>,
        %get3A_772 = arith.constant 0 : i32
        %get3A_773 = arith.constant 0 : i32
        %get3A_774 = tpu.memref_slice %arg7[%scan3A_721, %get3A_772, %get3A_773] : memref<4x128x64xf32, #tpu.memory_space<vmem>> -> memref<1x128x64xf32, #tpu.memory_space<vmem>>
        %get3A_775 = tpu.memref_squeeze %get3A_774 : memref<1x128x64xf32, #tpu.memory_space<vmem>> -> memref<128x64xf32, #tpu.memory_space<vmem>>
        %get3A_776 = arith.index_cast %scan3A_757 : i32 to index
        %get3A_777 = arith.constant 16 : index
        %get3A_778 = tpu.vector_load %get3A_775[%get3A_776, %get3A_777] {strides = array<i32>} : memref<128x64xf32, #tpu.memory_space<vmem>>, vector<16xf32>,
        %add3A_779 = arith.addf %get3A_778, %get3A_713 : vector<16xf32>
        %max3A_780 = arith.constant 0.000000e+00 : f32
        %max3A_781 = vector.broadcast %max3A_780 : f32 to vector<16xf32>
        %max3A_782 = arith.maximumf %add3A_779, %max3A_781 : vector<16xf32>
        %scatter3A_783 = arith.constant 0 : i32
        %scatter3A_784 = arith.constant 0 : i32
        %scatter3A_785 = arith.constant 0 : i32
        %scatter3A_786 = tpu.memref_slice %arg8[%scan3A_722, %scatter3A_783, %scatter3A_784, %scatter3A_785] : memref<4x8x8x129xf32, #tpu.memory_space<vmem>> -> memref<1x8x8x129xf32, #tpu.memory_space<vmem>>
        %scatter3A_787 = tpu.memref_squeeze %scatter3A_786 : memref<1x8x8x129xf32, #tpu.memory_space<vmem>> -> memref<8x8x129xf32, #tpu.memory_space<vmem>>
        tpu.vector_store_idx %scatter3A_787[%shift_right_logical3A_671, %and3A_695, %broadcast_in_dim3A], %max3A_782 : memref<8x8x129xf32, #tpu.memory_space<vmem>>[vector<16xi32>, vector<16xi32>, vector<16xi32>], vector<16xf32>,
        %get3A_788 = arith.constant 0 : i32
        %get3A_789 = arith.constant 0 : i32
        %get3A_790 = tpu.memref_slice %arg7[%scan3A_721, %get3A_788, %get3A_789] : memref<4x128x64xf32, #tpu.memory_space<vmem>> -> memref<1x128x64xf32, #tpu.memory_space<vmem>>
        %get3A_791 = tpu.memref_squeeze %get3A_790 : memref<1x128x64xf32, #tpu.memory_space<vmem>> -> memref<128x64xf32, #tpu.memory_space<vmem>>
        %get3A_792 = arith.index_cast %scan3A_757 : i32 to index
        %get3A_793 = arith.constant 32 : index
        %get3A_794 = tpu.vector_load %get3A_791[%get3A_792, %get3A_793] {strides = array<i32>} : memref<128x64xf32, #tpu.memory_space<vmem>>, vector<16xf32>,
        %add3A_795 = arith.addf %get3A_794, %get3A_716 : vector<16xf32>
        %max3A_796 = arith.constant 0.000000e+00 : f32
        %max3A_797 = vector.broadcast %max3A_796 : f32 to vector<16xf32>
        %max3A_798 = arith.maximumf %add3A_795, %max3A_797 : vector<16xf32>
        %scatter3A_799 = arith.constant 0 : i32
        %scatter3A_800 = arith.constant 0 : i32
        %scatter3A_801 = arith.constant 0 : i32
        %scatter3A_802 = tpu.memref_slice %arg8[%scan3A_722, %scatter3A_799, %scatter3A_800, %scatter3A_801] : memref<4x8x8x129xf32, #tpu.memory_space<vmem>> -> memref<1x8x8x129xf32, #tpu.memory_space<vmem>>
        %scatter3A_803 = tpu.memref_squeeze %scatter3A_802 : memref<1x8x8x129xf32, #tpu.memory_space<vmem>> -> memref<8x8x129xf32, #tpu.memory_space<vmem>>
        tpu.vector_store_idx %scatter3A_803[%shift_right_logical3A_677, %and3A_701, %broadcast_in_dim3A], %max3A_798 : memref<8x8x129xf32, #tpu.memory_space<vmem>>[vector<16xi32>, vector<16xi32>, vector<16xi32>], vector<16xf32>,
        %get3A_804 = arith.constant 0 : i32
        %get3A_805 = arith.constant 0 : i32
        %get3A_806 = tpu.memref_slice %arg7[%scan3A_721, %get3A_804, %get3A_805] : memref<4x128x64xf32, #tpu.memory_space<vmem>> -> memref<1x128x64xf32, #tpu.memory_space<vmem>>
        %get3A_807 = tpu.memref_squeeze %get3A_806 : memref<1x128x64xf32, #tpu.memory_space<vmem>> -> memref<128x64xf32, #tpu.memory_space<vmem>>
        %get3A_808 = arith.index_cast %scan3A_757 : i32 to index
        %get3A_809 = arith.constant 48 : index
        %get3A_810 = tpu.vector_load %get3A_807[%get3A_808, %get3A_809] {strides = array<i32>} : memref<128x64xf32, #tpu.memory_space<vmem>>, vector<16xf32>,
        %add3A_811 = arith.addf %get3A_810, %get3A_719 : vector<16xf32>
        %max3A_812 = arith.constant 0.000000e+00 : f32
        %max3A_813 = vector.broadcast %max3A_812 : f32 to vector<16xf32>
        %max3A_814 = arith.maximumf %add3A_811, %max3A_813 : vector<16xf32>
        %scatter3A_815 = arith.constant 0 : i32
        %scatter3A_816 = arith.constant 0 : i32
        %scatter3A_817 = arith.constant 0 : i32
        %scatter3A_818 = tpu.memref_slice %arg8[%scan3A_722, %scatter3A_815, %scatter3A_816, %scatter3A_817] : memref<4x8x8x129xf32, #tpu.memory_space<vmem>> -> memref<1x8x8x129xf32, #tpu.memory_space<vmem>>
        %scatter3A_819 = tpu.memref_squeeze %scatter3A_818 : memref<1x8x8x129xf32, #tpu.memory_space<vmem>> -> memref<8x8x129xf32, #tpu.memory_space<vmem>>
        tpu.vector_store_idx %scatter3A_819[%shift_right_logical3A_683, %and3A_707, %broadcast_in_dim3A], %max3A_814 : memref<8x8x129xf32, #tpu.memory_space<vmem>>[vector<16xi32>, vector<16xi32>, vector<16xi32>], vector<16xf32>,
        %scan3A_820 = arith.constant 1 : i32
        %scan3A_821 = arith.addi %scan3A_757, %scan3A_820 : i32
        %broadcast_in_dim3A_822 = vector.broadcast %scan3A_821 : i32 to vector<16xi32>
        %get3A_823 = arith.constant 0 : i32
        %get3A_824 = arith.constant 0 : i32
        %get3A_825 = tpu.memref_slice %arg7[%scan3A_721, %get3A_823, %get3A_824] : memref<4x128x64xf32, #tpu.memory_space<vmem>> -> memref<1x128x64xf32, #tpu.memory_space<vmem>>
        %get3A_826 = tpu.memref_squeeze %get3A_825 : memref<1x128x64xf32, #tpu.memory_space<vmem>> -> memref<128x64xf32, #tpu.memory_space<vmem>>
        %get3A_827 = arith.index_cast %scan3A_821 : i32 to index
        %get3A_828 = arith.constant 0 : index
        %get3A_829 = tpu.vector_load %get3A_826[%get3A_827, %get3A_828] {strides = array<i32>} : memref<128x64xf32, #tpu.memory_space<vmem>>, vector<16xf32>,
        %add3A_830 = arith.addf %get3A_829, %get3A_710 : vector<16xf32>
        %max3A_831 = arith.constant 0.000000e+00 : f32
        %max3A_832 = vector.broadcast %max3A_831 : f32 to vector<16xf32>
        %max3A_833 = arith.maximumf %add3A_830, %max3A_832 : vector<16xf32>
        %scatter3A_834 = arith.constant 0 : i32
        %scatter3A_835 = arith.constant 0 : i32
        %scatter3A_836 = arith.constant 0 : i32
        %scatter3A_837 = tpu.memref_slice %arg8[%scan3A_722, %scatter3A_834, %scatter3A_835, %scatter3A_836] : memref<4x8x8x129xf32, #tpu.memory_space<vmem>> -> memref<1x8x8x129xf32, #tpu.memory_space<vmem>>
        %scatter3A_838 = tpu.memref_squeeze %scatter3A_837 : memref<1x8x8x129xf32, #tpu.memory_space<vmem>> -> memref<8x8x129xf32, #tpu.memory_space<vmem>>
        tpu.vector_store_idx %scatter3A_838[%shift_right_logical3A_665, %and3A_689, %broadcast_in_dim3A_822], %max3A_833 : memref<8x8x129xf32, #tpu.memory_space<vmem>>[vector<16xi32>, vector<16xi32>, vector<16xi32>], vector<16xf32>,
        %get3A_839 = arith.constant 0 : i32
        %get3A_840 = arith.constant 0 : i32
        %get3A_841 = tpu.memref_slice %arg7[%scan3A_721, %get3A_839, %get3A_840] : memref<4x128x64xf32, #tpu.memory_space<vmem>> -> memref<1x128x64xf32, #tpu.memory_space<vmem>>
        %get3A_842 = tpu.memref_squeeze %get3A_841 : memref<1x128x64xf32, #tpu.memory_space<vmem>> -> memref<128x64xf32, #tpu.memory_space<vmem>>
        %get3A_843 = arith.index_cast %scan3A_821 : i32 to index
        %get3A_844 = arith.constant 16 : index
        %get3A_845 = tpu.vector_load %get3A_842[%get3A_843, %get3A_844] {strides = array<i32>} : memref<128x64xf32, #tpu.memory_space<vmem>>, vector<16xf32>,
        %add3A_846 = arith.addf %get3A_845, %get3A_713 : vector<16xf32>
        %max3A_847 = arith.constant 0.000000e+00 : f32
        %max3A_848 = vector.broadcast %max3A_847 : f32 to vector<16xf32>
        %max3A_849 = arith.maximumf %add3A_846, %max3A_848 : vector<16xf32>
        %scatter3A_850 = arith.constant 0 : i32
        %scatter3A_851 = arith.constant 0 : i32
        %scatter3A_852 = arith.constant 0 : i32
        %scatter3A_853 = tpu.memref_slice %arg8[%scan3A_722, %scatter3A_850, %scatter3A_851, %scatter3A_852] : memref<4x8x8x129xf32, #tpu.memory_space<vmem>> -> memref<1x8x8x129xf32, #tpu.memory_space<vmem>>
        %scatter3A_854 = tpu.memref_squeeze %scatter3A_853 : memref<1x8x8x129xf32, #tpu.memory_space<vmem>> -> memref<8x8x129xf32, #tpu.memory_space<vmem>>
        tpu.vector_store_idx %scatter3A_854[%shift_right_logical3A_671, %and3A_695, %broadcast_in_dim3A_822], %max3A_849 : memref<8x8x129xf32, #tpu.memory_space<vmem>>[vector<16xi32>, vector<16xi32>, vector<16xi32>], vector<16xf32>,
        %get3A_855 = arith.constant 0 : i32
        %get3A_856 = arith.constant 0 : i32
        %get3A_857 = tpu.memref_slice %arg7[%scan3A_721, %get3A_855, %get3A_856] : memref<4x128x64xf32, #tpu.memory_space<vmem>> -> memref<1x128x64xf32, #tpu.memory_space<vmem>>
        %get3A_858 = tpu.memref_squeeze %get3A_857 : memref<1x128x64xf32, #tpu.memory_space<vmem>> -> memref<128x64xf32, #tpu.memory_space<vmem>>
        %get3A_859 = arith.index_cast %scan3A_821 : i32 to index
        %get3A_860 = arith.constant 32 : index
        %get3A_861 = tpu.vector_load %get3A_858[%get3A_859, %get3A_860] {strides = array<i32>} : memref<128x64xf32, #tpu.memory_space<vmem>>, vector<16xf32>,
        %add3A_862 = arith.addf %get3A_861, %get3A_716 : vector<16xf32>
        %max3A_863 = arith.constant 0.000000e+00 : f32
        %max3A_864 = vector.broadcast %max3A_863 : f32 to vector<16xf32>
        %max3A_865 = arith.maximumf %add3A_862, %max3A_864 : vector<16xf32>
        %scatter3A_866 = arith.constant 0 : i32
        %scatter3A_867 = arith.constant 0 : i32
        %scatter3A_868 = arith.constant 0 : i32
        %scatter3A_869 = tpu.memref_slice %arg8[%scan3A_722, %scatter3A_866, %scatter3A_867, %scatter3A_868] : memref<4x8x8x129xf32, #tpu.memory_space<vmem>> -> memref<1x8x8x129xf32, #tpu.memory_space<vmem>>
        %scatter3A_870 = tpu.memref_squeeze %scatter3A_869 : memref<1x8x8x129xf32, #tpu.memory_space<vmem>> -> memref<8x8x129xf32, #tpu.memory_space<vmem>>
        tpu.vector_store_idx %scatter3A_870[%shift_right_logical3A_677, %and3A_701, %broadcast_in_dim3A_822], %max3A_865 : memref<8x8x129xf32, #tpu.memory_space<vmem>>[vector<16xi32>, vector<16xi32>, vector<16xi32>], vector<16xf32>,
        %get3A_871 = arith.constant 0 : i32
        %get3A_872 = arith.constant 0 : i32
        %get3A_873 = tpu.memref_slice %arg7[%scan3A_721, %get3A_871, %get3A_872] : memref<4x128x64xf32, #tpu.memory_space<vmem>> -> memref<1x128x64xf32, #tpu.memory_space<vmem>>
        %get3A_874 = tpu.memref_squeeze %get3A_873 : memref<1x128x64xf32, #tpu.memory_space<vmem>> -> memref<128x64xf32, #tpu.memory_space<vmem>>
        %get3A_875 = arith.index_cast %scan3A_821 : i32 to index
        %get3A_876 = arith.constant 48 : index
        %get3A_877 = tpu.vector_load %get3A_874[%get3A_875, %get3A_876] {strides = array<i32>} : memref<128x64xf32, #tpu.memory_space<vmem>>, vector<16xf32>,
        %add3A_878 = arith.addf %get3A_877, %get3A_719 : vector<16xf32>
        %max3A_879 = arith.constant 0.000000e+00 : f32
        %max3A_880 = vector.broadcast %max3A_879 : f32 to vector<16xf32>
        %max3A_881 = arith.maximumf %add3A_878, %max3A_880 : vector<16xf32>
        %scatter3A_882 = arith.constant 0 : i32
        %scatter3A_883 = arith.constant 0 : i32
        %scatter3A_884 = arith.constant 0 : i32
        %scatter3A_885 = tpu.memref_slice %arg8[%scan3A_722, %scatter3A_882, %scatter3A_883, %scatter3A_884] : memref<4x8x8x129xf32, #tpu.memory_space<vmem>> -> memref<1x8x8x129xf32, #tpu.memory_space<vmem>>
        %scatter3A_886 = tpu.memref_squeeze %scatter3A_885 : memref<1x8x8x129xf32, #tpu.memory_space<vmem>> -> memref<8x8x129xf32, #tpu.memory_space<vmem>>
        tpu.vector_store_idx %scatter3A_886[%shift_right_logical3A_683, %and3A_707, %broadcast_in_dim3A_822], %max3A_881 : memref<8x8x129xf32, #tpu.memory_space<vmem>>[vector<16xi32>, vector<16xi32>, vector<16xi32>], vector<16xf32>,
        %scan3A_887 = arith.constant 2 : i32
        %scan3A_888 = arith.addi %scan3A_757, %scan3A_887 : i32
        %broadcast_in_dim3A_889 = vector.broadcast %scan3A_888 : i32 to vector<16xi32>
        %get3A_890 = arith.constant 0 : i32
        %get3A_891 = arith.constant 0 : i32
        %get3A_892 = tpu.memref_slice %arg7[%scan3A_721, %get3A_890, %get3A_891] : memref<4x128x64xf32, #tpu.memory_space<vmem>> -> memref<1x128x64xf32, #tpu.memory_space<vmem>>
        %get3A_893 = tpu.memref_squeeze %get3A_892 : memref<1x128x64xf32, #tpu.memory_space<vmem>> -> memref<128x64xf32, #tpu.memory_space<vmem>>
        %get3A_894 = arith.index_cast %scan3A_888 : i32 to index
        %get3A_895 = arith.constant 0 : index
        %get3A_896 = tpu.vector_load %get3A_893[%get3A_894, %get3A_895] {strides = array<i32>} : memref<128x64xf32, #tpu.memory_space<vmem>>, vector<16xf32>,
        %add3A_897 = arith.addf %get3A_896, %get3A_710 : vector<16xf32>
        %max3A_898 = arith.constant 0.000000e+00 : f32
        %max3A_899 = vector.broadcast %max3A_898 : f32 to vector<16xf32>
        %max3A_900 = arith.maximumf %add3A_897, %max3A_899 : vector<16xf32>
        %scatter3A_901 = arith.constant 0 : i32
        %scatter3A_902 = arith.constant 0 : i32
        %scatter3A_903 = arith.constant 0 : i32
        %scatter3A_904 = tpu.memref_slice %arg8[%scan3A_722, %scatter3A_901, %scatter3A_902, %scatter3A_903] : memref<4x8x8x129xf32, #tpu.memory_space<vmem>> -> memref<1x8x8x129xf32, #tpu.memory_space<vmem>>
        %scatter3A_905 = tpu.memref_squeeze %scatter3A_904 : memref<1x8x8x129xf32, #tpu.memory_space<vmem>> -> memref<8x8x129xf32, #tpu.memory_space<vmem>>
        tpu.vector_store_idx %scatter3A_905[%shift_right_logical3A_665, %and3A_689, %broadcast_in_dim3A_889], %max3A_900 : memref<8x8x129xf32, #tpu.memory_space<vmem>>[vector<16xi32>, vector<16xi32>, vector<16xi32>], vector<16xf32>,
        %get3A_906 = arith.constant 0 : i32
        %get3A_907 = arith.constant 0 : i32
        %get3A_908 = tpu.memref_slice %arg7[%scan3A_721, %get3A_906, %get3A_907] : memref<4x128x64xf32, #tpu.memory_space<vmem>> -> memref<1x128x64xf32, #tpu.memory_space<vmem>>
        %get3A_909 = tpu.memref_squeeze %get3A_908 : memref<1x128x64xf32, #tpu.memory_space<vmem>> -> memref<128x64xf32, #tpu.memory_space<vmem>>
        %get3A_910 = arith.index_cast %scan3A_888 : i32 to index
        %get3A_911 = arith.constant 16 : index
        %get3A_912 = tpu.vector_load %get3A_909[%get3A_910, %get3A_911] {strides = array<i32>} : memref<128x64xf32, #tpu.memory_space<vmem>>, vector<16xf32>,
        %add3A_913 = arith.addf %get3A_912, %get3A_713 : vector<16xf32>
        %max3A_914 = arith.constant 0.000000e+00 : f32
        %max3A_915 = vector.broadcast %max3A_914 : f32 to vector<16xf32>
        %max3A_916 = arith.maximumf %add3A_913, %max3A_915 : vector<16xf32>
        %scatter3A_917 = arith.constant 0 : i32
        %scatter3A_918 = arith.constant 0 : i32
        %scatter3A_919 = arith.constant 0 : i32
        %scatter3A_920 = tpu.memref_slice %arg8[%scan3A_722, %scatter3A_917, %scatter3A_918, %scatter3A_919] : memref<4x8x8x129xf32, #tpu.memory_space<vmem>> -> memref<1x8x8x129xf32, #tpu.memory_space<vmem>>
        %scatter3A_921 = tpu.memref_squeeze %scatter3A_920 : memref<1x8x8x129xf32, #tpu.memory_space<vmem>> -> memref<8x8x129xf32, #tpu.memory_space<vmem>>
        tpu.vector_store_idx %scatter3A_921[%shift_right_logical3A_671, %and3A_695, %broadcast_in_dim3A_889], %max3A_916 : memref<8x8x129xf32, #tpu.memory_space<vmem>>[vector<16xi32>, vector<16xi32>, vector<16xi32>], vector<16xf32>,
        %get3A_922 = arith.constant 0 : i32
        %get3A_923 = arith.constant 0 : i32
        %get3A_924 = tpu.memref_slice %arg7[%scan3A_721, %get3A_922, %get3A_923] : memref<4x128x64xf32, #tpu.memory_space<vmem>> -> memref<1x128x64xf32, #tpu.memory_space<vmem>>
        %get3A_925 = tpu.memref_squeeze %get3A_924 : memref<1x128x64xf32, #tpu.memory_space<vmem>> -> memref<128x64xf32, #tpu.memory_space<vmem>>
        %get3A_926 = arith.index_cast %scan3A_888 : i32 to index
        %get3A_927 = arith.constant 32 : index
        %get3A_928 = tpu.vector_load %get3A_925[%get3A_926, %get3A_927] {strides = array<i32>} : memref<128x64xf32, #tpu.memory_space<vmem>>, vector<16xf32>,
        %add3A_929 = arith.addf %get3A_928, %get3A_716 : vector<16xf32>
        %max3A_930 = arith.constant 0.000000e+00 : f32
        %max3A_931 = vector.broadcast %max3A_930 : f32 to vector<16xf32>
        %max3A_932 = arith.maximumf %add3A_929, %max3A_931 : vector<16xf32>
        %scatter3A_933 = arith.constant 0 : i32
        %scatter3A_934 = arith.constant 0 : i32
        %scatter3A_935 = arith.constant 0 : i32
        %scatter3A_936 = tpu.memref_slice %arg8[%scan3A_722, %scatter3A_933, %scatter3A_934, %scatter3A_935] : memref<4x8x8x129xf32, #tpu.memory_space<vmem>> -> memref<1x8x8x129xf32, #tpu.memory_space<vmem>>
        %scatter3A_937 = tpu.memref_squeeze %scatter3A_936 : memref<1x8x8x129xf32, #tpu.memory_space<vmem>> -> memref<8x8x129xf32, #tpu.memory_space<vmem>>
        tpu.vector_store_idx %scatter3A_937[%shift_right_logical3A_677, %and3A_701, %broadcast_in_dim3A_889], %max3A_932 : memref<8x8x129xf32, #tpu.memory_space<vmem>>[vector<16xi32>, vector<16xi32>, vector<16xi32>], vector<16xf32>,
        %get3A_938 = arith.constant 0 : i32
        %get3A_939 = arith.constant 0 : i32
        %get3A_940 = tpu.memref_slice %arg7[%scan3A_721, %get3A_938, %get3A_939] : memref<4x128x64xf32, #tpu.memory_space<vmem>> -> memref<1x128x64xf32, #tpu.memory_space<vmem>>
        %get3A_941 = tpu.memref_squeeze %get3A_940 : memref<1x128x64xf32, #tpu.memory_space<vmem>> -> memref<128x64xf32, #tpu.memory_space<vmem>>
        %get3A_942 = arith.index_cast %scan3A_888 : i32 to index
        %get3A_943 = arith.constant 48 : index
        %get3A_944 = tpu.vector_load %get3A_941[%get3A_942, %get3A_943] {strides = array<i32>} : memref<128x64xf32, #tpu.memory_space<vmem>>, vector<16xf32>,
        %add3A_945 = arith.addf %get3A_944, %get3A_719 : vector<16xf32>
        %max3A_946 = arith.constant 0.000000e+00 : f32
        %max3A_947 = vector.broadcast %max3A_946 : f32 to vector<16xf32>
        %max3A_948 = arith.maximumf %add3A_945, %max3A_947 : vector<16xf32>
        %scatter3A_949 = arith.constant 0 : i32
        %scatter3A_950 = arith.constant 0 : i32
        %scatter3A_951 = arith.constant 0 : i32
        %scatter3A_952 = tpu.memref_slice %arg8[%scan3A_722, %scatter3A_949, %scatter3A_950, %scatter3A_951] : memref<4x8x8x129xf32, #tpu.memory_space<vmem>> -> memref<1x8x8x129xf32, #tpu.memory_space<vmem>>
        %scatter3A_953 = tpu.memref_squeeze %scatter3A_952 : memref<1x8x8x129xf32, #tpu.memory_space<vmem>> -> memref<8x8x129xf32, #tpu.memory_space<vmem>>
        tpu.vector_store_idx %scatter3A_953[%shift_right_logical3A_683, %and3A_707, %broadcast_in_dim3A_889], %max3A_948 : memref<8x8x129xf32, #tpu.memory_space<vmem>>[vector<16xi32>, vector<16xi32>, vector<16xi32>], vector<16xf32>,
        %scan3A_954 = arith.constant 3 : i32
        %scan3A_955 = arith.addi %scan3A_757, %scan3A_954 : i32
        %broadcast_in_dim3A_956 = vector.broadcast %scan3A_955 : i32 to vector<16xi32>
        %get3A_957 = arith.constant 0 : i32
        %get3A_958 = arith.constant 0 : i32
        %get3A_959 = tpu.memref_slice %arg7[%scan3A_721, %get3A_957, %get3A_958] : memref<4x128x64xf32, #tpu.memory_space<vmem>> -> memref<1x128x64xf32, #tpu.memory_space<vmem>>
        %get3A_960 = tpu.memref_squeeze %get3A_959 : memref<1x128x64xf32, #tpu.memory_space<vmem>> -> memref<128x64xf32, #tpu.memory_space<vmem>>
        %get3A_961 = arith.index_cast %scan3A_955 : i32 to index
        %get3A_962 = arith.constant 0 : index
        %get3A_963 = tpu.vector_load %get3A_960[%get3A_961, %get3A_962] {strides = array<i32>} : memref<128x64xf32, #tpu.memory_space<vmem>>, vector<16xf32>,
        %add3A_964 = arith.addf %get3A_963, %get3A_710 : vector<16xf32>
        %max3A_965 = arith.constant 0.000000e+00 : f32
        %max3A_966 = vector.broadcast %max3A_965 : f32 to vector<16xf32>
        %max3A_967 = arith.maximumf %add3A_964, %max3A_966 : vector<16xf32>
        %scatter3A_968 = arith.constant 0 : i32
        %scatter3A_969 = arith.constant 0 : i32
        %scatter3A_970 = arith.constant 0 : i32
        %scatter3A_971 = tpu.memref_slice %arg8[%scan3A_722, %scatter3A_968, %scatter3A_969, %scatter3A_970] : memref<4x8x8x129xf32, #tpu.memory_space<vmem>> -> memref<1x8x8x129xf32, #tpu.memory_space<vmem>>
        %scatter3A_972 = tpu.memref_squeeze %scatter3A_971 : memref<1x8x8x129xf32, #tpu.memory_space<vmem>> -> memref<8x8x129xf32, #tpu.memory_space<vmem>>
        tpu.vector_store_idx %scatter3A_972[%shift_right_logical3A_665, %and3A_689, %broadcast_in_dim3A_956], %max3A_967 : memref<8x8x129xf32, #tpu.memory_space<vmem>>[vector<16xi32>, vector<16xi32>, vector<16xi32>], vector<16xf32>,
        %get3A_973 = arith.constant 0 : i32
        %get3A_974 = arith.constant 0 : i32
        %get3A_975 = tpu.memref_slice %arg7[%scan3A_721, %get3A_973, %get3A_974] : memref<4x128x64xf32, #tpu.memory_space<vmem>> -> memref<1x128x64xf32, #tpu.memory_space<vmem>>
        %get3A_976 = tpu.memref_squeeze %get3A_975 : memref<1x128x64xf32, #tpu.memory_space<vmem>> -> memref<128x64xf32, #tpu.memory_space<vmem>>
        %get3A_977 = arith.index_cast %scan3A_955 : i32 to index
        %get3A_978 = arith.constant 16 : index
        %get3A_979 = tpu.vector_load %get3A_976[%get3A_977, %get3A_978] {strides = array<i32>} : memref<128x64xf32, #tpu.memory_space<vmem>>, vector<16xf32>,
        %add3A_980 = arith.addf %get3A_979, %get3A_713 : vector<16xf32>
        %max3A_981 = arith.constant 0.000000e+00 : f32
        %max3A_982 = vector.broadcast %max3A_981 : f32 to vector<16xf32>
        %max3A_983 = arith.maximumf %add3A_980, %max3A_982 : vector<16xf32>
        %scatter3A_984 = arith.constant 0 : i32
        %scatter3A_985 = arith.constant 0 : i32
        %scatter3A_986 = arith.constant 0 : i32
        %scatter3A_987 = tpu.memref_slice %arg8[%scan3A_722, %scatter3A_984, %scatter3A_985, %scatter3A_986] : memref<4x8x8x129xf32, #tpu.memory_space<vmem>> -> memref<1x8x8x129xf32, #tpu.memory_space<vmem>>
        %scatter3A_988 = tpu.memref_squeeze %scatter3A_987 : memref<1x8x8x129xf32, #tpu.memory_space<vmem>> -> memref<8x8x129xf32, #tpu.memory_space<vmem>>
        tpu.vector_store_idx %scatter3A_988[%shift_right_logical3A_671, %and3A_695, %broadcast_in_dim3A_956], %max3A_983 : memref<8x8x129xf32, #tpu.memory_space<vmem>>[vector<16xi32>, vector<16xi32>, vector<16xi32>], vector<16xf32>,
        %get3A_989 = arith.constant 0 : i32
        %get3A_990 = arith.constant 0 : i32
        %get3A_991 = tpu.memref_slice %arg7[%scan3A_721, %get3A_989, %get3A_990] : memref<4x128x64xf32, #tpu.memory_space<vmem>> -> memref<1x128x64xf32, #tpu.memory_space<vmem>>
        %get3A_992 = tpu.memref_squeeze %get3A_991 : memref<1x128x64xf32, #tpu.memory_space<vmem>> -> memref<128x64xf32, #tpu.memory_space<vmem>>
        %get3A_993 = arith.index_cast %scan3A_955 : i32 to index
        %get3A_994 = arith.constant 32 : index
        %get3A_995 = tpu.vector_load %get3A_992[%get3A_993, %get3A_994] {strides = array<i32>} : memref<128x64xf32, #tpu.memory_space<vmem>>, vector<16xf32>,
        %add3A_996 = arith.addf %get3A_995, %get3A_716 : vector<16xf32>
        %max3A_997 = arith.constant 0.000000e+00 : f32
        %max3A_998 = vector.broadcast %max3A_997 : f32 to vector<16xf32>
        %max3A_999 = arith.maximumf %add3A_996, %max3A_998 : vector<16xf32>
        %scatter3A_1000 = arith.constant 0 : i32
        %scatter3A_1001 = arith.constant 0 : i32
        %scatter3A_1002 = arith.constant 0 : i32
        %scatter3A_1003 = tpu.memref_slice %arg8[%scan3A_722, %scatter3A_1000, %scatter3A_1001, %scatter3A_1002] : memref<4x8x8x129xf32, #tpu.memory_space<vmem>> -> memref<1x8x8x129xf32, #tpu.memory_space<vmem>>
        %scatter3A_1004 = tpu.memref_squeeze %scatter3A_1003 : memref<1x8x8x129xf32, #tpu.memory_space<vmem>> -> memref<8x8x129xf32, #tpu.memory_space<vmem>>
        tpu.vector_store_idx %scatter3A_1004[%shift_right_logical3A_677, %and3A_701, %broadcast_in_dim3A_956], %max3A_999 : memref<8x8x129xf32, #tpu.memory_space<vmem>>[vector<16xi32>, vector<16xi32>, vector<16xi32>], vector<16xf32>,
        %get3A_1005 = arith.constant 0 : i32
        %get3A_1006 = arith.constant 0 : i32
        %get3A_1007 = tpu.memref_slice %arg7[%scan3A_721, %get3A_1005, %get3A_1006] : memref<4x128x64xf32, #tpu.memory_space<vmem>> -> memref<1x128x64xf32, #tpu.memory_space<vmem>>
        %get3A_1008 = tpu.memref_squeeze %get3A_1007 : memref<1x128x64xf32, #tpu.memory_space<vmem>> -> memref<128x64xf32, #tpu.memory_space<vmem>>
        %get3A_1009 = arith.index_cast %scan3A_955 : i32 to index
        %get3A_1010 = arith.constant 48 : index
        %get3A_1011 = tpu.vector_load %get3A_1008[%get3A_1009, %get3A_1010] {strides = array<i32>} : memref<128x64xf32, #tpu.memory_space<vmem>>, vector<16xf32>,
        %add3A_1012 = arith.addf %get3A_1011, %get3A_719 : vector<16xf32>
        %max3A_1013 = arith.constant 0.000000e+00 : f32
        %max3A_1014 = vector.broadcast %max3A_1013 : f32 to vector<16xf32>
        %max3A_1015 = arith.maximumf %add3A_1012, %max3A_1014 : vector<16xf32>
        %scatter3A_1016 = arith.constant 0 : i32
        %scatter3A_1017 = arith.constant 0 : i32
        %scatter3A_1018 = arith.constant 0 : i32
        %scatter3A_1019 = tpu.memref_slice %arg8[%scan3A_722, %scatter3A_1016, %scatter3A_1017, %scatter3A_1018] : memref<4x8x8x129xf32, #tpu.memory_space<vmem>> -> memref<1x8x8x129xf32, #tpu.memory_space<vmem>>
        %scatter3A_1020 = tpu.memref_squeeze %scatter3A_1019 : memref<1x8x8x129xf32, #tpu.memory_space<vmem>> -> memref<8x8x129xf32, #tpu.memory_space<vmem>>
        tpu.vector_store_idx %scatter3A_1020[%shift_right_logical3A_683, %and3A_707, %broadcast_in_dim3A_956], %max3A_1015 : memref<8x8x129xf32, #tpu.memory_space<vmem>>[vector<16xi32>, vector<16xi32>, vector<16xi32>], vector<16xf32>,
      }
      %scan3A_727 = arith.constant 128 : i32
      %dma_start3A_728 = arith.constant 3 : i32
      %dma_start3A_729 = arith.constant 0 : i32
      %dma_start3A_730 = arith.constant 0 : i32
      %dma_start3A_731 = arith.constant 0 : i32
      %dma_start3A_732 = tpu.memref_slice %arg8[%dma_start3A_728, %dma_start3A_729, %dma_start3A_730, %dma_start3A_731] : memref<4x8x8x129xf32, #tpu.memory_space<vmem>> -> memref<1x8x8x129xf32, #tpu.memory_space<vmem>>
      %dma_start3A_733 = tpu.memref_squeeze %dma_start3A_732 : memref<1x8x8x129xf32, #tpu.memory_space<vmem>> -> memref<8x8x129xf32, #tpu.memory_space<vmem>>
      %dma_start3A_734 = arith.constant 0 : i32
      %dma_start3A_735 = arith.constant 0 : i32
      %dma_start3A_736 = arith.constant 0 : i32
      %dma_start3A_737 = tpu.memref_slice %dma_start3A_733[%dma_start3A_734, %dma_start3A_735, %dma_start3A_736] : memref<8x8x129xf32, #tpu.memory_space<vmem>> -> memref<8x8x128xf32, #tpu.memory_space<vmem>>
      %dma_start3A_738 = arith.constant 0 : i32
      %dma_start3A_739 = arith.constant 0 : i32
      %dma_start3A_740 = arith.constant 0 : i32
      %dma_start3A_741 = tpu.memref_slice %arg5[%add3A_620, %dma_start3A_738, %add3A, %dma_start3A_739, %dma_start3A_740] : memref<200x8x32x8x128xf32, #tpu.memory_space<hbm>> -> memref<1x8x1x8x128xf32, #tpu.memory_space<hbm>>
      %dma_start3A_742 = tpu.memref_squeeze %dma_start3A_741 : memref<1x8x1x8x128xf32, #tpu.memory_space<hbm>> -> memref<8x8x128xf32, #tpu.memory_space<hbm>>
      %dma_start3A_743 = arith.constant 0 : i32
      %dma_start3A_744 = arith.constant 0 : i32
      %dma_start3A_745 = arith.constant 0 : i32
      %dma_start3A_746 = tpu.memref_slice %arg5[%add3A_620, %dma_start3A_743, %add3A, %dma_start3A_744, %dma_start3A_745] : memref<200x8x32x8x128xf32, #tpu.memory_space<hbm>> -> memref<1x8x1x8x128xf32, #tpu.memory_space<hbm>>
      %dma_start3A_747 = tpu.memref_squeeze %dma_start3A_746 : memref<1x8x1x8x128xf32, #tpu.memory_space<hbm>> -> memref<8x8x128xf32, #tpu.memory_space<hbm>>
      %dma_start3A_748 = arith.constant 0 : i32
      %dma_start3A_749 = arith.constant 0 : i32
      %dma_start3A_750 = arith.constant 0 : i32
      %dma_start3A_751 = tpu.memref_slice %arg8[%dma_start3A_728, %dma_start3A_748, %dma_start3A_749, %dma_start3A_750] : memref<4x8x8x129xf32, #tpu.memory_space<vmem>> -> memref<1x8x8x129xf32, #tpu.memory_space<vmem>>
      %dma_start3A_752 = tpu.memref_squeeze %dma_start3A_751 : memref<1x8x8x129xf32, #tpu.memory_space<vmem>> -> memref<8x8x129xf32, #tpu.memory_space<vmem>>
      %dma_start3A_753 = arith.constant 0 : i32
      %dma_start3A_754 = arith.constant 0 : i32
      %dma_start3A_755 = arith.constant 0 : i32
      %dma_start3A_756 = tpu.memref_slice %dma_start3A_752[%dma_start3A_753, %dma_start3A_754, %dma_start3A_755] : memref<8x8x129xf32, #tpu.memory_space<vmem>> -> memref<8x8x128xf32, #tpu.memory_space<vmem>>
      tpu.enqueue_dma source(%dma_start3A_756 : memref<8x8x128xf32, #tpu.memory_space<vmem>>) target(%dma_start3A_747 : memref<8x8x128xf32, #tpu.memory_space<hbm>>) target_semaphore(%arg17 : memref<!tpu.dma_semaphore, #tpu.memory_space<semaphore_mem>>)
    }
    %scan3A_42 = arith.constant 50 : i32
    %dma_wait3A = arith.constant 0 : i32
    %dma_wait3A_43 = arith.constant 0 : i32
    %dma_wait3A_44 = arith.constant 0 : i32
    %dma_wait3A_45 = tpu.memref_slice %arg7[%dma_wait3A, %dma_wait3A_43, %dma_wait3A_44] : memref<4x128x64xf32, #tpu.memory_space<vmem>> -> memref<1x128x64xf32, #tpu.memory_space<vmem>>
    %dma_wait3A_46 = tpu.memref_squeeze %dma_wait3A_45 : memref<1x128x64xf32, #tpu.memory_space<vmem>> -> memref<128x64xf32, #tpu.memory_space<vmem>>
    %dma_wait3A_47 = arith.constant 0 : i32
    %dma_wait3A_48 = arith.constant 0 : i32
    %dma_wait3A_49 = tpu.memref_slice %arg3[%dma_wait3A_47, %dma_wait3A_48] : memref<1000000x64xf32, #tpu.memory_space<hbm>> -> memref<128x64xf32, #tpu.memory_space<hbm>>
    %dma_wait3A_50 = arith.constant 0 : i32
    %dma_wait3A_51 = arith.constant 0 : i32
    %dma_wait3A_52 = tpu.memref_slice %arg7[%dma_wait3A, %dma_wait3A_50, %dma_wait3A_51] : memref<4x128x64xf32, #tpu.memory_space<vmem>> -> memref<1x128x64xf32, #tpu.memory_space<vmem>>
    %dma_wait3A_53 = tpu.memref_squeeze %dma_wait3A_52 : memref<1x128x64xf32, #tpu.memory_space<vmem>> -> memref<128x64xf32, #tpu.memory_space<vmem>>
    %dma_wait3A_54 = arith.constant 0 : i32
    %dma_wait3A_55 = arith.constant 0 : i32
    %dma_wait3A_56 = tpu.memref_slice %arg3[%dma_wait3A_54, %dma_wait3A_55] : memref<1000000x64xf32, #tpu.memory_space<hbm>> -> memref<128x64xf32, #tpu.memory_space<hbm>>
    tpu.wait_dma2 semaphore(%arg10 : memref<!tpu.dma_semaphore, #tpu.memory_space<semaphore_mem>>) src(%dma_wait3A_56 : memref<128x64xf32, #tpu.memory_space<hbm>>) dst(%dma_wait3A_53 : memref<128x64xf32, #tpu.memory_space<vmem>>)
    %dma_wait3A_57 = arith.constant 1 : i32
    %dma_wait3A_58 = arith.constant 0 : i32
    %dma_wait3A_59 = arith.constant 0 : i32
    %dma_wait3A_60 = tpu.memref_slice %arg7[%dma_wait3A_57, %dma_wait3A_58, %dma_wait3A_59] : memref<4x128x64xf32, #tpu.memory_space<vmem>> -> memref<1x128x64xf32, #tpu.memory_space<vmem>>
    %dma_wait3A_61 = tpu.memref_squeeze %dma_wait3A_60 : memref<1x128x64xf32, #tpu.memory_space<vmem>> -> memref<128x64xf32, #tpu.memory_space<vmem>>
    %dma_wait3A_62 = arith.constant 0 : i32
    %dma_wait3A_63 = arith.constant 0 : i32
    %dma_wait3A_64 = tpu.memref_slice %arg3[%dma_wait3A_62, %dma_wait3A_63] : memref<1000000x64xf32, #tpu.memory_space<hbm>> -> memref<128x64xf32, #tpu.memory_space<hbm>>
    %dma_wait3A_65 = arith.constant 0 : i32
    %dma_wait3A_66 = arith.constant 0 : i32
    %dma_wait3A_67 = tpu.memref_slice %arg7[%dma_wait3A_57, %dma_wait3A_65, %dma_wait3A_66] : memref<4x128x64xf32, #tpu.memory_space<vmem>> -> memref<1x128x64xf32, #tpu.memory_space<vmem>>
    %dma_wait3A_68 = tpu.memref_squeeze %dma_wait3A_67 : memref<1x128x64xf32, #tpu.memory_space<vmem>> -> memref<128x64xf32, #tpu.memory_space<vmem>>
    %dma_wait3A_69 = arith.constant 0 : i32
    %dma_wait3A_70 = arith.constant 0 : i32
    %dma_wait3A_71 = tpu.memref_slice %arg3[%dma_wait3A_69, %dma_wait3A_70] : memref<1000000x64xf32, #tpu.memory_space<hbm>> -> memref<128x64xf32, #tpu.memory_space<hbm>>
    tpu.wait_dma2 semaphore(%arg11 : memref<!tpu.dma_semaphore, #tpu.memory_space<semaphore_mem>>) src(%dma_wait3A_71 : memref<128x64xf32, #tpu.memory_space<hbm>>) dst(%dma_wait3A_68 : memref<128x64xf32, #tpu.memory_space<vmem>>)
    %dma_wait3A_72 = arith.constant 2 : i32
    %dma_wait3A_73 = arith.constant 0 : i32
    %dma_wait3A_74 = arith.constant 0 : i32
    %dma_wait3A_75 = tpu.memref_slice %arg7[%dma_wait3A_72, %dma_wait3A_73, %dma_wait3A_74] : memref<4x128x64xf32, #tpu.memory_space<vmem>> -> memref<1x128x64xf32, #tpu.memory_space<vmem>>
    %dma_wait3A_76 = tpu.memref_squeeze %dma_wait3A_75 : memref<1x128x64xf32, #tpu.memory_space<vmem>> -> memref<128x64xf32, #tpu.memory_space<vmem>>
    %dma_wait3A_77 = arith.constant 0 : i32
    %dma_wait3A_78 = arith.constant 0 : i32
    %dma_wait3A_79 = tpu.memref_slice %arg3[%dma_wait3A_77, %dma_wait3A_78] : memref<1000000x64xf32, #tpu.memory_space<hbm>> -> memref<128x64xf32, #tpu.memory_space<hbm>>
    %dma_wait3A_80 = arith.constant 0 : i32
    %dma_wait3A_81 = arith.constant 0 : i32
    %dma_wait3A_82 = tpu.memref_slice %arg7[%dma_wait3A_72, %dma_wait3A_80, %dma_wait3A_81] : memref<4x128x64xf32, #tpu.memory_space<vmem>> -> memref<1x128x64xf32, #tpu.memory_space<vmem>>
    %dma_wait3A_83 = tpu.memref_squeeze %dma_wait3A_82 : memref<1x128x64xf32, #tpu.memory_space<vmem>> -> memref<128x64xf32, #tpu.memory_space<vmem>>
    %dma_wait3A_84 = arith.constant 0 : i32
    %dma_wait3A_85 = arith.constant 0 : i32
    %dma_wait3A_86 = tpu.memref_slice %arg3[%dma_wait3A_84, %dma_wait3A_85] : memref<1000000x64xf32, #tpu.memory_space<hbm>> -> memref<128x64xf32, #tpu.memory_space<hbm>>
    tpu.wait_dma2 semaphore(%arg12 : memref<!tpu.dma_semaphore, #tpu.memory_space<semaphore_mem>>) src(%dma_wait3A_86 : memref<128x64xf32, #tpu.memory_space<hbm>>) dst(%dma_wait3A_83 : memref<128x64xf32, #tpu.memory_space<vmem>>)
    %dma_wait3A_87 = arith.constant 0 : i32
    %dma_wait3A_88 = arith.constant 0 : i32
    %dma_wait3A_89 = arith.constant 0 : i32
    %dma_wait3A_90 = arith.constant 0 : i32
    %dma_wait3A_91 = arith.constant 0 : i32
    %dma_wait3A_92 = arith.constant 0 : i32
    %dma_wait3A_93 = tpu.memref_slice %arg8[%dma_wait3A_89, %dma_wait3A_90, %dma_wait3A_91, %dma_wait3A_92] : memref<4x8x8x129xf32, #tpu.memory_space<vmem>> -> memref<1x8x8x129xf32, #tpu.memory_space<vmem>>
    %dma_wait3A_94 = tpu.memref_squeeze %dma_wait3A_93 : memref<1x8x8x129xf32, #tpu.memory_space<vmem>> -> memref<8x8x129xf32, #tpu.memory_space<vmem>>
    %dma_wait3A_95 = arith.constant 0 : i32
    %dma_wait3A_96 = arith.constant 0 : i32
    %dma_wait3A_97 = arith.constant 0 : i32
    %dma_wait3A_98 = tpu.memref_slice %dma_wait3A_94[%dma_wait3A_95, %dma_wait3A_96, %dma_wait3A_97] : memref<8x8x129xf32, #tpu.memory_space<vmem>> -> memref<8x8x128xf32, #tpu.memory_space<vmem>>
    %dma_wait3A_99 = arith.constant 0 : i32
    %dma_wait3A_100 = arith.constant 0 : i32
    %dma_wait3A_101 = arith.constant 0 : i32
    %dma_wait3A_102 = tpu.memref_slice %arg5[%dma_wait3A_87, %dma_wait3A_99, %dma_wait3A_88, %dma_wait3A_100, %dma_wait3A_101] : memref<200x8x32x8x128xf32, #tpu.memory_space<hbm>> -> memref<1x8x1x8x128xf32, #tpu.memory_space<hbm>>
    %dma_wait3A_103 = tpu.memref_squeeze %dma_wait3A_102 : memref<1x8x1x8x128xf32, #tpu.memory_space<hbm>> -> memref<8x8x128xf32, #tpu.memory_space<hbm>>
    %dma_wait3A_104 = arith.constant 0 : i32
    %dma_wait3A_105 = arith.constant 0 : i32
    %dma_wait3A_106 = arith.constant 0 : i32
    %dma_wait3A_107 = tpu.memref_slice %arg8[%dma_wait3A_89, %dma_wait3A_104, %dma_wait3A_105, %dma_wait3A_106] : memref<4x8x8x129xf32, #tpu.memory_space<vmem>> -> memref<1x8x8x129xf32, #tpu.memory_space<vmem>>
    %dma_wait3A_108 = tpu.memref_squeeze %dma_wait3A_107 : memref<1x8x8x129xf32, #tpu.memory_space<vmem>> -> memref<8x8x129xf32, #tpu.memory_space<vmem>>
    %dma_wait3A_109 = arith.constant 0 : i32
    %dma_wait3A_110 = arith.constant 0 : i32
    %dma_wait3A_111 = arith.constant 0 : i32
    %dma_wait3A_112 = tpu.memref_slice %dma_wait3A_108[%dma_wait3A_109, %dma_wait3A_110, %dma_wait3A_111] : memref<8x8x129xf32, #tpu.memory_space<vmem>> -> memref<8x8x128xf32, #tpu.memory_space<vmem>>
    %dma_wait3A_113 = arith.constant 0 : i32
    %dma_wait3A_114 = arith.constant 0 : i32
    %dma_wait3A_115 = arith.constant 0 : i32
    %dma_wait3A_116 = tpu.memref_slice %arg5[%dma_wait3A_87, %dma_wait3A_113, %dma_wait3A_88, %dma_wait3A_114, %dma_wait3A_115] : memref<200x8x32x8x128xf32, #tpu.memory_space<hbm>> -> memref<1x8x1x8x128xf32, #tpu.memory_space<hbm>>
    %dma_wait3A_117 = tpu.memref_squeeze %dma_wait3A_116 : memref<1x8x1x8x128xf32, #tpu.memory_space<hbm>> -> memref<8x8x128xf32, #tpu.memory_space<hbm>>
    tpu.wait_dma2 semaphore(%arg14 : memref<!tpu.dma_semaphore, #tpu.memory_space<semaphore_mem>>) src(%dma_wait3A_117 : memref<8x8x128xf32, #tpu.memory_space<hbm>>) dst(%dma_wait3A_112 : memref<8x8x128xf32, #tpu.memory_space<vmem>>)
    %dma_wait3A_118 = arith.constant 0 : i32
    %dma_wait3A_119 = arith.constant 0 : i32
    %dma_wait3A_120 = arith.constant 1 : i32
    %dma_wait3A_121 = arith.constant 0 : i32
    %dma_wait3A_122 = arith.constant 0 : i32
    %dma_wait3A_123 = arith.constant 0 : i32
    %dma_wait3A_124 = tpu.memref_slice %arg8[%dma_wait3A_120, %dma_wait3A_121, %dma_wait3A_122, %dma_wait3A_123] : memref<4x8x8x129xf32, #tpu.memory_space<vmem>> -> memref<1x8x8x129xf32, #tpu.memory_space<vmem>>
    %dma_wait3A_125 = tpu.memref_squeeze %dma_wait3A_124 : memref<1x8x8x129xf32, #tpu.memory_space<vmem>> -> memref<8x8x129xf32, #tpu.memory_space<vmem>>
    %dma_wait3A_126 = arith.constant 0 : i32
    %dma_wait3A_127 = arith.constant 0 : i32
    %dma_wait3A_128 = arith.constant 0 : i32
    %dma_wait3A_129 = tpu.memref_slice %dma_wait3A_125[%dma_wait3A_126, %dma_wait3A_127, %dma_wait3A_128] : memref<8x8x129xf32, #tpu.memory_space<vmem>> -> memref<8x8x128xf32, #tpu.memory_space<vmem>>
    %dma_wait3A_130 = arith.constant 0 : i32
    %dma_wait3A_131 = arith.constant 0 : i32
    %dma_wait3A_132 = arith.constant 0 : i32
    %dma_wait3A_133 = tpu.memref_slice %arg5[%dma_wait3A_118, %dma_wait3A_130, %dma_wait3A_119, %dma_wait3A_131, %dma_wait3A_132] : memref<200x8x32x8x128xf32, #tpu.memory_space<hbm>> -> memref<1x8x1x8x128xf32, #tpu.memory_space<hbm>>
    %dma_wait3A_134 = tpu.memref_squeeze %dma_wait3A_133 : memref<1x8x1x8x128xf32, #tpu.memory_space<hbm>> -> memref<8x8x128xf32, #tpu.memory_space<hbm>>
    %dma_wait3A_135 = arith.constant 0 : i32
    %dma_wait3A_136 = arith.constant 0 : i32
    %dma_wait3A_137 = arith.constant 0 : i32
    %dma_wait3A_138 = tpu.memref_slice %arg8[%dma_wait3A_120, %dma_wait3A_135, %dma_wait3A_136, %dma_wait3A_137] : memref<4x8x8x129xf32, #tpu.memory_space<vmem>> -> memref<1x8x8x129xf32, #tpu.memory_space<vmem>>
    %dma_wait3A_139 = tpu.memref_squeeze %dma_wait3A_138 : memref<1x8x8x129xf32, #tpu.memory_space<vmem>> -> memref<8x8x129xf32, #tpu.memory_space<vmem>>
    %dma_wait3A_140 = arith.constant 0 : i32
    %dma_wait3A_141 = arith.constant 0 : i32
    %dma_wait3A_142 = arith.constant 0 : i32
    %dma_wait3A_143 = tpu.memref_slice %dma_wait3A_139[%dma_wait3A_140, %dma_wait3A_141, %dma_wait3A_142] : memref<8x8x129xf32, #tpu.memory_space<vmem>> -> memref<8x8x128xf32, #tpu.memory_space<vmem>>
    %dma_wait3A_144 = arith.constant 0 : i32
    %dma_wait3A_145 = arith.constant 0 : i32
    %dma_wait3A_146 = arith.constant 0 : i32
    %dma_wait3A_147 = tpu.memref_slice %arg5[%dma_wait3A_118, %dma_wait3A_144, %dma_wait3A_119, %dma_wait3A_145, %dma_wait3A_146] : memref<200x8x32x8x128xf32, #tpu.memory_space<hbm>> -> memref<1x8x1x8x128xf32, #tpu.memory_space<hbm>>
    %dma_wait3A_148 = tpu.memref_squeeze %dma_wait3A_147 : memref<1x8x1x8x128xf32, #tpu.memory_space<hbm>> -> memref<8x8x128xf32, #tpu.memory_space<hbm>>
    tpu.wait_dma2 semaphore(%arg15 : memref<!tpu.dma_semaphore, #tpu.memory_space<semaphore_mem>>) src(%dma_wait3A_148 : memref<8x8x128xf32, #tpu.memory_space<hbm>>) dst(%dma_wait3A_143 : memref<8x8x128xf32, #tpu.memory_space<vmem>>)
    %dma_wait3A_149 = arith.constant 0 : i32
    %dma_wait3A_150 = arith.constant 0 : i32
    %dma_wait3A_151 = arith.constant 2 : i32
    %dma_wait3A_152 = arith.constant 0 : i32
    %dma_wait3A_153 = arith.constant 0 : i32
    %dma_wait3A_154 = arith.constant 0 : i32
    %dma_wait3A_155 = tpu.memref_slice %arg8[%dma_wait3A_151, %dma_wait3A_152, %dma_wait3A_153, %dma_wait3A_154] : memref<4x8x8x129xf32, #tpu.memory_space<vmem>> -> memref<1x8x8x129xf32, #tpu.memory_space<vmem>>
    %dma_wait3A_156 = tpu.memref_squeeze %dma_wait3A_155 : memref<1x8x8x129xf32, #tpu.memory_space<vmem>> -> memref<8x8x129xf32, #tpu.memory_space<vmem>>
    %dma_wait3A_157 = arith.constant 0 : i32
    %dma_wait3A_158 = arith.constant 0 : i32
    %dma_wait3A_159 = arith.constant 0 : i32
    %dma_wait3A_160 = tpu.memref_slice %dma_wait3A_156[%dma_wait3A_157, %dma_wait3A_158, %dma_wait3A_159] : memref<8x8x129xf32, #tpu.memory_space<vmem>> -> memref<8x8x128xf32, #tpu.memory_space<vmem>>
    %dma_wait3A_161 = arith.constant 0 : i32
    %dma_wait3A_162 = arith.constant 0 : i32
    %dma_wait3A_163 = arith.constant 0 : i32
    %dma_wait3A_164 = tpu.memref_slice %arg5[%dma_wait3A_149, %dma_wait3A_161, %dma_wait3A_150, %dma_wait3A_162, %dma_wait3A_163] : memref<200x8x32x8x128xf32, #tpu.memory_space<hbm>> -> memref<1x8x1x8x128xf32, #tpu.memory_space<hbm>>
    %dma_wait3A_165 = tpu.memref_squeeze %dma_wait3A_164 : memref<1x8x1x8x128xf32, #tpu.memory_space<hbm>> -> memref<8x8x128xf32, #tpu.memory_space<hbm>>
    %dma_wait3A_166 = arith.constant 0 : i32
    %dma_wait3A_167 = arith.constant 0 : i32
    %dma_wait3A_168 = arith.constant 0 : i32
    %dma_wait3A_169 = tpu.memref_slice %arg8[%dma_wait3A_151, %dma_wait3A_166, %dma_wait3A_167, %dma_wait3A_168] : memref<4x8x8x129xf32, #tpu.memory_space<vmem>> -> memref<1x8x8x129xf32, #tpu.memory_space<vmem>>
    %dma_wait3A_170 = tpu.memref_squeeze %dma_wait3A_169 : memref<1x8x8x129xf32, #tpu.memory_space<vmem>> -> memref<8x8x129xf32, #tpu.memory_space<vmem>>
    %dma_wait3A_171 = arith.constant 0 : i32
    %dma_wait3A_172 = arith.constant 0 : i32
    %dma_wait3A_173 = arith.constant 0 : i32
    %dma_wait3A_174 = tpu.memref_slice %dma_wait3A_170[%dma_wait3A_171, %dma_wait3A_172, %dma_wait3A_173] : memref<8x8x129xf32, #tpu.memory_space<vmem>> -> memref<8x8x128xf32, #tpu.memory_space<vmem>>
    %dma_wait3A_175 = arith.constant 0 : i32
    %dma_wait3A_176 = arith.constant 0 : i32
    %dma_wait3A_177 = arith.constant 0 : i32
    %dma_wait3A_178 = tpu.memref_slice %arg5[%dma_wait3A_149, %dma_wait3A_175, %dma_wait3A_150, %dma_wait3A_176, %dma_wait3A_177] : memref<200x8x32x8x128xf32, #tpu.memory_space<hbm>> -> memref<1x8x1x8x128xf32, #tpu.memory_space<hbm>>
    %dma_wait3A_179 = tpu.memref_squeeze %dma_wait3A_178 : memref<1x8x1x8x128xf32, #tpu.memory_space<hbm>> -> memref<8x8x128xf32, #tpu.memory_space<hbm>>
    tpu.wait_dma2 semaphore(%arg16 : memref<!tpu.dma_semaphore, #tpu.memory_space<semaphore_mem>>) src(%dma_wait3A_179 : memref<8x8x128xf32, #tpu.memory_space<hbm>>) dst(%dma_wait3A_174 : memref<8x8x128xf32, #tpu.memory_space<vmem>>)
    %dma_wait3A_180 = arith.constant 0 : i32
    %dma_wait3A_181 = arith.constant 0 : i32
    %dma_wait3A_182 = arith.constant 3 : i32
    %dma_wait3A_183 = arith.constant 0 : i32
    %dma_wait3A_184 = arith.constant 0 : i32
    %dma_wait3A_185 = arith.constant 0 : i32
    %dma_wait3A_186 = tpu.memref_slice %arg8[%dma_wait3A_182, %dma_wait3A_183, %dma_wait3A_184, %dma_wait3A_185] : memref<4x8x8x129xf32, #tpu.memory_space<vmem>> -> memref<1x8x8x129xf32, #tpu.memory_space<vmem>>
    %dma_wait3A_187 = tpu.memref_squeeze %dma_wait3A_186 : memref<1x8x8x129xf32, #tpu.memory_space<vmem>> -> memref<8x8x129xf32, #tpu.memory_space<vmem>>
    %dma_wait3A_188 = arith.constant 0 : i32
    %dma_wait3A_189 = arith.constant 0 : i32
    %dma_wait3A_190 = arith.constant 0 : i32
    %dma_wait3A_191 = tpu.memref_slice %dma_wait3A_187[%dma_wait3A_188, %dma_wait3A_189, %dma_wait3A_190] : memref<8x8x129xf32, #tpu.memory_space<vmem>> -> memref<8x8x128xf32, #tpu.memory_space<vmem>>
    %dma_wait3A_192 = arith.constant 0 : i32
    %dma_wait3A_193 = arith.constant 0 : i32
    %dma_wait3A_194 = arith.constant 0 : i32
    %dma_wait3A_195 = tpu.memref_slice %arg5[%dma_wait3A_180, %dma_wait3A_192, %dma_wait3A_181, %dma_wait3A_193, %dma_wait3A_194] : memref<200x8x32x8x128xf32, #tpu.memory_space<hbm>> -> memref<1x8x1x8x128xf32, #tpu.memory_space<hbm>>
    %dma_wait3A_196 = tpu.memref_squeeze %dma_wait3A_195 : memref<1x8x1x8x128xf32, #tpu.memory_space<hbm>> -> memref<8x8x128xf32, #tpu.memory_space<hbm>>
    %dma_wait3A_197 = arith.constant 0 : i32
    %dma_wait3A_198 = arith.constant 0 : i32
    %dma_wait3A_199 = arith.constant 0 : i32
    %dma_wait3A_200 = tpu.memref_slice %arg8[%dma_wait3A_182, %dma_wait3A_197, %dma_wait3A_198, %dma_wait3A_199] : memref<4x8x8x129xf32, #tpu.memory_space<vmem>> -> memref<1x8x8x129xf32, #tpu.memory_space<vmem>>
    %dma_wait3A_201 = tpu.memref_squeeze %dma_wait3A_200 : memref<1x8x8x129xf32, #tpu.memory_space<vmem>> -> memref<8x8x129xf32, #tpu.memory_space<vmem>>
    %dma_wait3A_202 = arith.constant 0 : i32
    %dma_wait3A_203 = arith.constant 0 : i32
    %dma_wait3A_204 = arith.constant 0 : i32
    %dma_wait3A_205 = tpu.memref_slice %dma_wait3A_201[%dma_wait3A_202, %dma_wait3A_203, %dma_wait3A_204] : memref<8x8x129xf32, #tpu.memory_space<vmem>> -> memref<8x8x128xf32, #tpu.memory_space<vmem>>
    %dma_wait3A_206 = arith.constant 0 : i32
    %dma_wait3A_207 = arith.constant 0 : i32
    %dma_wait3A_208 = arith.constant 0 : i32
    %dma_wait3A_209 = tpu.memref_slice %arg5[%dma_wait3A_180, %dma_wait3A_206, %dma_wait3A_181, %dma_wait3A_207, %dma_wait3A_208] : memref<200x8x32x8x128xf32, #tpu.memory_space<hbm>> -> memref<1x8x1x8x128xf32, #tpu.memory_space<hbm>>
    %dma_wait3A_210 = tpu.memref_squeeze %dma_wait3A_209 : memref<1x8x1x8x128xf32, #tpu.memory_space<hbm>> -> memref<8x8x128xf32, #tpu.memory_space<hbm>>
    tpu.wait_dma2 semaphore(%arg17 : memref<!tpu.dma_semaphore, #tpu.memory_space<semaphore_mem>>) src(%dma_wait3A_210 : memref<8x8x128xf32, #tpu.memory_space<hbm>>) dst(%dma_wait3A_205 : memref<8x8x128xf32, #tpu.memory_space<vmem>>)
    return
  }
}

</mosaic_0001>

<sc_bundles>
// kernel: kernel.3.cloned.1.call-start
scs
__scs_entry_jumppad:
0x0: {  	(pc) =	sbr.rel $0x88, $3  }
0x1: {  	(tag) =	ssettag $0x0;
	lr =	simm.s32 $0x1  }
0x2: {  	[smem:$0x3F9E] =	sst lr;
	_ =	strace $0xD0000000  }
0x3: {  	_ = 	snop  }
0x4: {  	_ = 	snop  }
0x5: {  	_ = 	snop  }
0x6: {  	_ = 	snop  }
0x7: {  	_ = 	snop  }
__scs_overlays_trampoline_lowered:
0x8: {  	[smem:$0x3FAD] =	sst s0  }
0x9: {  	[smem:$0x3FAE] =	sst s1  }
0xa: {  	[smem:$0x3FAF] =	sst s2  }
0xb: {  	[smem:$0x3FB0] =	sst s3  }
0xc: {  	[smem:$0x3FB1] =	sst s4  }
0xd: {  	[smem:$0x3FB2] =	sst s5  }
0xe: {  	[smem:$0x3FB3] =	sst s6  }
0xf: {  	[smem:$0x3FB4] =	sst s7  }
0x10: {  	[smem:$0x3FB5] =	sst s8  }
0x11: {  	[smem:$0x3FB6] =	sst s9;
	s0 =	simm.s32 @!p0 $0x0  }
0x12: {  	s1 =	sld [smem:$0x3F9C];
	s0 =	simm.s32 @p0 $0x1  }
0x13: {  	[smem:$0x3FB7] =	sst s0;
	s0 =	simm.s32 @!p1 $0x0  }
0x14: {  	s2 =	sld [smem:$0x3F9B];
	s0 =	simm.s32 @p1 $0x1  }
0x15: {  	[smem:$0x3FB8] =	sst s0;
	s0 =	simm.s32 @!p2 $0x0  }
0x16: {  	s3 =	sld [smem:$0x3FDB];
	s0 =	simm.s32 @p2 $0x1  }
0x17: {  	s4 =	simm.s32 $0x1BF5;
	[smem:$0x3FBA] =	sst s0  }
0x18: {  	s0 =	sld [smem:$0x3F9D];
	_ =	swait.ge [sflag:s4], $0x0  }
0x19: {  	s7 =	sld [smem:$0x3F9E]  }
0x1a: {  	s8 =	sadd.s32 $0xFFFFE003, lr  }
0x1b: {  	s9 =	sadd.s32 $0xFFFFFEF7, lr;
	s5 =	simm.s32 $0xFFFFFFFF;
	p2 =	slt.u32 s8, $0xFFFFF086  }
0x1c: {  	p1 =	slt.u32 s9, $0xF7A;
	s5 =	simm.s32 @!p2 $0x0  }
0x1d: {  	s5 =	simm.s32 @p1 $0x1;
	p0 =	seq.s32 s7, s2  }
0x1e: {  	s7 =	smul.u32 @!p0 $0xF7A, s2;
	p2 =	seq.s32 @!p0 s5, $0x0  }
0x1f: {  	s9 =	smul.u32 $0xF7A, s1;
	s8 =	simm.s32 @!p0 $0x1BF5;
	p2 =	por !p2, p0  }
0x20: {  	[sflag:s8] =	ssyncset.s32 @!p0 $0xFFFFF086;
	s6 =	sadd.s32 @!p0 s3, s7;
	s7 =	simm.s32 @!p0 $0x108  }
0x21: {  	s3 =	sadd.s32 s3, s9;
	s6 =	sadd.s32 @!p0 $0x88, s6;
	s7 =	simm.s32 @p2 $0x1082  }
0x22: {  	[simem:s7], [sflag:s8] =	dma.local @!p0 [hbm:s6], $0xF7A  }
0x23: {  	s9 =	sor.u32 $0xD0000000, s2;
	s6 =	simm.s32 $0x108;
	_ =	swait.ge @!p0 [sflag:s8], $0x0  }
0x24: {  	s3 =	sadd.s32 $0x88, s3;
	s6 =	simm.s32 @!p1 $0x1082;
	[sflag:s4] =	ssyncset.s32 $0xFFFFF086  }
0x25: {  	[simem:s6], [sflag:s4] =	dma.local [hbm:s3], $0xF7A  }
0x26: {  	[smem:$0x3F9E] =	sst s1;
	(tag) =	ssettag s2;
	_ =	strace s9  }
0x27: {  	s1 =	sld [smem:$0x3FAE]  }
0x28: {  	s2 =	sld [smem:$0x3FAF]  }
0x29: {  	s4 =	sld [smem:$0x3FB1]  }
0x2a: {  	p0 =	seq.s32 s5, $0x0;
	s5 =	sld [smem:$0x3FB2]  }
0x2b: {  	s6 =	sld [smem:$0x3FB3]  }
0x2c: {  	s7 =	sld [smem:$0x3FB4]  }
0x2d: {  	s3 =	simm.s32 $0x108;
	s8 =	sld [smem:$0x3FB5]  }
0x2e: {  	s3 =	simm.s32 @!p0 $0x1082;
	s9 =	sld [smem:$0x3FB6]  }
0x2f: {  	lr =	sadd.s32 s0, s3;
	s0 =	sld [smem:$0x3FAD]  }
0x30: {  	s3 =	sld [smem:$0x3FB0]  }
0x31: {  	[smem:$0x3FB9] =	sst s10  }
0x32: {  	s10 =	sld [smem:$0x3FB7];
	_ =	sdelay $0x3  }
0x33: {  	p0 =	seq.s32 s10, $0x1;
	s10 =	sld [smem:$0x3FB9];
	_ =	sdelay $0x3  }
0x34: {  	[smem:$0x3FB9] =	sst s10  }
0x35: {  	s10 =	sld [smem:$0x3FB8];
	_ =	sdelay $0x3  }
0x36: {  	p1 =	seq.s32 s10, $0x1;
	s10 =	sld [smem:$0x3FB9];
	_ =	sdelay $0x3  }
0x37: {  	[smem:$0x3FB9] =	sst s10  }
0x38: {  	s10 =	sld [smem:$0x3FBA]  }
0x39: {  	_ = 	snop;
	(pc) =	sbr.ind lr, $3  }
0x3a: {  	_ = 	snop  }
0x3b: {  	_ = 	snop  }
0x3c: {  	p2 =	seq.s32 s10, $0x1;
	s10 =	sld [smem:$0x3FB9]  }
0x3d: {  	_ =	shalt  }
0x3e: {  	_ =	shalt  }
0x3f: {  	_ =	shalt  }
0x40: {  	_ =	shalt  }
0x41: {  	_ =	shalt  }
0x42: {  	_ =	shalt  }
0x43: {  	_ =	shalt  }
0x44: {  	_ =	shalt  }
0x45: {  	_ =	shalt  }
0x46: {  	_ =	shalt  }
0x47: {  	_ =	shalt  }
0x48: {  	_ =	shalt  }
0x49: {  	_ =	shalt  }
0x4a: {  	_ =	shalt  }
0x4b: {  	_ =	shalt  }
0x4c: {  	_ =	shalt  }
0x4d: {  	_ =	shalt  }
0x4e: {  	_ =	shalt  }
0x4f: {  	_ =	shalt  }
0x50: {  	_ =	shalt  }
0x51: {  	_ =	shalt  }
0x52: {  	_ =	shalt  }
0x53: {  	_ =	shalt  }
0x54: {  	_ =	shalt  }
0x55: {  	_ =	shalt  }
0x56: {  	_ =	shalt  }
0x57: {  	_ =	shalt  }
0x58: {  	_ =	shalt  }
0x59: {  	_ =	shalt  }
0x5a: {  	_ =	shalt  }
0x5b: {  	_ =	shalt  }
0x5c: {  	_ =	shalt  }
0x5d: {  	_ =	shalt  }
0x5e: {  	_ =	shalt  }
0x5f: {  	_ =	shalt  }
0x60: {  	_ =	shalt  }
0x61: {  	_ =	shalt  }
0x62: {  	_ =	shalt  }
0x63: {  	_ =	shalt  }
0x64: {  	_ =	shalt  }
0x65: {  	_ =	shalt  }
0x66: {  	_ =	shalt  }
0x67: {  	_ =	shalt  }
0x68: {  	_ =	shalt  }
0x69: {  	_ =	shalt  }
0x6a: {  	_ =	shalt  }
0x6b: {  	_ =	shalt  }
0x6c: {  	_ =	shalt  }
0x6d: {  	_ =	shalt  }
0x6e: {  	_ =	shalt  }
0x6f: {  	_ =	shalt  }
0x70: {  	_ =	shalt  }
0x71: {  	_ =	shalt  }
0x72: {  	_ =	shalt  }
0x73: {  	_ =	shalt  }
0x74: {  	_ =	shalt  }
0x75: {  	_ =	shalt  }
0x76: {  	_ =	shalt  }
0x77: {  	_ =	shalt  }
0x78: {  	_ =	shalt  }
0x79: {  	_ =	shalt  }
0x7a: {  	_ =	shalt  }
0x7b: {  	_ =	shalt  }
0x7c: {  	_ =	shalt  }
0x7d: {  	_ =	shalt  }
0x7e: {  	_ =	shalt  }
0x7f: {  	_ =	shalt  }
0x80: {  	_ =	shalt  }
0x81: {  	_ =	shalt  }
0x82: {  	_ =	shalt  }
0x83: {  	_ =	shalt  }
0x84: {  	_ =	shalt  }
0x85: {  	_ =	shalt  }
0x86: {  	_ =	shalt  }
0x87: {  	_ =	shalt  }
.Lfunc_end0:
.L_simem_size_0:
called_computation_lowered:
.L_overlay_start_0:
0x88: {  	s2 =	sld [smem:$0x3FD9]  }
0x89: {  	s3 =	sld [smem:$0x3FFE];
	_ =	sdelay $0x1  }
0x8a: {  	s1 =	srdreg.scid  }
0x8b: {  	s0 =	sand.u32 $0x1, s1  }
0x8c: {  	s17 =	sshll.u32 s0, $0xA;
	s2 =	sadd.s32 s3, s2  }
0x8d: {  	s2 =	sadd.s32 s2, s17  }
0x8e: {  	[smem:$0x3FC5] =	sst s2  }
0x8f: {  	_ = 	snop  }
0x90: {  	s2 =	sld [smem:$0x3FD0];
	(tm) =	ssettm $0x1  }
0x91: {  	s18 =	sld [smem:$0x3FFB];
	_ =	sdelay $0x3  }
0x92: {  	_ =	strace s18  }
0x93: {  	s3 =	sld [smem:$0x3FFC];
	_ =	sdelay $0x3  }
0x94: {  	_ =	strace s3  }
0x95: {  	s3 =	sld [smem:$0x3FFD];
	_ =	sdelay $0x3  }
0x96: {  	_ =	strace s3  }
0x97: {  	_ =	strace $0x8FFFFFFF  }
0x98: {  	s19 =	sld [smem:$0x3FDB];
	_ =	sdelay $0x1  }
0x99: {  	s4 =	simm.s32 $_scs_section_size  }
0x9a: {  	s5 =	simm.s32 $_size__tile_overlayer_lowered;
	s6 =	simm.s32 $_tile_overlayer_lowered  }
0x9b: {  	s22 =	simm.s32 $0x1BFF;
	s21 =	sshll.u32 s6, $0x1;
	s3 =	sadd.s32 s4, s19  }
0x9c: {  	s7 =	simm.s32 $0x0;
	s20 =	sshll.u32 s5, $0x1;
	s5 =	sadd.s32 s21, s3  }
0x9d: {  	[timem:s7], [sflag:s22] =	dma.local [hbm:s5], s20  }
0x9e: {  	_ =	swait.ge [sflag:s22], s20  }
0x9f: {  	s4 =	ssub.s32 $0x0, s20;
	[sflag:s22] =	ssyncset.done $0x0  }
0xa0: {  	[sflag:s22] =	ssyncadd.s32 s4;
	_ =	sdelay $0x1  }
0xa1: {  	s23 =	simm.s32 $0x1B8B  }
0xa2: {  	_ =	swait.ge [sflag:s23], $0x1  }
0xa3: {  	[sflag:s23] =	ssyncset.done $0x0  }
0xa4: {  	s25 =	simm.s32 $0x1B8E;
	s24 =	sld [smem:$0x3FFE];
	[sflag:s23] =	ssyncadd.s32 $0xFFFFFFFF  }
0xa5: {  	s26 =	simm.s32 $execute0_lowered;
	[smem:$0x3FD2] =	sst s25  }
0xa6: {  	s5 =	sshll.u32 s26, $0x1;
	_ =	strace $0x80000046;
	[dreg:$0x1] =	wrdreg $0xFFFFFFFF  }
0xa7: {  	s28 =	simm.s32 $_size_execute0_lowered;
	s3 =	sadd.s32 s3, s5;
	[dreg:$0x0] =	wrdreg $0x0  }
0xa8: {  	s5 =	sshll.u32 s28, $0x1;
	[dreg:$0x2] =	wrdreg s3  }
0xa9: {  	[dreg:$0x3] =	wrdreg s5  }
0xaa: {  	[dreg:$0x4] =	wrdreg $0xC0  }
0xab: {  	_ =	task [dreg:s7], $0x5FFFF  }
0xac: {  	[dreg:$0x1] =	wrdreg $0xFFFFFFFF  }
0xad: {  	[dreg:$0x0] =	wrdreg $0x60  }
0xae: {  	[dreg:$0x2] =	wrdreg s24  }
0xaf: {  	[dreg:$0x3] =	wrdreg s2  }
0xb0: {  	[dreg:$0x4] =	wrdreg $0x9  }
0xb1: {  	_ =	task.clear_ibuf [dreg:s7], $0x5FFFF;
	_ =	strace $0x90000046  }
0xb2: {  	s29 =	simm.s32 $0x9;
	_ =	strace $0x80000048  }
0xb3: {  	_ =	swait.ge [sflag:s29], $0x1  }
0xb4: {  	[sflag:s29] =	ssyncadd.s32 $0xFFFFFFFF  }
0xb5: {  	_ =	strace $0x90000048  }
0xb6: {  	_ =	sfence  }
0xb7: {  	s30 =	sld [smem:$0x0];
	_ =	sdelay $0x2  }
0xb8: {  	s31 =	sshll.u32 s1, $0xD;
	s1 =	sshrl.u32 s1, $0x2  }
0xb9: {  	s3 =	sand.u32 $0x4000, s31;
	s1 =	sadd.s32 s1, s30  }
0xba: {  	s0 =	sor.u32 s3, s0;
	s1 =	sshll.u32 s1, $0x11  }
0xbb: {  	s0 =	sor.u32 s1, s0  }
0xbc: {  	s0 =	sadd.s32 $0x8F2B, s0  }
0xbd: {  	[sflag:s0] =	ssyncadd.remote.s32 $0x1  }
0xbe: {  	_ =	sfence.sel $0xFFFF  }
0xbf: {  	[dreg:$0x0] =	wrdreg $0xFFFFFFFF;
	(pc) =	sbr.abs _section_cstart, $3  }
0xc0: {  	[dreg:$0x1] =	wrdreg $0xFFFFFFFF  }
0xc1: {  	_ =	task.clear_ibuf [dreg:s7], $0x2FFFF;
	_ =	strace $0x9FFFFFFF  }
0xc2: {  	(tm) =	ssettm $0x7FFFFFFF  }
0xc3: {  	_ =	shalt  }
tec
execute0_lowered:
.L_overlay_start_1:
0x0: {  	(tag) =	ssettag $0x1  }
0x1: {  	s0 =	rddreg [dreg:$0x0]  }
0x2: {  	s2 =	rddreg [dreg:$0x1]  }
0x3: {  	s1 =	srdreg.scid;
	s4 =	stileid.u32  }
0x4: {  	s3 =	simm.s32 $0x0;
	s10 =	simm.s32 $0x9;
	s11 =	simm.s32 $0x80  }
0x5: {  	s13 =	simm.s32 $0x6400;
	s14 =	simm.s32 $0x8400;
	s16 =	simm.s32 $0xA400  }
0x6: {  	s17 =	simm.s32 $0xC400;
	s18 =	simm.s32 $0x1;
	s19 =	simm.s32 $0xE400  }
0x7: {  	s20 =	simm.s32 $0x2;
	s21 =	simm.s32 $0x10600;
	s22 =	simm.s32 $0x3  }
0x8: {  	s23 =	simm.s32 $0x12800;
	s24 =	simm.s32 $0x4;
	s25 =	simm.s32 $0x14A00  }
0x9: {  	s29 =	simm.s32 $0x7;
	s1 =	sand.u32 $0x1, s1;
	s4 =	sshll.u32 s4, $0x1  }
0xa: {  	[smem:$0x7FF] =	sst s3;
	s5 =	sor.u32 s1, s4;
	s1 =	ssub.s32 $0x2, s1  }
0xb: {  	_ =	strace $0x80000047;
	s4 =	sshll.u32 s5, $0x4;
	s7 =	sshrl.u32 s1, $0x1  }
0xc: {  	v0 =	vlaneseq.u32;
	s6 =	sadd.s32 s4, s0;
	s4 =	sadd.s32 $0xF42C00, s0;
	s0 =	sadd.s32 $0x19800, s0  }
0xd: {  	v0 =	vmul.u32 $0x88, v0;
	s26 =	ssub.s32 s1, s7;
	[dreg:$0x3] =	wrdreg s0;
	s28 =	sadd.s32 $0x800, s6  }
0xe: {  	s30 =	simm.s32 $0x8;
	s0 =	smax.u32 s26, $0x1;
	[dreg:$0x4] =	wrdreg s28  }
0xf: {  	s31 =	simm.s32 $0x0;
	v1 =	vadd.s32 $0x880, v0;
	v2 =	vadd.s32 $0x1100, v0;
	v3 =	vadd.s32 $0x1980, v0;
	s7 =	sshll.u32 s5, $0xA;
	[dreg:$0x5] =	wrdreg s0  }
.LBB2_1:
0x10: {  	s0 =	rddreg [dreg:$0x3];
	s1 =	simm.s32 $0x16C00  }
0x11: {  	[tilespmem:s1], [sflag:$0x9] =	stream.linear.gather [hbm4b:s0+s3], $0x3200, $0x38;
	[tilespmem:$0x19E00] =	vst v63  }
0x12: {  	_ =	swait.ge [sflag:s10], $0x3200  }
0x13: {  	[sflag:s10] =	ssyncset.done $0x0  }
0x14: {  	s26 =	simm.s32 $0x1000;
	s15 =	rddreg [dreg:$0x4];
	[sflag:s10] =	ssyncadd.s32 $0xFFFFCE00  }
0x15: {  	[tilespmem:s3], [sflag:$0x9] =	stream.strided.gather [hbm4b:s15+s11], $0x6400, s26, s11, $0x38;
	[tilespmem:$0x19E00] =	vst v63  }
0x16: {  	_ =	swait.ge [sflag:s10], $0x6400  }
0x17: {  	[sflag:s10] =	ssyncset.done $0x0  }
0x18: {  	[sflag:s10] =	ssyncadd.s32 $0xFFFF9C00  }
0x19: {  	[tilespmem:s13], [sflag:$0x1] =	stream.indirect.gather [hbm4b:s4+s11], $0x40, s3, s11, $0xb8;
	[tilespmem:$0x19E00] =	vst v63  }
0x1a: {  	_ = 	snop  }
0x1b: {  	[tilespmem:s14], [sflag:$0x2] =	stream.indirect.gather [hbm4b:s4+s11], $0x40, s11, s11, $0xb8;
	[tilespmem:$0x19E00] =	vst v63  }
0x1c: {  	s28 =	simm.s32 $0x100;
	s0 =	simm.s32 $0x0  }
0x1d: {  	[tilespmem:s16], [sflag:$0x3] =	stream.indirect.gather [hbm4b:s4+s11], $0x40, s28, s11, $0xb8;
	[tilespmem:$0x19E00] =	vst v63  }
.LBB2_2:
0x1e: {  	s1 =	sshllo.u32 s0, $0x2  }
0x1f: {  	s5 =	sshll.u32 s1, $0x7  }
0x20: {  	s5 =	sand.u32 $0x3FFFFF80, s5  }
0x21: {  	[tilespmem:s17], [sflag:$0x4] =	stream.indirect.gather [hbm4b:s4+s11], $0x40, s5, s11, $0xb8;
	[tilespmem:$0x19E00] =	vst v63  }
0x22: {  	_ =	swait.ge [sflag:s18], $0x2000  }
0x23: {  	p0 =	seq.s32 s0, $0x0;
	[sflag:s18] =	ssyncset.done $0x0  }
0x24: {  	s5 =	simm.s32 @!p0 $0x5;
	[sflag:s18] =	ssyncadd.s32 $0xFFFFE000  }
0x25: {  	_ =	swait.ge @!p0 [sflag:s5], $0x2000  }
0x26: {  	s6 =	sshll.u32 s0, $0x8;
	[sflag:s5] =	ssyncset.done @!p0 $0x0  }
0x27: {  	s8 =	sand.u32 $0x3FFFFF00, s6;
	[sflag:s5] =	ssyncadd.s32 @!p0 $0xFFFFE000  }
0x28: {  	s9 =	simm.s32 $0x6480;
	v4 =	vld [tilespmem:s8+$0x16C00]  }
0x29: {  	s12 =	simm.s32 $0x0;
	v6 =	vld [tilespmem:s9+$0xFFFFFF80]  }
0x2a: {  	v5 =	vmov s12  }
0x2b: {  	v8 =	vand.u32 $0x7C, v5  }
0x2c: {  	v9 =	vadd.s32 v0, v8;
	_ =	sdelay $0x1  }
0x2d: {  	v10 =	vadd.f32 v6, v4  }
0x2e: {  	v5 =	vld [tilespmem:s8+$0x16C10]  }
0x2f: {  	v7 =	vld [tilespmem:s8+$0x16C30];
	v10 =	vmax.f32 v10, $0.0e+00  }
0x30: {  	v6 =	vld [tilespmem:s8+$0x16C20];
	[tilespmem:v9+s19+$0x0] =	vst.idx.msk $0xffff, v10  }
0x31: {  	v9 =	vld [tilespmem:s9+$0xFFFFFF90];
	_ =	sdelay $0x2  }
0x32: {  	v10 =	vadd.s32 v1, v8;
	_ =	sdelay $0x1  }
0x33: {  	v9 =	vadd.f32 v9, v5;
	_ =	sdelay $0x1  }
0x34: {  	v9 =	vmax.f32 v9, $0.0e+00  }
0x35: {  	[tilespmem:v10+s19+$0x0] =	vst.idx.msk $0xffff, v9  }
0x36: {  	v9 =	vld [tilespmem:s9+$0xFFFFFFA0];
	_ =	sdelay $0x2  }
0x37: {  	v10 =	vadd.s32 v2, v8;
	_ =	sdelay $0x1  }
0x38: {  	v9 =	vadd.f32 v9, v6;
	_ =	sdelay $0x1  }
0x39: {  	v9 =	vmax.f32 v9, $0.0e+00  }
0x3a: {  	[tilespmem:v10+s19+$0x0] =	vst.idx.msk $0xffff, v9  }
0x3b: {  	v9 =	vld [tilespmem:s9+$0xFFFFFFB0];
	_ =	sdelay $0x2  }
0x3c: {  	v8 =	vadd.s32 v3, v8;
	_ =	sdelay $0x1  }
0x3d: {  	v9 =	vadd.f32 v9, v7;
	_ =	sdelay $0x1  }
0x3e: {  	v9 =	vmax.f32 v9, $0.0e+00  }
0x3f: {  	[tilespmem:v8+s19+$0x0] =	vst.idx.msk $0xffff, v9  }
0x40: {  	s15 =	simm.s32 $0x1;
	v8 =	vld [tilespmem:s9+$0xFFFFFFC0]  }
0x41: {  	v9 =	vmov s15  }
0x42: {  	v9 =	vand.u32 $0x7D, v9  }
0x43: {  	v10 =	vadd.s32 v0, v9;
	_ =	sdelay $0x1  }
0x44: {  	v8 =	vadd.f32 v8, v4;
	_ =	sdelay $0x1  }
0x45: {  	v8 =	vmax.f32 v8, $0.0e+00  }
0x46: {  	[tilespmem:v10+s19+$0x0] =	vst.idx.msk $0xffff, v8  }
0x47: {  	v8 =	vld [tilespmem:s9+$0xFFFFFFD0];
	_ =	sdelay $0x2  }
0x48: {  	v10 =	vadd.s32 v1, v9;
	_ =	sdelay $0x1  }
0x49: {  	v8 =	vadd.f32 v8, v5;
	_ =	sdelay $0x1  }
0x4a: {  	v8 =	vmax.f32 v8, $0.0e+00  }
0x4b: {  	[tilespmem:v10+s19+$0x0] =	vst.idx.msk $0xffff, v8  }
0x4c: {  	v8 =	vld [tilespmem:s9+$0xFFFFFFE0];
	_ =	sdelay $0x2  }
0x4d: {  	v10 =	vadd.s32 v2, v9;
	_ =	sdelay $0x1  }
0x4e: {  	v8 =	vadd.f32 v8, v6;
	_ =	sdelay $0x1  }
0x4f: {  	v8 =	vmax.f32 v8, $0.0e+00  }
0x50: {  	[tilespmem:v10+s19+$0x0] =	vst.idx.msk $0xffff, v8  }
0x51: {  	v8 =	vld [tilespmem:s9+$0xFFFFFFF0];
	_ =	sdelay $0x2  }
0x52: {  	v9 =	vadd.s32 v3, v9;
	_ =	sdelay $0x1  }
0x53: {  	v8 =	vadd.f32 v8, v7;
	_ =	sdelay $0x1  }
0x54: {  	v8 =	vmax.f32 v8, $0.0e+00  }
0x55: {  	[tilespmem:v9+s19+$0x0] =	vst.idx.msk $0xffff, v8  }
0x56: {  	s26 =	simm.s32 $0x2;
	v8 =	vld [tilespmem:s9+$0x0]  }
0x57: {  	v9 =	vmov s26  }
0x58: {  	v9 =	vand.u32 $0x7E, v9  }
0x59: {  	v10 =	vadd.s32 v0, v9;
	_ =	sdelay $0x1  }
0x5a: {  	v8 =	vadd.f32 v8, v4;
	_ =	sdelay $0x1  }
0x5b: {  	v8 =	vmax.f32 v8, $0.0e+00  }
0x5c: {  	[tilespmem:v10+s19+$0x0] =	vst.idx.msk $0xffff, v8  }
0x5d: {  	v8 =	vld [tilespmem:s9+$0x10];
	_ =	sdelay $0x2  }
0x5e: {  	v10 =	vadd.s32 v1, v9;
	_ =	sdelay $0x1  }
0x5f: {  	v8 =	vadd.f32 v8, v5;
	_ =	sdelay $0x1  }
0x60: {  	v8 =	vmax.f32 v8, $0.0e+00  }
0x61: {  	[tilespmem:v10+s19+$0x0] =	vst.idx.msk $0xffff, v8  }
0x62: {  	v8 =	vld [tilespmem:s9+$0x20];
	_ =	sdelay $0x2  }
0x63: {  	v10 =	vadd.s32 v2, v9;
	_ =	sdelay $0x1  }
0x64: {  	v8 =	vadd.f32 v8, v6;
	_ =	sdelay $0x1  }
0x65: {  	v8 =	vmax.f32 v8, $0.0e+00  }
0x66: {  	[tilespmem:v10+s19+$0x0] =	vst.idx.msk $0xffff, v8  }
0x67: {  	v8 =	vld [tilespmem:s9+$0x30];
	_ =	sdelay $0x2  }
0x68: {  	v9 =	vadd.s32 v3, v9;
	_ =	sdelay $0x1  }
0x69: {  	v8 =	vadd.f32 v8, v7;
	_ =	sdelay $0x1  }
0x6a: {  	v8 =	vmax.f32 v8, $0.0e+00  }
0x6b: {  	[tilespmem:v9+s19+$0x0] =	vst.idx.msk $0xffff, v8  }
0x6c: {  	s28 =	simm.s32 $0x3;
	v8 =	vld [tilespmem:s9+$0x40]  }
0x6d: {  	v9 =	vmov s28  }
0x6e: {  	v9 =	vand.u32 $0x7F, v9  }
0x6f: {  	v10 =	vadd.s32 v0, v9;
	_ =	sdelay $0x1  }
0x70: {  	v8 =	vadd.f32 v8, v4;
	_ =	sdelay $0x1  }
0x71: {  	v8 =	vmax.f32 v8, $0.0e+00  }
0x72: {  	[tilespmem:v10+s19+$0x0] =	vst.idx.msk $0xffff, v8  }
0x73: {  	v8 =	vld [tilespmem:s9+$0x50];
	_ =	sdelay $0x2  }
0x74: {  	v10 =	vadd.s32 v1, v9;
	_ =	sdelay $0x1  }
0x75: {  	v8 =	vadd.f32 v8, v5;
	_ =	sdelay $0x1  }
0x76: {  	v8 =	vmax.f32 v8, $0.0e+00  }
0x77: {  	[tilespmem:v10+s19+$0x0] =	vst.idx.msk $0xffff, v8  }
0x78: {  	v8 =	vld [tilespmem:s9+$0x60];
	_ =	sdelay $0x2  }
0x79: {  	v10 =	vadd.s32 v2, v9;
	_ =	sdelay $0x1  }
0x7a: {  	v8 =	vadd.f32 v8, v6;
	_ =	sdelay $0x1  }
0x7b: {  	v8 =	vmax.f32 v8, $0.0e+00  }
0x7c: {  	[tilespmem:v10+s19+$0x0] =	vst.idx.msk $0xffff, v8  }
0x7d: {  	v8 =	vld [tilespmem:s9+$0x70];
	_ =	sdelay $0x4  }
0x7e: {  	v10 =	vadd.f32 v8, v7;
	v8 =	vadd.s32 v3, v9;
	_ =	sdelay $0x2  }
0x7f: {  	s12 =	sshll.u32 s0, $0x2;
	s5 =	simm.s32 $0x4;
	v9 =	vmax.f32 v10, $0.0e+00  }
.LBB2_3:
0x80: {  	p1 =	slt.u32 s5, $0x7C  }
0x81: {  	[tilespmem:v8+s19+$0x0] =	vst.idx.msk $0xffff, v9;
	s9 =	sadd.s32 $0x100, s9;
	s6 =	smov.u32 s5;
	s5 =	sadd.s32 $0x4, s5  }
0x82: {  	v8 =	vld [tilespmem:s9+$0xFFFFFF80]  }
0x83: {  	v9 =	vmov s6  }
0x84: {  	v9 =	vand.u32 $0x7C, v9  }
0x85: {  	v10 =	vadd.s32 v0, v9;
	_ =	sdelay $0x1  }
0x86: {  	v8 =	vadd.f32 v8, v4;
	_ =	sdelay $0x1  }
0x87: {  	v8 =	vmax.f32 v8, $0.0e+00  }
0x88: {  	[tilespmem:v10+s19+$0x0] =	vst.idx.msk $0xffff, v8  }
0x89: {  	v8 =	vld [tilespmem:s9+$0xFFFFFF90];
	_ =	sdelay $0x2  }
0x8a: {  	v10 =	vadd.s32 v1, v9;
	_ =	sdelay $0x1  }
0x8b: {  	v8 =	vadd.f32 v8, v5;
	_ =	sdelay $0x1  }
0x8c: {  	v8 =	vmax.f32 v8, $0.0e+00  }
0x8d: {  	[tilespmem:v10+s19+$0x0] =	vst.idx.msk $0xffff, v8  }
0x8e: {  	v8 =	vld [tilespmem:s9+$0xFFFFFFA0];
	_ =	sdelay $0x2  }
0x8f: {  	v10 =	vadd.s32 v2, v9;
	_ =	sdelay $0x1  }
0x90: {  	v8 =	vadd.f32 v8, v6;
	_ =	sdelay $0x1  }
0x91: {  	v8 =	vmax.f32 v8, $0.0e+00  }
0x92: {  	[tilespmem:v10+s19+$0x0] =	vst.idx.msk $0xffff, v8  }
0x93: {  	v8 =	vld [tilespmem:s9+$0xFFFFFFB0];
	_ =	sdelay $0x2  }
0x94: {  	v9 =	vadd.s32 v3, v9;
	_ =	sdelay $0x1  }
0x95: {  	v8 =	vadd.f32 v8, v7;
	_ =	sdelay $0x1  }
0x96: {  	v8 =	vmax.f32 v8, $0.0e+00  }
0x97: {  	[tilespmem:v9+s19+$0x0] =	vst.idx.msk $0xffff, v8  }
0x98: {  	s8 =	sadd.s32 $0x1, s6;
	v8 =	vld [tilespmem:s9+$0xFFFFFFC0]  }
0x99: {  	v9 =	vmov s8  }
0x9a: {  	v9 =	vand.u32 $0x7D, v9  }
0x9b: {  	v10 =	vadd.s32 v0, v9;
	_ =	sdelay $0x1  }
0x9c: {  	v8 =	vadd.f32 v8, v4;
	_ =	sdelay $0x1  }
0x9d: {  	v8 =	vmax.f32 v8, $0.0e+00  }
0x9e: {  	[tilespmem:v10+s19+$0x0] =	vst.idx.msk $0xffff, v8  }
0x9f: {  	v8 =	vld [tilespmem:s9+$0xFFFFFFD0];
	_ =	sdelay $0x2  }
0xa0: {  	v10 =	vadd.s32 v1, v9;
	_ =	sdelay $0x1  }
0xa1: {  	v8 =	vadd.f32 v8, v5;
	_ =	sdelay $0x1  }
0xa2: {  	v8 =	vmax.f32 v8, $0.0e+00  }
0xa3: {  	[tilespmem:v10+s19+$0x0] =	vst.idx.msk $0xffff, v8  }
0xa4: {  	v8 =	vld [tilespmem:s9+$0xFFFFFFE0];
	_ =	sdelay $0x2  }
0xa5: {  	v10 =	vadd.s32 v2, v9;
	_ =	sdelay $0x1  }
0xa6: {  	v8 =	vadd.f32 v8, v6;
	_ =	sdelay $0x1  }
0xa7: {  	v8 =	vmax.f32 v8, $0.0e+00  }
0xa8: {  	[tilespmem:v10+s19+$0x0] =	vst.idx.msk $0xffff, v8  }
0xa9: {  	v8 =	vld [tilespmem:s9+$0xFFFFFFF0];
	_ =	sdelay $0x2  }
0xaa: {  	v9 =	vadd.s32 v3, v9;
	_ =	sdelay $0x1  }
0xab: {  	v8 =	vadd.f32 v8, v7;
	_ =	sdelay $0x1  }
0xac: {  	v8 =	vmax.f32 v8, $0.0e+00  }
0xad: {  	[tilespmem:v9+s19+$0x0] =	vst.idx.msk $0xffff, v8  }
0xae: {  	s8 =	sadd.s32 $0x2, s6;
	v8 =	vld [tilespmem:s9+$0x0]  }
0xaf: {  	v9 =	vmov s8  }
0xb0: {  	v9 =	vand.u32 $0x7E, v9  }
0xb1: {  	v10 =	vadd.s32 v0, v9;
	_ =	sdelay $0x1  }
0xb2: {  	v8 =	vadd.f32 v8, v4;
	_ =	sdelay $0x1  }
0xb3: {  	v8 =	vmax.f32 v8, $0.0e+00  }
0xb4: {  	[tilespmem:v10+s19+$0x0] =	vst.idx.msk $0xffff, v8  }
0xb5: {  	v8 =	vld [tilespmem:s9+$0x10];
	_ =	sdelay $0x2  }
0xb6: {  	v10 =	vadd.s32 v1, v9;
	_ =	sdelay $0x1  }
0xb7: {  	v8 =	vadd.f32 v8, v5;
	_ =	sdelay $0x1  }
0xb8: {  	v8 =	vmax.f32 v8, $0.0e+00  }
0xb9: {  	[tilespmem:v10+s19+$0x0] =	vst.idx.msk $0xffff, v8  }
0xba: {  	v8 =	vld [tilespmem:s9+$0x20];
	_ =	sdelay $0x2  }
0xbb: {  	v10 =	vadd.s32 v2, v9;
	_ =	sdelay $0x1  }
0xbc: {  	v8 =	vadd.f32 v8, v6;
	_ =	sdelay $0x1  }
0xbd: {  	v8 =	vmax.f32 v8, $0.0e+00  }
0xbe: {  	[tilespmem:v10+s19+$0x0] =	vst.idx.msk $0xffff, v8  }
0xbf: {  	v8 =	vld [tilespmem:s9+$0x30];
	_ =	sdelay $0x2  }
0xc0: {  	v9 =	vadd.s32 v3, v9;
	_ =	sdelay $0x1  }
0xc1: {  	v8 =	vadd.f32 v8, v7;
	_ =	sdelay $0x1  }
0xc2: {  	v8 =	vmax.f32 v8, $0.0e+00  }
0xc3: {  	[tilespmem:v9+s19+$0x0] =	vst.idx.msk $0xffff, v8  }
0xc4: {  	s6 =	sadd.s32 $0x3, s6;
	v8 =	vld [tilespmem:s9+$0x40]  }
0xc5: {  	v9 =	vmov s6  }
0xc6: {  	v9 =	vand.u32 $0x7F, v9  }
0xc7: {  	v10 =	vadd.s32 v0, v9;
	_ =	sdelay $0x1  }
0xc8: {  	v8 =	vadd.f32 v8, v4;
	_ =	sdelay $0x1  }
0xc9: {  	v8 =	vmax.f32 v8, $0.0e+00  }
0xca: {  	[tilespmem:v10+s19+$0x0] =	vst.idx.msk $0xffff, v8  }
0xcb: {  	v8 =	vld [tilespmem:s9+$0x50];
	_ =	sdelay $0x2  }
0xcc: {  	v10 =	vadd.s32 v1, v9;
	_ =	sdelay $0x1  }
0xcd: {  	v8 =	vadd.f32 v8, v5;
	_ =	sdelay $0x1  }
0xce: {  	v8 =	vmax.f32 v8, $0.0e+00  }
0xcf: {  	[tilespmem:v10+s19+$0x0] =	vst.idx.msk $0xffff, v8  }
0xd0: {  	v8 =	vld [tilespmem:s9+$0x60];
	_ =	sdelay $0x2  }
0xd1: {  	v10 =	vadd.s32 v2, v9;
	_ =	sdelay $0x1  }
0xd2: {  	v8 =	vadd.f32 v8, v6;
	_ =	sdelay $0x1  }
0xd3: {  	v8 =	vmax.f32 v8, $0.0e+00  }
0xd4: {  	[tilespmem:v10+s19+$0x0] =	vst.idx.msk $0xffff, v8  }
0xd5: {  	v10 =	vld [tilespmem:s9+$0x70];
	_ =	sdelay $0x2  }
.Ltmp0:
0xd6: {  	v8 =	vadd.s32 v3, v9;
	(pc) =	sbr.rel @p1 .LBB2_3-.Ltmp0, $3  }
0xd7: {  	_ = 	snop  }
0xd8: {  	v9 =	vadd.f32 v10, v7;
	_ =	sdelay $0x1  }
0xd9: {  	v9 =	vmax.f32 v9, $0.0e+00  }
0xda: {  	_ = 	snop  }
0xdb: {  	s5 =	sshll.u32 s0, $0x14  }
0xdc: {  	s5 =	sor.u32 s7, s5  }
0xdd: {  	s5 =	sshrl.u32 s5, $0x3  }
0xde: {  	[tilespmem:v8+s19+$0x0] =	vst.idx.msk $0xffff, v9;
	s9 =	simm.s32 $0xE400;
	s6 =	sadd.s32 s2, s5  }
0xdf: {  	[hbm4b:s6+s3] =	stream.linear.scatter [tilespmem:s9], [sflag:$0x5], $0x80, $0x38;
	[tilespmem:$0x19E00] =	vst v63  }
0xe0: {  	s15 =	simm.s32 $0xE488;
	s8 =	sadd.s32 $0x10, s6  }
0xe1: {  	[hbm4b:s8+s3] =	stream.linear.scatter [tilespmem:s15], [sflag:$0x5], $0x80, $0x38;
	[tilespmem:$0x19E00] =	vst v63  }
0xe2: {  	s26 =	simm.s32 $0xE510;
	s5 =	simm.s32 $0x440;
	s28 =	sadd.s32 $0x20, s6  }
0xe3: {  	[hbm4b:s28+s3] =	stream.linear.scatter [tilespmem:s26], [sflag:$0x5], $0x80, $0x38;
	[tilespmem:$0x19E00] =	vst v63  }
0xe4: {  	s9 =	simm.s32 $0xE598;
	s15 =	sadd.s32 $0x30, s6;
	s8 =	simm.s32 $0x2200  }
0xe5: {  	[hbm4b:s15+s3] =	stream.linear.scatter [tilespmem:s9], [sflag:$0x5], $0x80, $0x38;
	[tilespmem:$0x19E00] =	vst v63  }
0xe6: {  	s26 =	simm.s32 $0xE620;
	s28 =	sadd.s32 $0x40, s6;
	s9 =	simm.s32 $0xE6A8  }
0xe7: {  	[hbm4b:s28+s3] =	stream.linear.scatter [tilespmem:s26], [sflag:$0x5], $0x80, $0x38;
	[tilespmem:$0x19E00] =	vst v63  }
0xe8: {  	s15 =	sadd.s32 $0x50, s6;
	s26 =	simm.s32 $0xE730;
	s28 =	sadd.s32 $0x60, s6  }
0xe9: {  	[hbm4b:s15+s3] =	stream.linear.scatter [tilespmem:s9], [sflag:$0x5], $0x80, $0x38;
	[tilespmem:$0x19E00] =	vst v63  }
0xea: {  	s9 =	simm.s32 $0xE7B8;
	s15 =	sadd.s32 $0x70, s6;
	s6 =	sadd.s32 $0x1000, s6  }
0xeb: {  	[hbm4b:s28+s3] =	stream.linear.scatter [tilespmem:s26], [sflag:$0x5], $0x80, $0x38;
	[tilespmem:$0x19E00] =	vst v63  }
.LBB2_5:
0xec: {  	[hbm4b:s15+s3] =	stream.linear.scatter [tilespmem:s9], [sflag:$0x5], $0x80, $0x38;
	[tilespmem:$0x19E00] =	vst v63  }
0xed: {  	s9 =	smov.u32 s5;
	s5 =	smov.u32 s8  }
0xee: {  	s26 =	sadd.s32 $0x1100, s8;
	s5 =	sshra.s32 s5, $0x2;
	s15 =	sadd.s32 $0xE400, s9  }
0xef: {  	[hbm4b:s6+s3] =	stream.linear.scatter [tilespmem:s15], [sflag:$0x5], $0x80, $0x38;
	[tilespmem:$0x19E00] =	vst v63  }
0xf0: {  	p1 =	sne.s32 s8, $0x7700;
	s8 =	sadd.s32 $0xE488, s9;
	s15 =	sadd.s32 $0x10, s6  }
0xf1: {  	[hbm4b:s15+s3] =	stream.linear.scatter [tilespmem:s8], [sflag:$0x5], $0x80, $0x38;
	[tilespmem:$0x19E00] =	vst v63  }
0xf2: {  	s8 =	sadd.s32 $0xE510, s9;
	s15 =	sadd.s32 $0x20, s6  }
0xf3: {  	[hbm4b:s15+s3] =	stream.linear.scatter [tilespmem:s8], [sflag:$0x5], $0x80, $0x38;
	[tilespmem:$0x19E00] =	vst v63  }
0xf4: {  	s8 =	sadd.s32 $0xE598, s9;
	s15 =	sadd.s32 $0x30, s6  }
0xf5: {  	[hbm4b:s15+s3] =	stream.linear.scatter [tilespmem:s8], [sflag:$0x5], $0x80, $0x38;
	[tilespmem:$0x19E00] =	vst v63  }
0xf6: {  	s8 =	sadd.s32 $0xE620, s9;
	s15 =	sadd.s32 $0x40, s6  }
0xf7: {  	[hbm4b:s15+s3] =	stream.linear.scatter [tilespmem:s8], [sflag:$0x5], $0x80, $0x38;
	[tilespmem:$0x19E00] =	vst v63  }
.Ltmp1:
0xf8: {  	s8 =	sadd.s32 $0xE6A8, s9;
	s15 =	sadd.s32 $0x50, s6;
	(pc) =	sbr.rel @p1 .LBB2_5-.Ltmp1, $4  }
0xf9: {  	[hbm4b:s15+s3] =	stream.linear.scatter [tilespmem:s8], [sflag:$0x5], $0x80, $0x38;
	[tilespmem:$0x19E00] =	vst v63  }
0xfa: {  	s8 =	sadd.s32 $0xE730, s9;
	s15 =	sadd.s32 $0x60, s6;
	s9 =	sadd.s32 $0xE7B8, s9  }
0xfb: {  	[hbm4b:s15+s3] =	stream.linear.scatter [tilespmem:s8], [sflag:$0x5], $0x80, $0x38;
	[tilespmem:$0x19E00] =	vst v63  }
0xfc: {  	s15 =	sadd.s32 $0x70, s6;
	s6 =	sadd.s32 $0x1000, s6;
	s8 =	smov.u32 s26  }
0xfd: {  	[hbm4b:s15+s3] =	stream.linear.scatter [tilespmem:s9], [sflag:$0x5], $0x80, $0x38;
	[tilespmem:$0x19E00] =	vst v63  }
0xfe: {  	s8 =	sadd.s32 $0xE400, s5  }
0xff: {  	[hbm4b:s6+s3] =	stream.linear.scatter [tilespmem:s8], [sflag:$0x5], $0x80, $0x38;
	[tilespmem:$0x19E00] =	vst v63  }
0x100: {  	s9 =	sadd.s32 $0xE488, s5;
	s15 =	sadd.s32 $0x10, s6  }
0x101: {  	[hbm4b:s15+s3] =	stream.linear.scatter [tilespmem:s9], [sflag:$0x5], $0x80, $0x38;
	[tilespmem:$0x19E00] =	vst v63  }
0x102: {  	s26 =	sadd.s32 $0xE510, s5;
	s28 =	sadd.s32 $0x20, s6  }
0x103: {  	[hbm4b:s28+s3] =	stream.linear.scatter [tilespmem:s26], [sflag:$0x5], $0x80, $0x38;
	[tilespmem:$0x19E00] =	vst v63  }
0x104: {  	s9 =	sadd.s32 $0xE598, s5;
	s15 =	sadd.s32 $0x30, s6  }
0x105: {  	[hbm4b:s15+s3] =	stream.linear.scatter [tilespmem:s9], [sflag:$0x5], $0x80, $0x38;
	[tilespmem:$0x19E00] =	vst v63  }
0x106: {  	s26 =	sadd.s32 $0xE620, s5;
	s28 =	sadd.s32 $0x40, s6  }
0x107: {  	[hbm4b:s28+s3] =	stream.linear.scatter [tilespmem:s26], [sflag:$0x5], $0x80, $0x38;
	[tilespmem:$0x19E00] =	vst v63  }
0x108: {  	s9 =	sadd.s32 $0xE6A8, s5;
	s15 =	sadd.s32 $0x50, s6  }
0x109: {  	[hbm4b:s15+s3] =	stream.linear.scatter [tilespmem:s9], [sflag:$0x5], $0x80, $0x38;
	[tilespmem:$0x19E00] =	vst v63  }
0x10a: {  	s26 =	sadd.s32 $0xE730, s5;
	s28 =	sadd.s32 $0x60, s6  }
0x10b: {  	[hbm4b:s28+s3] =	stream.linear.scatter [tilespmem:s26], [sflag:$0x5], $0x80, $0x38;
	[tilespmem:$0x19E00] =	vst v63  }
0x10c: {  	s9 =	sadd.s32 $0xE7B8, s5;
	s15 =	sadd.s32 $0x70, s6  }
0x10d: {  	[hbm4b:s15+s3] =	stream.linear.scatter [tilespmem:s9], [sflag:$0x5], $0x80, $0x38;
	[tilespmem:$0x19E00] =	vst v63  }
0x10e: {  	s9 =	sshll.u32 s0, $0xB  }
0x10f: {  	p1 =	seq.s32 s0, $0x31;
	s5 =	sadd.s32 $0x800, s9  }
0x110: {  	s5 =	simm.s32 @p1 $0x0  }
0x111: {  	s5 =	sshrl.u32 s5, $0x2  }
0x112: {  	[tilespmem:s13], [sflag:$0x1] =	stream.indirect.gather [hbm4b:s4+s11], $0x40, s5, s11, $0xb8;
	[tilespmem:$0x19E00] =	vst v63  }
0x113: {  	_ =	swait.ge [sflag:s20], $0x2000  }
0x114: {  	[sflag:s20] =	ssyncset.done $0x0  }
0x115: {  	s5 =	simm.s32 @!p0 $0x6;
	[sflag:s20] =	ssyncadd.s32 $0xFFFFE000  }
0x116: {  	s15 =	sor.u32 $0x1, s12;
	_ =	swait.ge @!p0 [sflag:s5], $0x2000  }
0x117: {  	s26 =	sshll.u32 s15, $0x6;
	[sflag:s5] =	ssyncset.done @!p0 $0x0  }
0x118: {  	s6 =	sand.u32 $0x3FFFFFC0, s26;
	[sflag:s5] =	ssyncadd.s32 @!p0 $0xFFFFE000  }
0x119: {  	s5 =	simm.s32 $0x84F0;
	v4 =	vld [tilespmem:s6+$0x16C00]  }
0x11a: {  	s28 =	simm.s32 $0x0;
	v6 =	vld [tilespmem:s5+$0xFFFFFF10]  }
0x11b: {  	v5 =	vmov s28  }
0x11c: {  	v8 =	vand.u32 $0x7C, v5  }
0x11d: {  	v9 =	vadd.s32 v0, v8;
	_ =	sdelay $0x1  }
0x11e: {  	v10 =	vadd.f32 v6, v4  }
0x11f: {  	v5 =	vld [tilespmem:s6+$0x16C10]  }
0x120: {  	v7 =	vld [tilespmem:s6+$0x16C30];
	v10 =	vmax.f32 v10, $0.0e+00  }
0x121: {  	v6 =	vld [tilespmem:s6+$0x16C20];
	[tilespmem:v9+s21+$0x0] =	vst.idx.msk $0xffff, v10  }
0x122: {  	v9 =	vld [tilespmem:s5+$0xFFFFFF20];
	_ =	sdelay $0x2  }
0x123: {  	v10 =	vadd.s32 v1, v8;
	_ =	sdelay $0x1  }
0x124: {  	v9 =	vadd.f32 v9, v5;
	_ =	sdelay $0x1  }
0x125: {  	v9 =	vmax.f32 v9, $0.0e+00  }
0x126: {  	[tilespmem:v10+s21+$0x0] =	vst.idx.msk $0xffff, v9  }
0x127: {  	v9 =	vld [tilespmem:s5+$0xFFFFFF30];
	_ =	sdelay $0x2  }
0x128: {  	v10 =	vadd.s32 v2, v8;
	_ =	sdelay $0x1  }
0x129: {  	v9 =	vadd.f32 v9, v6;
	_ =	sdelay $0x1  }
0x12a: {  	v9 =	vmax.f32 v9, $0.0e+00  }
0x12b: {  	[tilespmem:v10+s21+$0x0] =	vst.idx.msk $0xffff, v9  }
0x12c: {  	v9 =	vld [tilespmem:s5+$0xFFFFFF40];
	_ =	sdelay $0x2  }
0x12d: {  	v8 =	vadd.s32 v3, v8;
	_ =	sdelay $0x1  }
0x12e: {  	v9 =	vadd.f32 v9, v7;
	_ =	sdelay $0x1  }
0x12f: {  	v9 =	vmax.f32 v9, $0.0e+00  }
0x130: {  	[tilespmem:v8+s21+$0x0] =	vst.idx.msk $0xffff, v9  }
0x131: {  	s8 =	simm.s32 $0x1;
	v8 =	vld [tilespmem:s5+$0xFFFFFF50]  }
0x132: {  	v9 =	vmov s8  }
0x133: {  	v9 =	vand.u32 $0x7D, v9  }
0x134: {  	v10 =	vadd.s32 v0, v9;
	_ =	sdelay $0x1  }
0x135: {  	v8 =	vadd.f32 v8, v4;
	_ =	sdelay $0x1  }
0x136: {  	v8 =	vmax.f32 v8, $0.0e+00  }
0x137: {  	[tilespmem:v10+s21+$0x0] =	vst.idx.msk $0xffff, v8  }
0x138: {  	v8 =	vld [tilespmem:s5+$0xFFFFFF60];
	_ =	sdelay $0x2  }
0x139: {  	v10 =	vadd.s32 v1, v9;
	_ =	sdelay $0x1  }
0x13a: {  	v8 =	vadd.f32 v8, v5;
	_ =	sdelay $0x1  }
0x13b: {  	v8 =	vmax.f32 v8, $0.0e+00  }
0x13c: {  	[tilespmem:v10+s21+$0x0] =	vst.idx.msk $0xffff, v8  }
0x13d: {  	v8 =	vld [tilespmem:s5+$0xFFFFFF70];
	_ =	sdelay $0x2  }
0x13e: {  	v10 =	vadd.s32 v2, v9;
	_ =	sdelay $0x1  }
0x13f: {  	v8 =	vadd.f32 v8, v6;
	_ =	sdelay $0x1  }
0x140: {  	v8 =	vmax.f32 v8, $0.0e+00  }
0x141: {  	[tilespmem:v10+s21+$0x0] =	vst.idx.msk $0xffff, v8  }
0x142: {  	v8 =	vld [tilespmem:s5+$0xFFFFFF80];
	_ =	sdelay $0x2  }
0x143: {  	v9 =	vadd.s32 v3, v9;
	_ =	sdelay $0x1  }
0x144: {  	v8 =	vadd.f32 v8, v7;
	_ =	sdelay $0x1  }
0x145: {  	v8 =	vmax.f32 v8, $0.0e+00  }
0x146: {  	[tilespmem:v9+s21+$0x0] =	vst.idx.msk $0xffff, v8  }
0x147: {  	s26 =	simm.s32 $0x2;
	v8 =	vld [tilespmem:s5+$0xFFFFFF90]  }
0x148: {  	v9 =	vmov s26  }
0x149: {  	v9 =	vand.u32 $0x7E, v9  }
0x14a: {  	v10 =	vadd.s32 v0, v9;
	_ =	sdelay $0x1  }
0x14b: {  	v8 =	vadd.f32 v8, v4;
	_ =	sdelay $0x1  }
0x14c: {  	v8 =	vmax.f32 v8, $0.0e+00  }
0x14d: {  	[tilespmem:v10+s21+$0x0] =	vst.idx.msk $0xffff, v8  }
0x14e: {  	v8 =	vld [tilespmem:s5+$0xFFFFFFA0];
	_ =	sdelay $0x2  }
0x14f: {  	v10 =	vadd.s32 v1, v9;
	_ =	sdelay $0x1  }
0x150: {  	v8 =	vadd.f32 v8, v5;
	_ =	sdelay $0x1  }
0x151: {  	v8 =	vmax.f32 v8, $0.0e+00  }
0x152: {  	[tilespmem:v10+s21+$0x0] =	vst.idx.msk $0xffff, v8  }
0x153: {  	v8 =	vld [tilespmem:s5+$0xFFFFFFB0];
	_ =	sdelay $0x2  }
0x154: {  	v10 =	vadd.s32 v2, v9;
	_ =	sdelay $0x1  }
0x155: {  	v8 =	vadd.f32 v8, v6;
	_ =	sdelay $0x1  }
0x156: {  	v8 =	vmax.f32 v8, $0.0e+00  }
0x157: {  	[tilespmem:v10+s21+$0x0] =	vst.idx.msk $0xffff, v8  }
0x158: {  	v8 =	vld [tilespmem:s5+$0xFFFFFFC0];
	_ =	sdelay $0x2  }
0x159: {  	v9 =	vadd.s32 v3, v9;
	_ =	sdelay $0x1  }
0x15a: {  	v8 =	vadd.f32 v8, v7;
	_ =	sdelay $0x1  }
0x15b: {  	v8 =	vmax.f32 v8, $0.0e+00  }
0x15c: {  	[tilespmem:v9+s21+$0x0] =	vst.idx.msk $0xffff, v8  }
0x15d: {  	s28 =	simm.s32 $0x3;
	v8 =	vld [tilespmem:s5+$0xFFFFFFD0]  }
0x15e: {  	v9 =	vmov s28  }
0x15f: {  	v9 =	vand.u32 $0x7F, v9  }
0x160: {  	v10 =	vadd.s32 v0, v9;
	_ =	sdelay $0x1  }
0x161: {  	v8 =	vadd.f32 v8, v4;
	_ =	sdelay $0x1  }
0x162: {  	v8 =	vmax.f32 v8, $0.0e+00  }
0x163: {  	[tilespmem:v10+s21+$0x0] =	vst.idx.msk $0xffff, v8  }
0x164: {  	v8 =	vld [tilespmem:s5+$0xFFFFFFE0];
	_ =	sdelay $0x2  }
0x165: {  	v10 =	vadd.s32 v1, v9;
	_ =	sdelay $0x1  }
0x166: {  	v8 =	vadd.f32 v8, v5;
	_ =	sdelay $0x1  }
0x167: {  	v8 =	vmax.f32 v8, $0.0e+00  }
0x168: {  	[tilespmem:v10+s21+$0x0] =	vst.idx.msk $0xffff, v8  }
0x169: {  	v8 =	vld [tilespmem:s5+$0xFFFFFFF0];
	_ =	sdelay $0x2  }
0x16a: {  	v10 =	vadd.s32 v2, v9;
	_ =	sdelay $0x1  }
0x16b: {  	v8 =	vadd.f32 v8, v6;
	_ =	sdelay $0x1  }
0x16c: {  	v8 =	vmax.f32 v8, $0.0e+00  }
0x16d: {  	[tilespmem:v10+s21+$0x0] =	vst.idx.msk $0xffff, v8  }
0x16e: {  	v8 =	vld [tilespmem:s5+$0x0];
	_ =	sdelay $0x4  }
0x16f: {  	v10 =	vadd.f32 v8, v7;
	v8 =	vadd.s32 v3, v9;
	_ =	sdelay $0x2  }
0x170: {  	s6 =	simm.s32 $0x4;
	v9 =	vmax.f32 v10, $0.0e+00  }
.LBB2_7:
0x171: {  	p2 =	slt.u32 s6, $0x7C  }
0x172: {  	[tilespmem:v8+s21+$0x0] =	vst.idx.msk $0xffff, v9;
	s5 =	sadd.s32 $0x100, s5;
	s8 =	smov.u32 s6;
	s6 =	sadd.s32 $0x4, s6  }
0x173: {  	v8 =	vld [tilespmem:s5+$0xFFFFFF10]  }
0x174: {  	v9 =	vmov s8  }
0x175: {  	v9 =	vand.u32 $0x7C, v9  }
0x176: {  	v10 =	vadd.s32 v0, v9;
	_ =	sdelay $0x1  }
0x177: {  	v8 =	vadd.f32 v8, v4;
	_ =	sdelay $0x1  }
0x178: {  	v8 =	vmax.f32 v8, $0.0e+00  }
0x179: {  	[tilespmem:v10+s21+$0x0] =	vst.idx.msk $0xffff, v8  }
0x17a: {  	v8 =	vld [tilespmem:s5+$0xFFFFFF20];
	_ =	sdelay $0x2  }
0x17b: {  	v10 =	vadd.s32 v1, v9;
	_ =	sdelay $0x1  }
0x17c: {  	v8 =	vadd.f32 v8, v5;
	_ =	sdelay $0x1  }
0x17d: {  	v8 =	vmax.f32 v8, $0.0e+00  }
0x17e: {  	[tilespmem:v10+s21+$0x0] =	vst.idx.msk $0xffff, v8  }
0x17f: {  	v8 =	vld [tilespmem:s5+$0xFFFFFF30];
	_ =	sdelay $0x2  }
0x180: {  	v10 =	vadd.s32 v2, v9;
	_ =	sdelay $0x1  }
0x181: {  	v8 =	vadd.f32 v8, v6;
	_ =	sdelay $0x1  }
0x182: {  	v8 =	vmax.f32 v8, $0.0e+00  }
0x183: {  	[tilespmem:v10+s21+$0x0] =	vst.idx.msk $0xffff, v8  }
0x184: {  	v8 =	vld [tilespmem:s5+$0xFFFFFF40];
	_ =	sdelay $0x2  }
0x185: {  	v9 =	vadd.s32 v3, v9;
	_ =	sdelay $0x1  }
0x186: {  	v8 =	vadd.f32 v8, v7;
	_ =	sdelay $0x1  }
0x187: {  	v8 =	vmax.f32 v8, $0.0e+00  }
0x188: {  	[tilespmem:v9+s21+$0x0] =	vst.idx.msk $0xffff, v8  }
0x189: {  	s26 =	sadd.s32 $0x1, s8;
	v8 =	vld [tilespmem:s5+$0xFFFFFF50]  }
0x18a: {  	v9 =	vmov s26  }
0x18b: {  	v9 =	vand.u32 $0x7D, v9  }
0x18c: {  	v10 =	vadd.s32 v0, v9;
	_ =	sdelay $0x1  }
0x18d: {  	v8 =	vadd.f32 v8, v4;
	_ =	sdelay $0x1  }
0x18e: {  	v8 =	vmax.f32 v8, $0.0e+00  }
0x18f: {  	[tilespmem:v10+s21+$0x0] =	vst.idx.msk $0xffff, v8  }
0x190: {  	v8 =	vld [tilespmem:s5+$0xFFFFFF60];
	_ =	sdelay $0x2  }
0x191: {  	v10 =	vadd.s32 v1, v9;
	_ =	sdelay $0x1  }
0x192: {  	v8 =	vadd.f32 v8, v5;
	_ =	sdelay $0x1  }
0x193: {  	v8 =	vmax.f32 v8, $0.0e+00  }
0x194: {  	[tilespmem:v10+s21+$0x0] =	vst.idx.msk $0xffff, v8  }
0x195: {  	v8 =	vld [tilespmem:s5+$0xFFFFFF70];
	_ =	sdelay $0x2  }
0x196: {  	v10 =	vadd.s32 v2, v9;
	_ =	sdelay $0x1  }
0x197: {  	v8 =	vadd.f32 v8, v6;
	_ =	sdelay $0x1  }
0x198: {  	v8 =	vmax.f32 v8, $0.0e+00  }
0x199: {  	[tilespmem:v10+s21+$0x0] =	vst.idx.msk $0xffff, v8  }
0x19a: {  	v8 =	vld [tilespmem:s5+$0xFFFFFF80];
	_ =	sdelay $0x2  }
0x19b: {  	v9 =	vadd.s32 v3, v9;
	_ =	sdelay $0x1  }
0x19c: {  	v8 =	vadd.f32 v8, v7;
	_ =	sdelay $0x1  }
0x19d: {  	v8 =	vmax.f32 v8, $0.0e+00  }
0x19e: {  	[tilespmem:v9+s21+$0x0] =	vst.idx.msk $0xffff, v8  }
0x19f: {  	s26 =	sadd.s32 $0x2, s8;
	v8 =	vld [tilespmem:s5+$0xFFFFFF90]  }
0x1a0: {  	v9 =	vmov s26  }
0x1a1: {  	v9 =	vand.u32 $0x7E, v9  }
0x1a2: {  	v10 =	vadd.s32 v0, v9;
	_ =	sdelay $0x1  }
0x1a3: {  	v8 =	vadd.f32 v8, v4;
	_ =	sdelay $0x1  }
0x1a4: {  	v8 =	vmax.f32 v8, $0.0e+00  }
0x1a5: {  	[tilespmem:v10+s21+$0x0] =	vst.idx.msk $0xffff, v8  }
0x1a6: {  	v8 =	vld [tilespmem:s5+$0xFFFFFFA0];
	_ =	sdelay $0x2  }
0x1a7: {  	v10 =	vadd.s32 v1, v9;
	_ =	sdelay $0x1  }
0x1a8: {  	v8 =	vadd.f32 v8, v5;
	_ =	sdelay $0x1  }
0x1a9: {  	v8 =	vmax.f32 v8, $0.0e+00  }
0x1aa: {  	[tilespmem:v10+s21+$0x0] =	vst.idx.msk $0xffff, v8  }
0x1ab: {  	v8 =	vld [tilespmem:s5+$0xFFFFFFB0];
	_ =	sdelay $0x2  }
0x1ac: {  	v10 =	vadd.s32 v2, v9;
	_ =	sdelay $0x1  }
0x1ad: {  	v8 =	vadd.f32 v8, v6;
	_ =	sdelay $0x1  }
0x1ae: {  	v8 =	vmax.f32 v8, $0.0e+00  }
0x1af: {  	[tilespmem:v10+s21+$0x0] =	vst.idx.msk $0xffff, v8  }
0x1b0: {  	v8 =	vld [tilespmem:s5+$0xFFFFFFC0];
	_ =	sdelay $0x2  }
0x1b1: {  	v9 =	vadd.s32 v3, v9;
	_ =	sdelay $0x1  }
0x1b2: {  	v8 =	vadd.f32 v8, v7;
	_ =	sdelay $0x1  }
0x1b3: {  	v8 =	vmax.f32 v8, $0.0e+00  }
0x1b4: {  	[tilespmem:v9+s21+$0x0] =	vst.idx.msk $0xffff, v8  }
0x1b5: {  	s8 =	sadd.s32 $0x3, s8;
	v8 =	vld [tilespmem:s5+$0xFFFFFFD0]  }
0x1b6: {  	v9 =	vmov s8  }
0x1b7: {  	v9 =	vand.u32 $0x7F, v9  }
0x1b8: {  	v10 =	vadd.s32 v0, v9;
	_ =	sdelay $0x1  }
0x1b9: {  	v8 =	vadd.f32 v8, v4;
	_ =	sdelay $0x1  }
0x1ba: {  	v8 =	vmax.f32 v8, $0.0e+00  }
0x1bb: {  	[tilespmem:v10+s21+$0x0] =	vst.idx.msk $0xffff, v8  }
0x1bc: {  	v8 =	vld [tilespmem:s5+$0xFFFFFFE0];
	_ =	sdelay $0x2  }
0x1bd: {  	v10 =	vadd.s32 v1, v9;
	_ =	sdelay $0x1  }
0x1be: {  	v8 =	vadd.f32 v8, v5;
	_ =	sdelay $0x1  }
0x1bf: {  	v8 =	vmax.f32 v8, $0.0e+00  }
0x1c0: {  	[tilespmem:v10+s21+$0x0] =	vst.idx.msk $0xffff, v8  }
0x1c1: {  	v8 =	vld [tilespmem:s5+$0xFFFFFFF0];
	_ =	sdelay $0x2  }
0x1c2: {  	v10 =	vadd.s32 v2, v9;
	_ =	sdelay $0x1  }
0x1c3: {  	v8 =	vadd.f32 v8, v6;
	_ =	sdelay $0x1  }
0x1c4: {  	v8 =	vmax.f32 v8, $0.0e+00  }
0x1c5: {  	[tilespmem:v10+s21+$0x0] =	vst.idx.msk $0xffff, v8  }
0x1c6: {  	v10 =	vld [tilespmem:s5+$0x0];
	_ =	sdelay $0x2  }
.Ltmp2:
0x1c7: {  	v8 =	vadd.s32 v3, v9;
	(pc) =	sbr.rel @p2 .LBB2_7-.Ltmp2, $3  }
0x1c8: {  	_ = 	snop  }
0x1c9: {  	v9 =	vadd.f32 v10, v7;
	_ =	sdelay $0x1  }
0x1ca: {  	v9 =	vmax.f32 v9, $0.0e+00  }
0x1cb: {  	_ = 	snop  }
0x1cc: {  	s5 =	sshll.u32 s15, $0x12  }
0x1cd: {  	s5 =	sor.u32 s7, s5  }
0x1ce: {  	s5 =	sshrl.u32 s5, $0x3  }
0x1cf: {  	[tilespmem:v8+s21+$0x0] =	vst.idx.msk $0xffff, v9;
	s8 =	simm.s32 $0x10600;
	s6 =	sadd.s32 s2, s5  }
0x1d0: {  	[hbm4b:s6+s3] =	stream.linear.scatter [tilespmem:s8], [sflag:$0x6], $0x80, $0x38;
	[tilespmem:$0x19E00] =	vst v63  }
0x1d1: {  	s15 =	simm.s32 $0x10688;
	s8 =	sadd.s32 $0x10, s6  }
0x1d2: {  	[hbm4b:s8+s3] =	stream.linear.scatter [tilespmem:s15], [sflag:$0x6], $0x80, $0x38;
	[tilespmem:$0x19E00] =	vst v63  }
0x1d3: {  	s26 =	simm.s32 $0x10710;
	s28 =	sadd.s32 $0x20, s6  }
0x1d4: {  	[hbm4b:s28+s3] =	stream.linear.scatter [tilespmem:s26], [sflag:$0x6], $0x80, $0x38;
	[tilespmem:$0x19E00] =	vst v63  }
0x1d5: {  	s8 =	simm.s32 $0x10798;
	s15 =	sadd.s32 $0x30, s6  }
0x1d6: {  	[hbm4b:s15+s3] =	stream.linear.scatter [tilespmem:s8], [sflag:$0x6], $0x80, $0x38;
	[tilespmem:$0x19E00] =	vst v63  }
0x1d7: {  	s26 =	simm.s32 $0x10820;
	s28 =	sadd.s32 $0x40, s6  }
0x1d8: {  	[hbm4b:s28+s3] =	stream.linear.scatter [tilespmem:s26], [sflag:$0x6], $0x80, $0x38;
	[tilespmem:$0x19E00] =	vst v63  }
0x1d9: {  	s5 =	simm.s32 $0x440;
	s8 =	simm.s32 $0x108A8;
	s15 =	sadd.s32 $0x50, s6  }
0x1da: {  	[hbm4b:s15+s3] =	stream.linear.scatter [tilespmem:s8], [sflag:$0x6], $0x80, $0x38;
	[tilespmem:$0x19E00] =	vst v63  }
0x1db: {  	s26 =	simm.s32 $0x10930;
	s28 =	sadd.s32 $0x60, s6;
	s8 =	simm.s32 $0x2200  }
0x1dc: {  	[hbm4b:s28+s3] =	stream.linear.scatter [tilespmem:s26], [sflag:$0x6], $0x80, $0x38;
	[tilespmem:$0x19E00] =	vst v63  }
0x1dd: {  	s15 =	simm.s32 $0x109B8;
	s26 =	sadd.s32 $0x70, s6;
	s6 =	sadd.s32 $0x1000, s6  }
.LBB2_9:
0x1de: {  	[hbm4b:s26+s3] =	stream.linear.scatter [tilespmem:s15], [sflag:$0x6], $0x80, $0x38;
	[tilespmem:$0x19E00] =	vst v63  }
0x1df: {  	s15 =	smov.u32 s5;
	s5 =	smov.u32 s8  }
0x1e0: {  	s28 =	sadd.s32 $0x1100, s8;
	s5 =	sshra.s32 s5, $0x2;
	s26 =	sadd.s32 $0x10600, s15  }
0x1e1: {  	[hbm4b:s6+s3] =	stream.linear.scatter [tilespmem:s26], [sflag:$0x6], $0x80, $0x38;
	[tilespmem:$0x19E00] =	vst v63  }
0x1e2: {  	p2 =	sne.s32 s8, $0x7700;
	s8 =	sadd.s32 $0x10688, s15;
	s26 =	sadd.s32 $0x10, s6  }
0x1e3: {  	[hbm4b:s26+s3] =	stream.linear.scatter [tilespmem:s8], [sflag:$0x6], $0x80, $0x38;
	[tilespmem:$0x19E00] =	vst v63  }
0x1e4: {  	s8 =	sadd.s32 $0x10710, s15;
	s26 =	sadd.s32 $0x20, s6  }
0x1e5: {  	[hbm4b:s26+s3] =	stream.linear.scatter [tilespmem:s8], [sflag:$0x6], $0x80, $0x38;
	[tilespmem:$0x19E00] =	vst v63  }
0x1e6: {  	s8 =	sadd.s32 $0x10798, s15;
	s26 =	sadd.s32 $0x30, s6  }
0x1e7: {  	[hbm4b:s26+s3] =	stream.linear.scatter [tilespmem:s8], [sflag:$0x6], $0x80, $0x38;
	[tilespmem:$0x19E00] =	vst v63  }
0x1e8: {  	s8 =	sadd.s32 $0x10820, s15;
	s26 =	sadd.s32 $0x40, s6  }
0x1e9: {  	[hbm4b:s26+s3] =	stream.linear.scatter [tilespmem:s8], [sflag:$0x6], $0x80, $0x38;
	[tilespmem:$0x19E00] =	vst v63  }
.Ltmp3:
0x1ea: {  	s8 =	sadd.s32 $0x108A8, s15;
	s26 =	sadd.s32 $0x50, s6;
	(pc) =	sbr.rel @p2 .LBB2_9-.Ltmp3, $4  }
0x1eb: {  	[hbm4b:s26+s3] =	stream.linear.scatter [tilespmem:s8], [sflag:$0x6], $0x80, $0x38;
	[tilespmem:$0x19E00] =	vst v63  }
0x1ec: {  	s8 =	sadd.s32 $0x10930, s15;
	s26 =	sadd.s32 $0x60, s6;
	s15 =	sadd.s32 $0x109B8, s15  }
0x1ed: {  	[hbm4b:s26+s3] =	stream.linear.scatter [tilespmem:s8], [sflag:$0x6], $0x80, $0x38;
	[tilespmem:$0x19E00] =	vst v63  }
0x1ee: {  	s26 =	sadd.s32 $0x70, s6;
	s6 =	sadd.s32 $0x1000, s6;
	s8 =	smov.u32 s28  }
0x1ef: {  	[hbm4b:s26+s3] =	stream.linear.scatter [tilespmem:s15], [sflag:$0x6], $0x80, $0x38;
	[tilespmem:$0x19E00] =	vst v63  }
0x1f0: {  	s8 =	sadd.s32 $0x10600, s5  }
0x1f1: {  	[hbm4b:s6+s3] =	stream.linear.scatter [tilespmem:s8], [sflag:$0x6], $0x80, $0x38;
	[tilespmem:$0x19E00] =	vst v63  }
0x1f2: {  	s26 =	sadd.s32 $0x10688, s5;
	s28 =	sadd.s32 $0x10, s6  }
0x1f3: {  	[hbm4b:s28+s3] =	stream.linear.scatter [tilespmem:s26], [sflag:$0x6], $0x80, $0x38;
	[tilespmem:$0x19E00] =	vst v63  }
0x1f4: {  	s26 =	sadd.s32 $0x10710, s5;
	s28 =	sadd.s32 $0x20, s6  }
0x1f5: {  	[hbm4b:s28+s3] =	stream.linear.scatter [tilespmem:s26], [sflag:$0x6], $0x80, $0x38;
	[tilespmem:$0x19E00] =	vst v63  }
0x1f6: {  	s26 =	sadd.s32 $0x10798, s5;
	s28 =	sadd.s32 $0x30, s6  }
0x1f7: {  	[hbm4b:s28+s3] =	stream.linear.scatter [tilespmem:s26], [sflag:$0x6], $0x80, $0x38;
	[tilespmem:$0x19E00] =	vst v63  }
0x1f8: {  	s26 =	sadd.s32 $0x10820, s5;
	s28 =	sadd.s32 $0x40, s6  }
0x1f9: {  	[hbm4b:s28+s3] =	stream.linear.scatter [tilespmem:s26], [sflag:$0x6], $0x80, $0x38;
	[tilespmem:$0x19E00] =	vst v63  }
0x1fa: {  	s8 =	sadd.s32 $0x109B8, s5;
	s26 =	sadd.s32 $0x108A8, s5;
	s28 =	sadd.s32 $0x50, s6  }
0x1fb: {  	[hbm4b:s28+s3] =	stream.linear.scatter [tilespmem:s26], [sflag:$0x6], $0x80, $0x38;
	[tilespmem:$0x19E00] =	vst v63  }
0x1fc: {  	s26 =	sadd.s32 $0x10930, s5;
	s28 =	sadd.s32 $0x60, s6;
	s5 =	sadd.s32 $0xA00, s9  }
0x1fd: {  	[hbm4b:s28+s3] =	stream.linear.scatter [tilespmem:s26], [sflag:$0x6], $0x80, $0x38;
	[tilespmem:$0x19E00] =	vst v63  }
0x1fe: {  	s15 =	sadd.s32 $0x70, s6;
	s5 =	simm.s32 @p1 $0x200  }
0x1ff: {  	[hbm4b:s15+s3] =	stream.linear.scatter [tilespmem:s8], [sflag:$0x6], $0x80, $0x38;
	[tilespmem:$0x19E00] =	vst v63  }
0x200: {  	s5 =	sshrl.u32 s5, $0x2  }
0x201: {  	[tilespmem:s14], [sflag:$0x2] =	stream.indirect.gather [hbm4b:s4+s11], $0x40, s5, s11, $0xb8;
	[tilespmem:$0x19E00] =	vst v63  }
0x202: {  	_ =	swait.ge [sflag:s22], $0x2000  }
0x203: {  	[sflag:s22] =	ssyncset.done $0x0  }
0x204: {  	s5 =	simm.s32 @!p0 $0x7;
	[sflag:s22] =	ssyncadd.s32 $0xFFFFE000  }
0x205: {  	s12 =	sor.u32 $0x2, s12;
	_ =	swait.ge @!p0 [sflag:s5], $0x2000  }
0x206: {  	s26 =	sshll.u32 s12, $0x6;
	[sflag:s5] =	ssyncset.done @!p0 $0x0  }
0x207: {  	s6 =	sand.u32 $0x3FFFFFC0, s26;
	[sflag:s5] =	ssyncadd.s32 @!p0 $0xFFFFE000  }
0x208: {  	s5 =	simm.s32 $0xA4F0;
	v4 =	vld [tilespmem:s6+$0x16C00]  }
0x209: {  	s28 =	simm.s32 $0x0;
	v6 =	vld [tilespmem:s5+$0xFFFFFF10]  }
0x20a: {  	v5 =	vmov s28  }
0x20b: {  	v8 =	vand.u32 $0x7C, v5  }
0x20c: {  	v9 =	vadd.s32 v0, v8;
	_ =	sdelay $0x1  }
0x20d: {  	v10 =	vadd.f32 v6, v4  }
0x20e: {  	v5 =	vld [tilespmem:s6+$0x16C10]  }
0x20f: {  	v7 =	vld [tilespmem:s6+$0x16C30];
	v10 =	vmax.f32 v10, $0.0e+00  }
0x210: {  	v6 =	vld [tilespmem:s6+$0x16C20];
	[tilespmem:v9+s23+$0x0] =	vst.idx.msk $0xffff, v10  }
0x211: {  	v9 =	vld [tilespmem:s5+$0xFFFFFF20];
	_ =	sdelay $0x2  }
0x212: {  	v10 =	vadd.s32 v1, v8;
	_ =	sdelay $0x1  }
0x213: {  	v9 =	vadd.f32 v9, v5;
	_ =	sdelay $0x1  }
0x214: {  	v9 =	vmax.f32 v9, $0.0e+00  }
0x215: {  	[tilespmem:v10+s23+$0x0] =	vst.idx.msk $0xffff, v9  }
0x216: {  	v9 =	vld [tilespmem:s5+$0xFFFFFF30];
	_ =	sdelay $0x2  }
0x217: {  	v10 =	vadd.s32 v2, v8;
	_ =	sdelay $0x1  }
0x218: {  	v9 =	vadd.f32 v9, v6;
	_ =	sdelay $0x1  }
0x219: {  	v9 =	vmax.f32 v9, $0.0e+00  }
0x21a: {  	[tilespmem:v10+s23+$0x0] =	vst.idx.msk $0xffff, v9  }
0x21b: {  	v9 =	vld [tilespmem:s5+$0xFFFFFF40];
	_ =	sdelay $0x2  }
0x21c: {  	v8 =	vadd.s32 v3, v8;
	_ =	sdelay $0x1  }
0x21d: {  	v9 =	vadd.f32 v9, v7;
	_ =	sdelay $0x1  }
0x21e: {  	v9 =	vmax.f32 v9, $0.0e+00  }
0x21f: {  	[tilespmem:v8+s23+$0x0] =	vst.idx.msk $0xffff, v9  }
0x220: {  	s15 =	simm.s32 $0x1;
	v8 =	vld [tilespmem:s5+$0xFFFFFF50]  }
0x221: {  	v9 =	vmov s15  }
0x222: {  	v9 =	vand.u32 $0x7D, v9  }
0x223: {  	v10 =	vadd.s32 v0, v9;
	_ =	sdelay $0x1  }
0x224: {  	v8 =	vadd.f32 v8, v4;
	_ =	sdelay $0x1  }
0x225: {  	v8 =	vmax.f32 v8, $0.0e+00  }
0x226: {  	[tilespmem:v10+s23+$0x0] =	vst.idx.msk $0xffff, v8  }
0x227: {  	v8 =	vld [tilespmem:s5+$0xFFFFFF60];
	_ =	sdelay $0x2  }
0x228: {  	v10 =	vadd.s32 v1, v9;
	_ =	sdelay $0x1  }
0x229: {  	v8 =	vadd.f32 v8, v5;
	_ =	sdelay $0x1  }
0x22a: {  	v8 =	vmax.f32 v8, $0.0e+00  }
0x22b: {  	[tilespmem:v10+s23+$0x0] =	vst.idx.msk $0xffff, v8  }
0x22c: {  	v8 =	vld [tilespmem:s5+$0xFFFFFF70];
	_ =	sdelay $0x2  }
0x22d: {  	v10 =	vadd.s32 v2, v9;
	_ =	sdelay $0x1  }
0x22e: {  	v8 =	vadd.f32 v8, v6;
	_ =	sdelay $0x1  }
0x22f: {  	v8 =	vmax.f32 v8, $0.0e+00  }
0x230: {  	[tilespmem:v10+s23+$0x0] =	vst.idx.msk $0xffff, v8  }
0x231: {  	v8 =	vld [tilespmem:s5+$0xFFFFFF80];
	_ =	sdelay $0x2  }
0x232: {  	v9 =	vadd.s32 v3, v9;
	_ =	sdelay $0x1  }
0x233: {  	v8 =	vadd.f32 v8, v7;
	_ =	sdelay $0x1  }
0x234: {  	v8 =	vmax.f32 v8, $0.0e+00  }
0x235: {  	[tilespmem:v9+s23+$0x0] =	vst.idx.msk $0xffff, v8  }
0x236: {  	s26 =	simm.s32 $0x2;
	v8 =	vld [tilespmem:s5+$0xFFFFFF90]  }
0x237: {  	v9 =	vmov s26  }
0x238: {  	v9 =	vand.u32 $0x7E, v9  }
0x239: {  	v10 =	vadd.s32 v0, v9;
	_ =	sdelay $0x1  }
0x23a: {  	v8 =	vadd.f32 v8, v4;
	_ =	sdelay $0x1  }
0x23b: {  	v8 =	vmax.f32 v8, $0.0e+00  }
0x23c: {  	[tilespmem:v10+s23+$0x0] =	vst.idx.msk $0xffff, v8  }
0x23d: {  	v8 =	vld [tilespmem:s5+$0xFFFFFFA0];
	_ =	sdelay $0x2  }
0x23e: {  	v10 =	vadd.s32 v1, v9;
	_ =	sdelay $0x1  }
0x23f: {  	v8 =	vadd.f32 v8, v5;
	_ =	sdelay $0x1  }
0x240: {  	v8 =	vmax.f32 v8, $0.0e+00  }
0x241: {  	[tilespmem:v10+s23+$0x0] =	vst.idx.msk $0xffff, v8  }
0x242: {  	v8 =	vld [tilespmem:s5+$0xFFFFFFB0];
	_ =	sdelay $0x2  }
0x243: {  	v10 =	vadd.s32 v2, v9;
	_ =	sdelay $0x1  }
0x244: {  	v8 =	vadd.f32 v8, v6;
	_ =	sdelay $0x1  }
0x245: {  	v8 =	vmax.f32 v8, $0.0e+00  }
0x246: {  	[tilespmem:v10+s23+$0x0] =	vst.idx.msk $0xffff, v8  }
0x247: {  	v8 =	vld [tilespmem:s5+$0xFFFFFFC0];
	_ =	sdelay $0x2  }
0x248: {  	v9 =	vadd.s32 v3, v9;
	_ =	sdelay $0x1  }
0x249: {  	v8 =	vadd.f32 v8, v7;
	_ =	sdelay $0x1  }
0x24a: {  	v8 =	vmax.f32 v8, $0.0e+00  }
0x24b: {  	[tilespmem:v9+s23+$0x0] =	vst.idx.msk $0xffff, v8  }
0x24c: {  	s28 =	simm.s32 $0x3;
	v8 =	vld [tilespmem:s5+$0xFFFFFFD0]  }
0x24d: {  	v9 =	vmov s28  }
0x24e: {  	v9 =	vand.u32 $0x7F, v9  }
0x24f: {  	v10 =	vadd.s32 v0, v9;
	_ =	sdelay $0x1  }
0x250: {  	v8 =	vadd.f32 v8, v4;
	_ =	sdelay $0x1  }
0x251: {  	v8 =	vmax.f32 v8, $0.0e+00  }
0x252: {  	[tilespmem:v10+s23+$0x0] =	vst.idx.msk $0xffff, v8  }
0x253: {  	v8 =	vld [tilespmem:s5+$0xFFFFFFE0];
	_ =	sdelay $0x2  }
0x254: {  	v10 =	vadd.s32 v1, v9;
	_ =	sdelay $0x1  }
0x255: {  	v8 =	vadd.f32 v8, v5;
	_ =	sdelay $0x1  }
0x256: {  	v8 =	vmax.f32 v8, $0.0e+00  }
0x257: {  	[tilespmem:v10+s23+$0x0] =	vst.idx.msk $0xffff, v8  }
0x258: {  	v8 =	vld [tilespmem:s5+$0xFFFFFFF0];
	_ =	sdelay $0x2  }
0x259: {  	v10 =	vadd.s32 v2, v9;
	_ =	sdelay $0x1  }
0x25a: {  	v8 =	vadd.f32 v8, v6;
	_ =	sdelay $0x1  }
0x25b: {  	v8 =	vmax.f32 v8, $0.0e+00  }
0x25c: {  	[tilespmem:v10+s23+$0x0] =	vst.idx.msk $0xffff, v8  }
0x25d: {  	v8 =	vld [tilespmem:s5+$0x0];
	_ =	sdelay $0x4  }
0x25e: {  	v10 =	vadd.f32 v8, v7;
	v8 =	vadd.s32 v3, v9;
	_ =	sdelay $0x2  }
0x25f: {  	s6 =	simm.s32 $0x4;
	v9 =	vmax.f32 v10, $0.0e+00  }
.LBB2_11:
0x260: {  	p2 =	slt.u32 s6, $0x7C  }
0x261: {  	[tilespmem:v8+s23+$0x0] =	vst.idx.msk $0xffff, v9;
	s5 =	sadd.s32 $0x100, s5;
	s8 =	smov.u32 s6;
	s6 =	sadd.s32 $0x4, s6  }
0x262: {  	v8 =	vld [tilespmem:s5+$0xFFFFFF10]  }
0x263: {  	v9 =	vmov s8  }
0x264: {  	v9 =	vand.u32 $0x7C, v9  }
0x265: {  	v10 =	vadd.s32 v0, v9;
	_ =	sdelay $0x1  }
0x266: {  	v8 =	vadd.f32 v8, v4;
	_ =	sdelay $0x1  }
0x267: {  	v8 =	vmax.f32 v8, $0.0e+00  }
0x268: {  	[tilespmem:v10+s23+$0x0] =	vst.idx.msk $0xffff, v8  }
0x269: {  	v8 =	vld [tilespmem:s5+$0xFFFFFF20];
	_ =	sdelay $0x2  }
0x26a: {  	v10 =	vadd.s32 v1, v9;
	_ =	sdelay $0x1  }
0x26b: {  	v8 =	vadd.f32 v8, v5;
	_ =	sdelay $0x1  }
0x26c: {  	v8 =	vmax.f32 v8, $0.0e+00  }
0x26d: {  	[tilespmem:v10+s23+$0x0] =	vst.idx.msk $0xffff, v8  }
0x26e: {  	v8 =	vld [tilespmem:s5+$0xFFFFFF30];
	_ =	sdelay $0x2  }
0x26f: {  	v10 =	vadd.s32 v2, v9;
	_ =	sdelay $0x1  }
0x270: {  	v8 =	vadd.f32 v8, v6;
	_ =	sdelay $0x1  }
0x271: {  	v8 =	vmax.f32 v8, $0.0e+00  }
0x272: {  	[tilespmem:v10+s23+$0x0] =	vst.idx.msk $0xffff, v8  }
0x273: {  	v8 =	vld [tilespmem:s5+$0xFFFFFF40];
	_ =	sdelay $0x2  }
0x274: {  	v9 =	vadd.s32 v3, v9;
	_ =	sdelay $0x1  }
0x275: {  	v8 =	vadd.f32 v8, v7;
	_ =	sdelay $0x1  }
0x276: {  	v8 =	vmax.f32 v8, $0.0e+00  }
0x277: {  	[tilespmem:v9+s23+$0x0] =	vst.idx.msk $0xffff, v8  }
0x278: {  	s15 =	sadd.s32 $0x1, s8;
	v8 =	vld [tilespmem:s5+$0xFFFFFF50]  }
0x279: {  	v9 =	vmov s15  }
0x27a: {  	v9 =	vand.u32 $0x7D, v9  }
0x27b: {  	v10 =	vadd.s32 v0, v9;
	_ =	sdelay $0x1  }
0x27c: {  	v8 =	vadd.f32 v8, v4;
	_ =	sdelay $0x1  }
0x27d: {  	v8 =	vmax.f32 v8, $0.0e+00  }
0x27e: {  	[tilespmem:v10+s23+$0x0] =	vst.idx.msk $0xffff, v8  }
0x27f: {  	v8 =	vld [tilespmem:s5+$0xFFFFFF60];
	_ =	sdelay $0x2  }
0x280: {  	v10 =	vadd.s32 v1, v9;
	_ =	sdelay $0x1  }
0x281: {  	v8 =	vadd.f32 v8, v5;
	_ =	sdelay $0x1  }
0x282: {  	v8 =	vmax.f32 v8, $0.0e+00  }
0x283: {  	[tilespmem:v10+s23+$0x0] =	vst.idx.msk $0xffff, v8  }
0x284: {  	v8 =	vld [tilespmem:s5+$0xFFFFFF70];
	_ =	sdelay $0x2  }
0x285: {  	v10 =	vadd.s32 v2, v9;
	_ =	sdelay $0x1  }
0x286: {  	v8 =	vadd.f32 v8, v6;
	_ =	sdelay $0x1  }
0x287: {  	v8 =	vmax.f32 v8, $0.0e+00  }
0x288: {  	[tilespmem:v10+s23+$0x0] =	vst.idx.msk $0xffff, v8  }
0x289: {  	v8 =	vld [tilespmem:s5+$0xFFFFFF80];
	_ =	sdelay $0x2  }
0x28a: {  	v9 =	vadd.s32 v3, v9;
	_ =	sdelay $0x1  }
0x28b: {  	v8 =	vadd.f32 v8, v7;
	_ =	sdelay $0x1  }
0x28c: {  	v8 =	vmax.f32 v8, $0.0e+00  }
0x28d: {  	[tilespmem:v9+s23+$0x0] =	vst.idx.msk $0xffff, v8  }
0x28e: {  	s15 =	sadd.s32 $0x2, s8;
	v8 =	vld [tilespmem:s5+$0xFFFFFF90]  }
0x28f: {  	v9 =	vmov s15  }
0x290: {  	v9 =	vand.u32 $0x7E, v9  }
0x291: {  	v10 =	vadd.s32 v0, v9;
	_ =	sdelay $0x1  }
0x292: {  	v8 =	vadd.f32 v8, v4;
	_ =	sdelay $0x1  }
0x293: {  	v8 =	vmax.f32 v8, $0.0e+00  }
0x294: {  	[tilespmem:v10+s23+$0x0] =	vst.idx.msk $0xffff, v8  }
0x295: {  	v8 =	vld [tilespmem:s5+$0xFFFFFFA0];
	_ =	sdelay $0x2  }
0x296: {  	v10 =	vadd.s32 v1, v9;
	_ =	sdelay $0x1  }
0x297: {  	v8 =	vadd.f32 v8, v5;
	_ =	sdelay $0x1  }
0x298: {  	v8 =	vmax.f32 v8, $0.0e+00  }
0x299: {  	[tilespmem:v10+s23+$0x0] =	vst.idx.msk $0xffff, v8  }
0x29a: {  	v8 =	vld [tilespmem:s5+$0xFFFFFFB0];
	_ =	sdelay $0x2  }
0x29b: {  	v10 =	vadd.s32 v2, v9;
	_ =	sdelay $0x1  }
0x29c: {  	v8 =	vadd.f32 v8, v6;
	_ =	sdelay $0x1  }
0x29d: {  	v8 =	vmax.f32 v8, $0.0e+00  }
0x29e: {  	[tilespmem:v10+s23+$0x0] =	vst.idx.msk $0xffff, v8  }
0x29f: {  	v8 =	vld [tilespmem:s5+$0xFFFFFFC0];
	_ =	sdelay $0x2  }
0x2a0: {  	v9 =	vadd.s32 v3, v9;
	_ =	sdelay $0x1  }
0x2a1: {  	v8 =	vadd.f32 v8, v7;
	_ =	sdelay $0x1  }
0x2a2: {  	v8 =	vmax.f32 v8, $0.0e+00  }
0x2a3: {  	[tilespmem:v9+s23+$0x0] =	vst.idx.msk $0xffff, v8  }
0x2a4: {  	s8 =	sadd.s32 $0x3, s8;
	v8 =	vld [tilespmem:s5+$0xFFFFFFD0]  }
0x2a5: {  	v9 =	vmov s8  }
0x2a6: {  	v9 =	vand.u32 $0x7F, v9  }
0x2a7: {  	v10 =	vadd.s32 v0, v9;
	_ =	sdelay $0x1  }
0x2a8: {  	v8 =	vadd.f32 v8, v4;
	_ =	sdelay $0x1  }
0x2a9: {  	v8 =	vmax.f32 v8, $0.0e+00  }
0x2aa: {  	[tilespmem:v10+s23+$0x0] =	vst.idx.msk $0xffff, v8  }
0x2ab: {  	v8 =	vld [tilespmem:s5+$0xFFFFFFE0];
	_ =	sdelay $0x2  }
0x2ac: {  	v10 =	vadd.s32 v1, v9;
	_ =	sdelay $0x1  }
0x2ad: {  	v8 =	vadd.f32 v8, v5;
	_ =	sdelay $0x1  }
0x2ae: {  	v8 =	vmax.f32 v8, $0.0e+00  }
0x2af: {  	[tilespmem:v10+s23+$0x0] =	vst.idx.msk $0xffff, v8  }
0x2b0: {  	v8 =	vld [tilespmem:s5+$0xFFFFFFF0];
	_ =	sdelay $0x2  }
0x2b1: {  	v10 =	vadd.s32 v2, v9;
	_ =	sdelay $0x1  }
0x2b2: {  	v8 =	vadd.f32 v8, v6;
	_ =	sdelay $0x1  }
0x2b3: {  	v8 =	vmax.f32 v8, $0.0e+00  }
0x2b4: {  	[tilespmem:v10+s23+$0x0] =	vst.idx.msk $0xffff, v8  }
0x2b5: {  	v10 =	vld [tilespmem:s5+$0x0];
	_ =	sdelay $0x2  }
.Ltmp4:
0x2b6: {  	v8 =	vadd.s32 v3, v9;
	(pc) =	sbr.rel @p2 .LBB2_11-.Ltmp4, $3  }
0x2b7: {  	_ = 	snop  }
0x2b8: {  	v9 =	vadd.f32 v10, v7;
	_ =	sdelay $0x1  }
0x2b9: {  	v9 =	vmax.f32 v9, $0.0e+00  }
0x2ba: {  	_ = 	snop  }
0x2bb: {  	s5 =	sshll.u32 s12, $0x12  }
0x2bc: {  	s5 =	sor.u32 s7, s5  }
0x2bd: {  	s5 =	sshrl.u32 s5, $0x3  }
0x2be: {  	[tilespmem:v8+s23+$0x0] =	vst.idx.msk $0xffff, v9;
	s12 =	simm.s32 $0x12800;
	s6 =	sadd.s32 s2, s5  }
0x2bf: {  	[hbm4b:s6+s3] =	stream.linear.scatter [tilespmem:s12], [sflag:$0x7], $0x80, $0x38;
	[tilespmem:$0x19E00] =	vst v63  }
0x2c0: {  	s15 =	simm.s32 $0x12888;
	s8 =	sadd.s32 $0x10, s6  }
0x2c1: {  	[hbm4b:s8+s3] =	stream.linear.scatter [tilespmem:s15], [sflag:$0x7], $0x80, $0x38;
	[tilespmem:$0x19E00] =	vst v63  }
0x2c2: {  	s26 =	simm.s32 $0x12910;
	s5 =	simm.s32 $0x440;
	s28 =	sadd.s32 $0x20, s6  }
0x2c3: {  	[hbm4b:s28+s3] =	stream.linear.scatter [tilespmem:s26], [sflag:$0x7], $0x80, $0x38;
	[tilespmem:$0x19E00] =	vst v63  }
0x2c4: {  	s12 =	simm.s32 $0x12998;
	s15 =	sadd.s32 $0x30, s6;
	s8 =	simm.s32 $0x2200  }
0x2c5: {  	[hbm4b:s15+s3] =	stream.linear.scatter [tilespmem:s12], [sflag:$0x7], $0x80, $0x38;
	[tilespmem:$0x19E00] =	vst v63  }
0x2c6: {  	s26 =	simm.s32 $0x12A20;
	s28 =	sadd.s32 $0x40, s6;
	s12 =	simm.s32 $0x12AA8  }
0x2c7: {  	[hbm4b:s28+s3] =	stream.linear.scatter [tilespmem:s26], [sflag:$0x7], $0x80, $0x38;
	[tilespmem:$0x19E00] =	vst v63  }
0x2c8: {  	s15 =	sadd.s32 $0x50, s6;
	s26 =	simm.s32 $0x12B30;
	s28 =	sadd.s32 $0x60, s6  }
0x2c9: {  	[hbm4b:s15+s3] =	stream.linear.scatter [tilespmem:s12], [sflag:$0x7], $0x80, $0x38;
	[tilespmem:$0x19E00] =	vst v63  }
0x2ca: {  	s12 =	simm.s32 $0x12BB8;
	s15 =	sadd.s32 $0x70, s6;
	s6 =	sadd.s32 $0x1000, s6  }
0x2cb: {  	[hbm4b:s28+s3] =	stream.linear.scatter [tilespmem:s26], [sflag:$0x7], $0x80, $0x38;
	[tilespmem:$0x19E00] =	vst v63  }
.LBB2_13:
0x2cc: {  	[hbm4b:s15+s3] =	stream.linear.scatter [tilespmem:s12], [sflag:$0x7], $0x80, $0x38;
	[tilespmem:$0x19E00] =	vst v63  }
0x2cd: {  	s12 =	smov.u32 s5;
	s5 =	smov.u32 s8  }
0x2ce: {  	s26 =	sadd.s32 $0x1100, s8;
	s5 =	sshra.s32 s5, $0x2;
	s15 =	sadd.s32 $0x12800, s12  }
0x2cf: {  	[hbm4b:s6+s3] =	stream.linear.scatter [tilespmem:s15], [sflag:$0x7], $0x80, $0x38;
	[tilespmem:$0x19E00] =	vst v63  }
0x2d0: {  	p2 =	sne.s32 s8, $0x7700;
	s8 =	sadd.s32 $0x12888, s12;
	s15 =	sadd.s32 $0x10, s6  }
0x2d1: {  	[hbm4b:s15+s3] =	stream.linear.scatter [tilespmem:s8], [sflag:$0x7], $0x80, $0x38;
	[tilespmem:$0x19E00] =	vst v63  }
0x2d2: {  	s8 =	sadd.s32 $0x12910, s12;
	s15 =	sadd.s32 $0x20, s6  }
0x2d3: {  	[hbm4b:s15+s3] =	stream.linear.scatter [tilespmem:s8], [sflag:$0x7], $0x80, $0x38;
	[tilespmem:$0x19E00] =	vst v63  }
0x2d4: {  	s8 =	sadd.s32 $0x12998, s12;
	s15 =	sadd.s32 $0x30, s6  }
0x2d5: {  	[hbm4b:s15+s3] =	stream.linear.scatter [tilespmem:s8], [sflag:$0x7], $0x80, $0x38;
	[tilespmem:$0x19E00] =	vst v63  }
0x2d6: {  	s8 =	sadd.s32 $0x12A20, s12;
	s15 =	sadd.s32 $0x40, s6  }
0x2d7: {  	[hbm4b:s15+s3] =	stream.linear.scatter [tilespmem:s8], [sflag:$0x7], $0x80, $0x38;
	[tilespmem:$0x19E00] =	vst v63  }
.Ltmp5:
0x2d8: {  	s8 =	sadd.s32 $0x12AA8, s12;
	s15 =	sadd.s32 $0x50, s6;
	(pc) =	sbr.rel @p2 .LBB2_13-.Ltmp5, $4  }
0x2d9: {  	[hbm4b:s15+s3] =	stream.linear.scatter [tilespmem:s8], [sflag:$0x7], $0x80, $0x38;
	[tilespmem:$0x19E00] =	vst v63  }
0x2da: {  	s8 =	sadd.s32 $0x12B30, s12;
	s15 =	sadd.s32 $0x60, s6;
	s12 =	sadd.s32 $0x12BB8, s12  }
0x2db: {  	[hbm4b:s15+s3] =	stream.linear.scatter [tilespmem:s8], [sflag:$0x7], $0x80, $0x38;
	[tilespmem:$0x19E00] =	vst v63  }
0x2dc: {  	s15 =	sadd.s32 $0x70, s6;
	s6 =	sadd.s32 $0x1000, s6;
	s8 =	smov.u32 s26  }
0x2dd: {  	[hbm4b:s15+s3] =	stream.linear.scatter [tilespmem:s12], [sflag:$0x7], $0x80, $0x38;
	[tilespmem:$0x19E00] =	vst v63  }
0x2de: {  	s8 =	sadd.s32 $0x12800, s5  }
0x2df: {  	[hbm4b:s6+s3] =	stream.linear.scatter [tilespmem:s8], [sflag:$0x7], $0x80, $0x38;
	[tilespmem:$0x19E00] =	vst v63  }
0x2e0: {  	s26 =	sadd.s32 $0x12888, s5;
	s28 =	sadd.s32 $0x10, s6  }
0x2e1: {  	[hbm4b:s28+s3] =	stream.linear.scatter [tilespmem:s26], [sflag:$0x7], $0x80, $0x38;
	[tilespmem:$0x19E00] =	vst v63  }
0x2e2: {  	s12 =	sadd.s32 $0x12910, s5;
	s15 =	sadd.s32 $0x20, s6  }
0x2e3: {  	[hbm4b:s15+s3] =	stream.linear.scatter [tilespmem:s12], [sflag:$0x7], $0x80, $0x38;
	[tilespmem:$0x19E00] =	vst v63  }
0x2e4: {  	s26 =	sadd.s32 $0x12998, s5;
	s28 =	sadd.s32 $0x30, s6  }
0x2e5: {  	[hbm4b:s28+s3] =	stream.linear.scatter [tilespmem:s26], [sflag:$0x7], $0x80, $0x38;
	[tilespmem:$0x19E00] =	vst v63  }
0x2e6: {  	s12 =	sadd.s32 $0x12A20, s5;
	s15 =	sadd.s32 $0x40, s6  }
0x2e7: {  	[hbm4b:s15+s3] =	stream.linear.scatter [tilespmem:s12], [sflag:$0x7], $0x80, $0x38;
	[tilespmem:$0x19E00] =	vst v63  }
0x2e8: {  	s26 =	sadd.s32 $0x12AA8, s5;
	s28 =	sadd.s32 $0x50, s6;
	s15 =	sadd.s32 $0x12B30, s5  }
0x2e9: {  	[hbm4b:s28+s3] =	stream.linear.scatter [tilespmem:s26], [sflag:$0x7], $0x80, $0x38;
	[tilespmem:$0x19E00] =	vst v63  }
0x2ea: {  	s26 =	sadd.s32 $0x60, s6;
	s28 =	sadd.s32 $0x12BB8, s5;
	s5 =	sadd.s32 $0xC00, s9  }
0x2eb: {  	[hbm4b:s26+s3] =	stream.linear.scatter [tilespmem:s15], [sflag:$0x7], $0x80, $0x38;
	[tilespmem:$0x19E00] =	vst v63  }
0x2ec: {  	s8 =	sadd.s32 $0x70, s6;
	s5 =	simm.s32 @p1 $0x400  }
0x2ed: {  	[hbm4b:s8+s3] =	stream.linear.scatter [tilespmem:s28], [sflag:$0x7], $0x80, $0x38;
	[tilespmem:$0x19E00] =	vst v63  }
0x2ee: {  	s5 =	sshrl.u32 s5, $0x2  }
0x2ef: {  	[tilespmem:s16], [sflag:$0x3] =	stream.indirect.gather [hbm4b:s4+s11], $0x40, s5, s11, $0xb8;
	[tilespmem:$0x19E00] =	vst v63  }
0x2f0: {  	_ =	swait.ge [sflag:s24], $0x2000  }
0x2f1: {  	[sflag:s24] =	ssyncset.done $0x0  }
0x2f2: {  	s5 =	simm.s32 @!p0 $0x8;
	[sflag:s24] =	ssyncadd.s32 $0xFFFFE000  }
0x2f3: {  	_ =	swait.ge @!p0 [sflag:s5], $0x2000  }
0x2f4: {  	s9 =	sshll.u32 s1, $0x6;
	[sflag:s5] =	ssyncset.done @!p0 $0x0  }
0x2f5: {  	s6 =	sand.u32 $0x3FFFFFC0, s9;
	[sflag:s5] =	ssyncadd.s32 @!p0 $0xFFFFE000  }
0x2f6: {  	s5 =	simm.s32 $0xC4F0;
	v4 =	vld [tilespmem:s6+$0x16C00]  }
0x2f7: {  	s12 =	simm.s32 $0x0;
	v6 =	vld [tilespmem:s5+$0xFFFFFF10]  }
0x2f8: {  	v5 =	vmov s12  }
0x2f9: {  	v8 =	vand.u32 $0x7C, v5  }
0x2fa: {  	v9 =	vadd.s32 v0, v8;
	_ =	sdelay $0x1  }
0x2fb: {  	v10 =	vadd.f32 v6, v4  }
0x2fc: {  	v5 =	vld [tilespmem:s6+$0x16C10]  }
0x2fd: {  	v7 =	vld [tilespmem:s6+$0x16C30];
	v10 =	vmax.f32 v10, $0.0e+00  }
0x2fe: {  	v6 =	vld [tilespmem:s6+$0x16C20];
	[tilespmem:v9+s25+$0x0] =	vst.idx.msk $0xffff, v10  }
0x2ff: {  	v9 =	vld [tilespmem:s5+$0xFFFFFF20];
	_ =	sdelay $0x2  }
0x300: {  	v10 =	vadd.s32 v1, v8;
	_ =	sdelay $0x1  }
0x301: {  	v9 =	vadd.f32 v9, v5;
	_ =	sdelay $0x1  }
0x302: {  	v9 =	vmax.f32 v9, $0.0e+00  }
0x303: {  	[tilespmem:v10+s25+$0x0] =	vst.idx.msk $0xffff, v9  }
0x304: {  	v9 =	vld [tilespmem:s5+$0xFFFFFF30];
	_ =	sdelay $0x2  }
0x305: {  	v10 =	vadd.s32 v2, v8;
	_ =	sdelay $0x1  }
0x306: {  	v9 =	vadd.f32 v9, v6;
	_ =	sdelay $0x1  }
0x307: {  	v9 =	vmax.f32 v9, $0.0e+00  }
0x308: {  	[tilespmem:v10+s25+$0x0] =	vst.idx.msk $0xffff, v9  }
0x309: {  	v9 =	vld [tilespmem:s5+$0xFFFFFF40];
	_ =	sdelay $0x2  }
0x30a: {  	v8 =	vadd.s32 v3, v8;
	_ =	sdelay $0x1  }
0x30b: {  	v9 =	vadd.f32 v9, v7;
	_ =	sdelay $0x1  }
0x30c: {  	v9 =	vmax.f32 v9, $0.0e+00  }
0x30d: {  	[tilespmem:v8+s25+$0x0] =	vst.idx.msk $0xffff, v9  }
0x30e: {  	s15 =	simm.s32 $0x1;
	v8 =	vld [tilespmem:s5+$0xFFFFFF50]  }
0x30f: {  	v9 =	vmov s15  }
0x310: {  	v9 =	vand.u32 $0x7D, v9  }
0x311: {  	v10 =	vadd.s32 v0, v9;
	_ =	sdelay $0x1  }
0x312: {  	v8 =	vadd.f32 v8, v4;
	_ =	sdelay $0x1  }
0x313: {  	v8 =	vmax.f32 v8, $0.0e+00  }
0x314: {  	[tilespmem:v10+s25+$0x0] =	vst.idx.msk $0xffff, v8  }
0x315: {  	v8 =	vld [tilespmem:s5+$0xFFFFFF60];
	_ =	sdelay $0x2  }
0x316: {  	v10 =	vadd.s32 v1, v9;
	_ =	sdelay $0x1  }
0x317: {  	v8 =	vadd.f32 v8, v5;
	_ =	sdelay $0x1  }
0x318: {  	v8 =	vmax.f32 v8, $0.0e+00  }
0x319: {  	[tilespmem:v10+s25+$0x0] =	vst.idx.msk $0xffff, v8  }
0x31a: {  	v8 =	vld [tilespmem:s5+$0xFFFFFF70];
	_ =	sdelay $0x2  }
0x31b: {  	v10 =	vadd.s32 v2, v9;
	_ =	sdelay $0x1  }
0x31c: {  	v8 =	vadd.f32 v8, v6;
	_ =	sdelay $0x1  }
0x31d: {  	v8 =	vmax.f32 v8, $0.0e+00  }
0x31e: {  	[tilespmem:v10+s25+$0x0] =	vst.idx.msk $0xffff, v8  }
0x31f: {  	v8 =	vld [tilespmem:s5+$0xFFFFFF80];
	_ =	sdelay $0x2  }
0x320: {  	v9 =	vadd.s32 v3, v9;
	_ =	sdelay $0x1  }
0x321: {  	v8 =	vadd.f32 v8, v7;
	_ =	sdelay $0x1  }
0x322: {  	v8 =	vmax.f32 v8, $0.0e+00  }
0x323: {  	[tilespmem:v9+s25+$0x0] =	vst.idx.msk $0xffff, v8  }
0x324: {  	s26 =	simm.s32 $0x2;
	v8 =	vld [tilespmem:s5+$0xFFFFFF90]  }
0x325: {  	v9 =	vmov s26  }
0x326: {  	v9 =	vand.u32 $0x7E, v9  }
0x327: {  	v10 =	vadd.s32 v0, v9;
	_ =	sdelay $0x1  }
0x328: {  	v8 =	vadd.f32 v8, v4;
	_ =	sdelay $0x1  }
0x329: {  	v8 =	vmax.f32 v8, $0.0e+00  }
0x32a: {  	[tilespmem:v10+s25+$0x0] =	vst.idx.msk $0xffff, v8  }
0x32b: {  	v8 =	vld [tilespmem:s5+$0xFFFFFFA0];
	_ =	sdelay $0x2  }
0x32c: {  	v10 =	vadd.s32 v1, v9;
	_ =	sdelay $0x1  }
0x32d: {  	v8 =	vadd.f32 v8, v5;
	_ =	sdelay $0x1  }
0x32e: {  	v8 =	vmax.f32 v8, $0.0e+00  }
0x32f: {  	[tilespmem:v10+s25+$0x0] =	vst.idx.msk $0xffff, v8  }
0x330: {  	v8 =	vld [tilespmem:s5+$0xFFFFFFB0];
	_ =	sdelay $0x2  }
0x331: {  	v10 =	vadd.s32 v2, v9;
	_ =	sdelay $0x1  }
0x332: {  	v8 =	vadd.f32 v8, v6;
	_ =	sdelay $0x1  }
0x333: {  	v8 =	vmax.f32 v8, $0.0e+00  }
0x334: {  	[tilespmem:v10+s25+$0x0] =	vst.idx.msk $0xffff, v8  }
0x335: {  	v8 =	vld [tilespmem:s5+$0xFFFFFFC0];
	_ =	sdelay $0x2  }
0x336: {  	v9 =	vadd.s32 v3, v9;
	_ =	sdelay $0x1  }
0x337: {  	v8 =	vadd.f32 v8, v7;
	_ =	sdelay $0x1  }
0x338: {  	v8 =	vmax.f32 v8, $0.0e+00  }
0x339: {  	[tilespmem:v9+s25+$0x0] =	vst.idx.msk $0xffff, v8  }
0x33a: {  	s28 =	simm.s32 $0x3;
	v8 =	vld [tilespmem:s5+$0xFFFFFFD0]  }
0x33b: {  	v9 =	vmov s28  }
0x33c: {  	v9 =	vand.u32 $0x7F, v9  }
0x33d: {  	v10 =	vadd.s32 v0, v9;
	_ =	sdelay $0x1  }
0x33e: {  	v8 =	vadd.f32 v8, v4;
	_ =	sdelay $0x1  }
0x33f: {  	v8 =	vmax.f32 v8, $0.0e+00  }
0x340: {  	[tilespmem:v10+s25+$0x0] =	vst.idx.msk $0xffff, v8  }
0x341: {  	v8 =	vld [tilespmem:s5+$0xFFFFFFE0];
	_ =	sdelay $0x2  }
0x342: {  	v10 =	vadd.s32 v1, v9;
	_ =	sdelay $0x1  }
0x343: {  	v8 =	vadd.f32 v8, v5;
	_ =	sdelay $0x1  }
0x344: {  	v8 =	vmax.f32 v8, $0.0e+00  }
0x345: {  	[tilespmem:v10+s25+$0x0] =	vst.idx.msk $0xffff, v8  }
0x346: {  	v8 =	vld [tilespmem:s5+$0xFFFFFFF0];
	_ =	sdelay $0x2  }
0x347: {  	v10 =	vadd.s32 v2, v9;
	_ =	sdelay $0x1  }
0x348: {  	v8 =	vadd.f32 v8, v6;
	_ =	sdelay $0x1  }
0x349: {  	v8 =	vmax.f32 v8, $0.0e+00  }
0x34a: {  	[tilespmem:v10+s25+$0x0] =	vst.idx.msk $0xffff, v8  }
0x34b: {  	v8 =	vld [tilespmem:s5+$0x0];
	_ =	sdelay $0x4  }
0x34c: {  	v10 =	vadd.f32 v8, v7;
	v8 =	vadd.s32 v3, v9;
	_ =	sdelay $0x2  }
0x34d: {  	s6 =	simm.s32 $0x4;
	v9 =	vmax.f32 v10, $0.0e+00  }
.LBB2_15:
0x34e: {  	p0 =	slt.u32 s6, $0x7C  }
0x34f: {  	[tilespmem:v8+s25+$0x0] =	vst.idx.msk $0xffff, v9;
	s5 =	sadd.s32 $0x100, s5;
	s8 =	smov.u32 s6;
	s6 =	sadd.s32 $0x4, s6  }
0x350: {  	v8 =	vld [tilespmem:s5+$0xFFFFFF10]  }
0x351: {  	v9 =	vmov s8  }
0x352: {  	v9 =	vand.u32 $0x7C, v9  }
0x353: {  	v10 =	vadd.s32 v0, v9;
	_ =	sdelay $0x1  }
0x354: {  	v8 =	vadd.f32 v8, v4;
	_ =	sdelay $0x1  }
0x355: {  	v8 =	vmax.f32 v8, $0.0e+00  }
0x356: {  	[tilespmem:v10+s25+$0x0] =	vst.idx.msk $0xffff, v8  }
0x357: {  	v8 =	vld [tilespmem:s5+$0xFFFFFF20];
	_ =	sdelay $0x2  }
0x358: {  	v10 =	vadd.s32 v1, v9;
	_ =	sdelay $0x1  }
0x359: {  	v8 =	vadd.f32 v8, v5;
	_ =	sdelay $0x1  }
0x35a: {  	v8 =	vmax.f32 v8, $0.0e+00  }
0x35b: {  	[tilespmem:v10+s25+$0x0] =	vst.idx.msk $0xffff, v8  }
0x35c: {  	v8 =	vld [tilespmem:s5+$0xFFFFFF30];
	_ =	sdelay $0x2  }
0x35d: {  	v10 =	vadd.s32 v2, v9;
	_ =	sdelay $0x1  }
0x35e: {  	v8 =	vadd.f32 v8, v6;
	_ =	sdelay $0x1  }
0x35f: {  	v8 =	vmax.f32 v8, $0.0e+00  }
0x360: {  	[tilespmem:v10+s25+$0x0] =	vst.idx.msk $0xffff, v8  }
0x361: {  	v8 =	vld [tilespmem:s5+$0xFFFFFF40];
	_ =	sdelay $0x2  }
0x362: {  	v9 =	vadd.s32 v3, v9;
	_ =	sdelay $0x1  }
0x363: {  	v8 =	vadd.f32 v8, v7;
	_ =	sdelay $0x1  }
0x364: {  	v8 =	vmax.f32 v8, $0.0e+00  }
0x365: {  	[tilespmem:v9+s25+$0x0] =	vst.idx.msk $0xffff, v8  }
0x366: {  	s9 =	sadd.s32 $0x1, s8;
	v8 =	vld [tilespmem:s5+$0xFFFFFF50]  }
0x367: {  	v9 =	vmov s9  }
0x368: {  	v9 =	vand.u32 $0x7D, v9  }
0x369: {  	v10 =	vadd.s32 v0, v9;
	_ =	sdelay $0x1  }
0x36a: {  	v8 =	vadd.f32 v8, v4;
	_ =	sdelay $0x1  }
0x36b: {  	v8 =	vmax.f32 v8, $0.0e+00  }
0x36c: {  	[tilespmem:v10+s25+$0x0] =	vst.idx.msk $0xffff, v8  }
0x36d: {  	v8 =	vld [tilespmem:s5+$0xFFFFFF60];
	_ =	sdelay $0x2  }
0x36e: {  	v10 =	vadd.s32 v1, v9;
	_ =	sdelay $0x1  }
0x36f: {  	v8 =	vadd.f32 v8, v5;
	_ =	sdelay $0x1  }
0x370: {  	v8 =	vmax.f32 v8, $0.0e+00  }
0x371: {  	[tilespmem:v10+s25+$0x0] =	vst.idx.msk $0xffff, v8  }
0x372: {  	v8 =	vld [tilespmem:s5+$0xFFFFFF70];
	_ =	sdelay $0x2  }
0x373: {  	v10 =	vadd.s32 v2, v9;
	_ =	sdelay $0x1  }
0x374: {  	v8 =	vadd.f32 v8, v6;
	_ =	sdelay $0x1  }
0x375: {  	v8 =	vmax.f32 v8, $0.0e+00  }
0x376: {  	[tilespmem:v10+s25+$0x0] =	vst.idx.msk $0xffff, v8  }
0x377: {  	v8 =	vld [tilespmem:s5+$0xFFFFFF80];
	_ =	sdelay $0x2  }
0x378: {  	v9 =	vadd.s32 v3, v9;
	_ =	sdelay $0x1  }
0x379: {  	v8 =	vadd.f32 v8, v7;
	_ =	sdelay $0x1  }
0x37a: {  	v8 =	vmax.f32 v8, $0.0e+00  }
0x37b: {  	[tilespmem:v9+s25+$0x0] =	vst.idx.msk $0xffff, v8  }
0x37c: {  	s9 =	sadd.s32 $0x2, s8;
	v8 =	vld [tilespmem:s5+$0xFFFFFF90]  }
0x37d: {  	v9 =	vmov s9  }
0x37e: {  	v9 =	vand.u32 $0x7E, v9  }
0x37f: {  	v10 =	vadd.s32 v0, v9;
	_ =	sdelay $0x1  }
0x380: {  	v8 =	vadd.f32 v8, v4;
	_ =	sdelay $0x1  }
0x381: {  	v8 =	vmax.f32 v8, $0.0e+00  }
0x382: {  	[tilespmem:v10+s25+$0x0] =	vst.idx.msk $0xffff, v8  }
0x383: {  	v8 =	vld [tilespmem:s5+$0xFFFFFFA0];
	_ =	sdelay $0x2  }
0x384: {  	v10 =	vadd.s32 v1, v9;
	_ =	sdelay $0x1  }
0x385: {  	v8 =	vadd.f32 v8, v5;
	_ =	sdelay $0x1  }
0x386: {  	v8 =	vmax.f32 v8, $0.0e+00  }
0x387: {  	[tilespmem:v10+s25+$0x0] =	vst.idx.msk $0xffff, v8  }
0x388: {  	v8 =	vld [tilespmem:s5+$0xFFFFFFB0];
	_ =	sdelay $0x2  }
0x389: {  	v10 =	vadd.s32 v2, v9;
	_ =	sdelay $0x1  }
0x38a: {  	v8 =	vadd.f32 v8, v6;
	_ =	sdelay $0x1  }
0x38b: {  	v8 =	vmax.f32 v8, $0.0e+00  }
0x38c: {  	[tilespmem:v10+s25+$0x0] =	vst.idx.msk $0xffff, v8  }
0x38d: {  	v8 =	vld [tilespmem:s5+$0xFFFFFFC0];
	_ =	sdelay $0x2  }
0x38e: {  	v9 =	vadd.s32 v3, v9;
	_ =	sdelay $0x1  }
0x38f: {  	v8 =	vadd.f32 v8, v7;
	_ =	sdelay $0x1  }
0x390: {  	v8 =	vmax.f32 v8, $0.0e+00  }
0x391: {  	[tilespmem:v9+s25+$0x0] =	vst.idx.msk $0xffff, v8  }
0x392: {  	s8 =	sadd.s32 $0x3, s8;
	v8 =	vld [tilespmem:s5+$0xFFFFFFD0]  }
0x393: {  	v9 =	vmov s8  }
0x394: {  	v9 =	vand.u32 $0x7F, v9  }
0x395: {  	v10 =	vadd.s32 v0, v9;
	_ =	sdelay $0x1  }
0x396: {  	v8 =	vadd.f32 v8, v4;
	_ =	sdelay $0x1  }
0x397: {  	v8 =	vmax.f32 v8, $0.0e+00  }
0x398: {  	[tilespmem:v10+s25+$0x0] =	vst.idx.msk $0xffff, v8  }
0x399: {  	v8 =	vld [tilespmem:s5+$0xFFFFFFE0];
	_ =	sdelay $0x2  }
0x39a: {  	v10 =	vadd.s32 v1, v9;
	_ =	sdelay $0x1  }
0x39b: {  	v8 =	vadd.f32 v8, v5;
	_ =	sdelay $0x1  }
0x39c: {  	v8 =	vmax.f32 v8, $0.0e+00  }
0x39d: {  	[tilespmem:v10+s25+$0x0] =	vst.idx.msk $0xffff, v8  }
0x39e: {  	v8 =	vld [tilespmem:s5+$0xFFFFFFF0];
	_ =	sdelay $0x2  }
0x39f: {  	v10 =	vadd.s32 v2, v9;
	_ =	sdelay $0x1  }
0x3a0: {  	v8 =	vadd.f32 v8, v6;
	_ =	sdelay $0x1  }
0x3a1: {  	v8 =	vmax.f32 v8, $0.0e+00  }
0x3a2: {  	[tilespmem:v10+s25+$0x0] =	vst.idx.msk $0xffff, v8  }
0x3a3: {  	v10 =	vld [tilespmem:s5+$0x0];
	_ =	sdelay $0x2  }
.Ltmp6:
0x3a4: {  	v8 =	vadd.s32 v3, v9;
	(pc) =	sbr.rel @p0 .LBB2_15-.Ltmp6, $3  }
0x3a5: {  	_ = 	snop  }
0x3a6: {  	v9 =	vadd.f32 v10, v7;
	_ =	sdelay $0x1  }
0x3a7: {  	v9 =	vmax.f32 v9, $0.0e+00  }
0x3a8: {  	_ = 	snop  }
0x3a9: {  	s1 =	sshll.u32 s1, $0x12  }
0x3aa: {  	s1 =	sor.u32 s7, s1  }
0x3ab: {  	s1 =	sshrl.u32 s1, $0x3  }
0x3ac: {  	[tilespmem:v8+s25+$0x0] =	vst.idx.msk $0xffff, v9;
	s8 =	simm.s32 $0x14A00;
	s5 =	sadd.s32 s2, s1  }
0x3ad: {  	[hbm4b:s5+s3] =	stream.linear.scatter [tilespmem:s8], [sflag:$0x8], $0x80, $0x38;
	[tilespmem:$0x19E00] =	vst v63  }
0x3ae: {  	s9 =	simm.s32 $0x14A88;
	s6 =	sadd.s32 $0x10, s5  }
0x3af: {  	[hbm4b:s6+s3] =	stream.linear.scatter [tilespmem:s9], [sflag:$0x8], $0x80, $0x38;
	[tilespmem:$0x19E00] =	vst v63  }
0x3b0: {  	s12 =	simm.s32 $0x14B10;
	s26 =	simm.s32 $0x14B98;
	s15 =	sadd.s32 $0x20, s5  }
0x3b1: {  	[hbm4b:s15+s3] =	stream.linear.scatter [tilespmem:s12], [sflag:$0x8], $0x80, $0x38;
	[tilespmem:$0x19E00] =	vst v63  }
0x3b2: {  	s1 =	simm.s32 $0x440;
	s28 =	sadd.s32 $0x30, s5;
	s8 =	simm.s32 $0x14C20  }
0x3b3: {  	[hbm4b:s28+s3] =	stream.linear.scatter [tilespmem:s26], [sflag:$0x8], $0x80, $0x38;
	[tilespmem:$0x19E00] =	vst v63  }
0x3b4: {  	s9 =	sadd.s32 $0x40, s5;
	s6 =	simm.s32 $0x2200;
	s12 =	simm.s32 $0x14CA8  }
0x3b5: {  	[hbm4b:s9+s3] =	stream.linear.scatter [tilespmem:s8], [sflag:$0x8], $0x80, $0x38;
	[tilespmem:$0x19E00] =	vst v63  }
0x3b6: {  	s15 =	sadd.s32 $0x50, s5;
	s26 =	simm.s32 $0x14D30;
	s28 =	sadd.s32 $0x60, s5  }
0x3b7: {  	[hbm4b:s15+s3] =	stream.linear.scatter [tilespmem:s12], [sflag:$0x8], $0x80, $0x38;
	[tilespmem:$0x19E00] =	vst v63  }
0x3b8: {  	s8 =	simm.s32 $0x14DB8;
	s9 =	sadd.s32 $0x70, s5;
	s5 =	sadd.s32 $0x1000, s5  }
0x3b9: {  	[hbm4b:s28+s3] =	stream.linear.scatter [tilespmem:s26], [sflag:$0x8], $0x80, $0x38;
	[tilespmem:$0x19E00] =	vst v63  }
.LBB2_17:
0x3ba: {  	[hbm4b:s9+s3] =	stream.linear.scatter [tilespmem:s8], [sflag:$0x8], $0x80, $0x38;
	[tilespmem:$0x19E00] =	vst v63  }
0x3bb: {  	s8 =	smov.u32 s1;
	s1 =	smov.u32 s6  }
0x3bc: {  	s12 =	sadd.s32 $0x1100, s6;
	s1 =	sshra.s32 s1, $0x2;
	s9 =	sadd.s32 $0x14A00, s8  }
0x3bd: {  	[hbm4b:s5+s3] =	stream.linear.scatter [tilespmem:s9], [sflag:$0x8], $0x80, $0x38;
	[tilespmem:$0x19E00] =	vst v63  }
0x3be: {  	p0 =	sne.s32 s6, $0x7700;
	s6 =	sadd.s32 $0x14A88, s8;
	s9 =	sadd.s32 $0x10, s5  }
0x3bf: {  	[hbm4b:s9+s3] =	stream.linear.scatter [tilespmem:s6], [sflag:$0x8], $0x80, $0x38;
	[tilespmem:$0x19E00] =	vst v63  }
0x3c0: {  	s6 =	sadd.s32 $0x14B10, s8;
	s9 =	sadd.s32 $0x20, s5  }
0x3c1: {  	[hbm4b:s9+s3] =	stream.linear.scatter [tilespmem:s6], [sflag:$0x8], $0x80, $0x38;
	[tilespmem:$0x19E00] =	vst v63  }
0x3c2: {  	s6 =	sadd.s32 $0x14B98, s8;
	s9 =	sadd.s32 $0x30, s5  }
0x3c3: {  	[hbm4b:s9+s3] =	stream.linear.scatter [tilespmem:s6], [sflag:$0x8], $0x80, $0x38;
	[tilespmem:$0x19E00] =	vst v63  }
0x3c4: {  	s6 =	sadd.s32 $0x14C20, s8;
	s9 =	sadd.s32 $0x40, s5  }
0x3c5: {  	[hbm4b:s9+s3] =	stream.linear.scatter [tilespmem:s6], [sflag:$0x8], $0x80, $0x38;
	[tilespmem:$0x19E00] =	vst v63  }
.Ltmp7:
0x3c6: {  	s6 =	sadd.s32 $0x14CA8, s8;
	s9 =	sadd.s32 $0x50, s5;
	(pc) =	sbr.rel @p0 .LBB2_17-.Ltmp7, $4  }
0x3c7: {  	[hbm4b:s9+s3] =	stream.linear.scatter [tilespmem:s6], [sflag:$0x8], $0x80, $0x38;
	[tilespmem:$0x19E00] =	vst v63  }
0x3c8: {  	s6 =	sadd.s32 $0x14D30, s8;
	s9 =	sadd.s32 $0x60, s5;
	s8 =	sadd.s32 $0x14DB8, s8  }
0x3c9: {  	[hbm4b:s9+s3] =	stream.linear.scatter [tilespmem:s6], [sflag:$0x8], $0x80, $0x38;
	[tilespmem:$0x19E00] =	vst v63  }
0x3ca: {  	s9 =	sadd.s32 $0x70, s5;
	s5 =	sadd.s32 $0x1000, s5;
	s6 =	smov.u32 s12  }
0x3cb: {  	[hbm4b:s9+s3] =	stream.linear.scatter [tilespmem:s8], [sflag:$0x8], $0x80, $0x38;
	[tilespmem:$0x19E00] =	vst v63  }
0x3cc: {  	s6 =	sadd.s32 $0x14A00, s1  }
0x3cd: {  	[hbm4b:s5+s3] =	stream.linear.scatter [tilespmem:s6], [sflag:$0x8], $0x80, $0x38;
	[tilespmem:$0x19E00] =	vst v63  }
0x3ce: {  	s26 =	sadd.s32 $0x14A88, s1;
	s28 =	sadd.s32 $0x10, s5  }
0x3cf: {  	[hbm4b:s28+s3] =	stream.linear.scatter [tilespmem:s26], [sflag:$0x8], $0x80, $0x38;
	[tilespmem:$0x19E00] =	vst v63  }
0x3d0: {  	s8 =	sadd.s32 $0x14B10, s1;
	s9 =	sadd.s32 $0x20, s5  }
0x3d1: {  	[hbm4b:s9+s3] =	stream.linear.scatter [tilespmem:s8], [sflag:$0x8], $0x80, $0x38;
	[tilespmem:$0x19E00] =	vst v63  }
0x3d2: {  	s12 =	sadd.s32 $0x14B98, s1;
	s15 =	sadd.s32 $0x30, s5  }
0x3d3: {  	[hbm4b:s15+s3] =	stream.linear.scatter [tilespmem:s12], [sflag:$0x8], $0x80, $0x38;
	[tilespmem:$0x19E00] =	vst v63  }
0x3d4: {  	s0 =	sadd.s32 $0x1, s0;
	s26 =	sadd.s32 $0x14C20, s1;
	s28 =	sadd.s32 $0x40, s5  }
0x3d5: {  	[hbm4b:s28+s3] =	stream.linear.scatter [tilespmem:s26], [sflag:$0x8], $0x80, $0x38;
	[tilespmem:$0x19E00] =	vst v63  }
0x3d6: {  	p0 =	sne.s32 s0, $0x32;
	s8 =	sadd.s32 $0x14CA8, s1;
	s9 =	sadd.s32 $0x50, s5  }
0x3d7: {  	[hbm4b:s9+s3] =	stream.linear.scatter [tilespmem:s8], [sflag:$0x8], $0x80, $0x38;
	[tilespmem:$0x19E00] =	vst v63  }
.Ltmp8:
0x3d8: {  	_ = 	snop;
	(pc) =	sbr.rel @p0 .LBB2_2-.Ltmp8, $4  }
0x3d9: {  	s12 =	sadd.s32 $0x14D30, s1;
	s15 =	sadd.s32 $0x60, s5  }
0x3da: {  	[hbm4b:s15+s3] =	stream.linear.scatter [tilespmem:s12], [sflag:$0x8], $0x80, $0x38;
	[tilespmem:$0x19E00] =	vst v63  }
0x3db: {  	s26 =	sadd.s32 $0x14DB8, s1;
	s28 =	sadd.s32 $0x70, s5  }
0x3dc: {  	[hbm4b:s28+s3] =	stream.linear.scatter [tilespmem:s26], [sflag:$0x8], $0x80, $0x38;
	[tilespmem:$0x19E00] =	vst v63  }
0x3dd: {  	_ =	swait.ge [sflag:s18], $0x2000  }
0x3de: {  	[sflag:s18] =	ssyncset.done $0x0  }
0x3df: {  	[sflag:s18] =	ssyncadd.s32 $0xFFFFE000  }
0x3e0: {  	_ =	swait.ge [sflag:s20], $0x2000  }
0x3e1: {  	[sflag:s20] =	ssyncset.done $0x0  }
0x3e2: {  	[sflag:s20] =	ssyncadd.s32 $0xFFFFE000  }
0x3e3: {  	_ =	swait.ge [sflag:s22], $0x2000  }
0x3e4: {  	[sflag:s22] =	ssyncset.done $0x0  }
0x3e5: {  	s0 =	simm.s32 $0x5;
	[sflag:s22] =	ssyncadd.s32 $0xFFFFE000  }
0x3e6: {  	_ =	swait.ge [sflag:s0], $0x2000  }
0x3e7: {  	[sflag:s0] =	ssyncset.done $0x0  }
0x3e8: {  	s26 =	simm.s32 $0x6;
	[sflag:s0] =	ssyncadd.s32 $0xFFFFE000  }
0x3e9: {  	_ =	swait.ge [sflag:s26], $0x2000  }
0x3ea: {  	[sflag:s26] =	ssyncset.done $0x0  }
0x3eb: {  	[sflag:s26] =	ssyncadd.s32 $0xFFFFE000  }
0x3ec: {  	_ =	swait.ge [sflag:s29], $0x2000  }
0x3ed: {  	[sflag:s29] =	ssyncset.done $0x0  }
0x3ee: {  	[sflag:s29] =	ssyncadd.s32 $0xFFFFE000  }
0x3ef: {  	_ =	swait.ge [sflag:s30], $0x2000  }
0x3f0: {  	s31 =	sadd.s32 $0x1, s31;
	s28 =	rddreg [dreg:$0x5]  }
0x3f1: {  	p0 =	sne.s32 s31, s28  }
.Ltmp9:
0x3f2: {  	_ = 	snop;
	(pc) =	sbr.rel @p0 .LBB2_1-.Ltmp9, $3  }
0x3f3: {  	_ =	sdelay $0x1  }
0x3f4: {  	[sflag:s30] =	ssyncset.done $0x0  }
0x3f5: {  	[sflag:s30] =	ssyncadd.s32 $0xFFFFE000  }
0x3f6: {  	_ =	sfence.sel $0x180000  }
0x3f7: {  	[bflag:$0x0] =	sbarrier.arrive $0xFFFF  }
0x3f8: {  	_ =	strace $0x90000047  }
0x3f9: {  	s0 =	stileid.u32;
	[bflag:$0x2] =	sbarrier.arrive $0xFFFF  }
0x3fa: {  	p0 =	sne.s32 s0, $0x0;
	s0 =	rddreg [dreg:$0x2]  }
0x3fb: {  	s0 =	sadd.s32 @!p0 $0x100000, s0  }
0x3fc: {  	[sflag:s0] =	ssyncadd.tile.s32 @!p0 $0x1;
	_ =	shalt  }
.Lfunc_end2:
_tile_overlayer_lowered:
.L_overlay_start_2:
0x3fd: {  	(tag) =	ssettag $0x2  }
0x3fe: {  	s0 =	rddreg [dreg:$0x0];
	s2 =	stileid.u32  }
0x3ff: {  	s1 =	rddreg [dreg:$0x1];
	p0 =	sne.s32 s2, $0x0  }
0x400: {  	s3 =	rddreg [dreg:$0x2];
	[bflag:$0x3] =	sbarrier.arrive $0xFFFF;
	s2 =	simm.s32 @!p0 $0x1C09  }
0x401: {  	[timem:s3], [sflag:s2] =	dma.local @!p0 [hbm:s0], s1  }
0x402: {  	s0 =	simm.s32 @!p0 $0x9  }
0x403: {  	_ =	swait.ge @!p0 [sflag:s0], s1  }
0x404: {  	s1 =	ssub.s32 @!p0 $0x0, s1;
	[sflag:s0] =	ssyncset.done @!p0 $0x0  }
0x405: {  	[sflag:s0] =	ssyncadd.s32 @!p0 s1  }
0x406: {  	[bflag:$0x3] =	sbarrier.arrive $0xFFFF  }
0x407: {  	_ =	shalt  }

</sc_bundles>
